<compile_context>
chip_gen: v7x
topology: tpu7x:2x2x1
jax: 0.10.2.dev20260603
libtpu: 0.0.44.dev20260713+nightly
codegen_flags: <defaults>
</compile_context>

<pallas_src>
import functools

import jax
import jax.numpy as jnp
from jax import lax
from jax.experimental import pallas as pl
from jax.experimental.pallas import tpu as pltpu
from jax.experimental.pallas import tpu_sc as plsc

N_VOCAB = 100000
D_MODEL = 768
BOS = 0

NC = 2
NS = 16
NW = NC * NS

B = 4
T = 8193
CHUNK = 32
NBUF = 5
W_PER_B = NW // B
PER_W = 8192 // W_PER_B
CHUNKS_W = PER_W // CHUNK
T_PAD = T - 1 + CHUNK

_mesh = plsc.VectorSubcoreMesh(core_axis_name="c", subcore_axis_name="s")


@functools.partial(
    pl.kernel,
    out_type=jax.ShapeDtypeStruct((B, T, D_MODEL), jnp.float32),
    mesh=_mesh,
    scratch_types=[
        pltpu.VMEM((CHUNKS_W + 1, CHUNK), jnp.int32),
        [pltpu.VMEM((CHUNK, D_MODEL), jnp.float32) for _ in range(NBUF)],
        [pltpu.SemaphoreType.DMA for _ in range(NBUF)],
        [pltpu.SemaphoreType.DMA for _ in range(NBUF)],
    ],
)
def _gather_kernel(ids_hbm, table_hbm, out_hbm, idx_v, bufs, gsems, wsems):
    wid = lax.axis_index("s") * NC + lax.axis_index("c")
    b = wid // W_PER_B
    lane = wid % W_PER_B

    pltpu.sync_copy(ids_hbm.at[b, pl.ds(lane * CHUNKS_W, CHUNKS_W)],
                    idx_v.at[pl.ds(0, CHUNKS_W)])

    def gather(j):
        return pltpu.async_copy(table_hbm.at[idx_v.at[j]], bufs[j % NBUF],
                                gsems[j % NBUF])

    def write(j):
        return pltpu.async_copy(
            bufs[j % NBUF],
            out_hbm.at[b, pl.ds(lane * PER_W + j * CHUNK, CHUNK)],
            wsems[j % NBUF])

    gathers = [None] * CHUNKS_W
    writes = [None] * CHUNKS_W
    for j in range(3):
        gathers[j] = gather(j)
    for j in range(CHUNKS_W):
        if j + 3 < CHUNKS_W:
            if j >= 2:
                writes[j - 2].wait()
            gathers[j + 3] = gather(j + 3)
        gathers[j].wait()
        writes[j] = write(j)
    for j in range(CHUNKS_W - 5, CHUNKS_W):
        writes[j].wait()

    @pl.when(lane == W_PER_B - 1)
    def _tail():
        pltpu.sync_copy(ids_hbm.at[b, pl.ds(T_PAD // CHUNK - 1, 1)],
                        idx_v.at[pl.ds(CHUNKS_W, 1)])
        pltpu.async_copy(table_hbm.at[idx_v.at[CHUNKS_W]], bufs[0],
                         gsems[0]).wait()
        pltpu.sync_copy(bufs[0].at[pl.ds(0, 1)],
                        out_hbm.at[b, pl.ds(W_PER_B * PER_W, 1)])


def kernel(input_ids, embedding):
    ids = jnp.pad(input_ids.astype(jnp.int32), ((0, 0), (1, 0)),
                  constant_values=BOS)
    ids = jnp.pad(ids, ((0, 0), (0, T_PAD - T)), constant_values=0)
    return _gather_kernel(ids.reshape(B, T_PAD // CHUNK, CHUNK), embedding)

# --- scband reference (transcript-rebuilt; emitter-appended) ---
"""Pipeline reference for scband-text-input-6270652252805 (READ-ONLY COPY).

The authoritative reference and input builder live on the scoring server;
editing this copy changes nothing except your own understanding.
"""

import jax, jax.numpy as jnp
import numpy as np

N_VOCAB = 100000
D_MODEL = 768
BOS = 0


def setup_inputs(seed: int = 0) -> dict:
    key = jax.random.key(seed)
    k_ids, k_emb = jax.random.split(key)
    input_ids = jax.random.randint(k_ids, (4, 8192), 0, N_VOCAB, dtype=jnp.int64 if jax.config.jax_enable_x64 else jnp.int32)
    embedding = jax.random.normal(k_emb, (N_VOCAB, D_MODEL), dtype=jnp.float32)
    return {"input_ids": input_ids, "embedding": embedding}


def reference(input_ids, embedding):
    # pad(input_ids, (1, 0), 'constant', bos) -> prepend BOS token along last dim
    padded_input_ids = jnp.pad(input_ids, ((0, 0), (1, 0)), mode="constant", constant_values=BOS)
    # Embedding lookup (gather rows from the table)
    x = jnp.take(embedding, padded_input_ids, axis=0)
    return x

if __name__ == "__main__":
    import jax
    _d = setup_inputs()
    print(jax.jit(kernel)(*tuple(_d.values())))

</pallas_src>

<mosaic_0001>
#map = affine_map<(d0, d1) -> (0, 0, 0)>
#map1 = affine_map<(d0, d1) -> (0, 0)>
module attributes {stable_mosaic.version = 14 : i64} {
  func.func @_gather_kernel(%arg0: i32, %arg1: i32, %arg2: memref<4x257x32xi32, #tpu.memory_space<hbm>>, %arg3: memref<100000x768xf32, #tpu.memory_space<hbm>>, %arg4: memref<4x8193x768xf32, #tpu.memory_space<hbm>>, %arg5: memref<33x32xi32, #tpu.memory_space<vmem>>, %arg6: memref<32x768xf32, #tpu.memory_space<vmem>>, %arg7: memref<32x768xf32, #tpu.memory_space<vmem>>, %arg8: memref<32x768xf32, #tpu.memory_space<vmem>>, %arg9: memref<32x768xf32, #tpu.memory_space<vmem>>, %arg10: memref<32x768xf32, #tpu.memory_space<vmem>>, %arg11: memref<!tpu.dma_semaphore, #tpu.memory_space<semaphore_mem>>, %arg12: memref<!tpu.dma_semaphore, #tpu.memory_space<semaphore_mem>>, %arg13: memref<!tpu.dma_semaphore, #tpu.memory_space<semaphore_mem>>, %arg14: memref<!tpu.dma_semaphore, #tpu.memory_space<semaphore_mem>>, %arg15: memref<!tpu.dma_semaphore, #tpu.memory_space<semaphore_mem>>, %arg16: memref<!tpu.dma_semaphore, #tpu.memory_space<semaphore_mem>>, %arg17: memref<!tpu.dma_semaphore, #tpu.memory_space<semaphore_mem>>, %arg18: memref<!tpu.dma_semaphore, #tpu.memory_space<semaphore_mem>>, %arg19: memref<!tpu.dma_semaphore, #tpu.memory_space<semaphore_mem>>, %arg20: memref<!tpu.dma_semaphore, #tpu.memory_space<semaphore_mem>>) attributes {dimension_semantics = [#tpu.dimension_semantics<core_parallel>, #tpu.dimension_semantics<subcore_parallel>], iteration_bounds = array<i64: 2, 16>, scalar_prefetch = 0 : i64, scratch_operands = 16 : i64, tpu.core_type = #tpu.core_type<sc_vector_subcore>, window_params = [{transform_indices = #map}, {transform_indices = #map1}, {transform_indices = #map}]} {
    %mul3A = arith.constant 2 : i32
    %mul3A_0 = arith.muli %arg1, %mul3A : i32
    %add3A = arith.addi %mul3A_0, %arg0 : i32
    %jit3A = arith.constant 8 : i32
    %div3A = arith.divsi %add3A, %jit3A : i32
    %sign3A = arith.constant 0 : i32
    %sign3A_1 = arith.cmpi sgt, %add3A, %sign3A : i32
    %sign3A_2 = arith.extui %sign3A_1 : i1 to i32
    %sign3A_3 = arith.constant 0 : i32
    %sign3A_4 = arith.cmpi slt, %add3A, %sign3A_3 : i32
    %sign3A_5 = arith.extui %sign3A_4 : i1 to i32
    %sign3A_6 = arith.subi %sign3A_2, %sign3A_5 : i32
    %sign3A_7 = arith.constant 0 : i32
    %sign3A_8 = arith.cmpi sgt, %jit3A, %sign3A_7 : i32
    %sign3A_9 = arith.extui %sign3A_8 : i1 to i32
    %sign3A_10 = arith.constant 0 : i32
    %sign3A_11 = arith.cmpi slt, %jit3A, %sign3A_10 : i32
    %sign3A_12 = arith.extui %sign3A_11 : i1 to i32
    %sign3A_13 = arith.subi %sign3A_9, %sign3A_12 : i32
    %ne3A = arith.cmpi ne, %sign3A_6, %sign3A_13 : i32
    %rem3A = arith.remsi %add3A, %jit3A : i32
    %ne3A_14 = arith.constant 0 : i32
    %ne3A_15 = arith.cmpi ne, %rem3A, %ne3A_14 : i32
    %and3A = arith.andi %ne3A, %ne3A_15 : i1
    %sub3A = arith.constant 1 : i32
    %sub3A_16 = arith.subi %div3A, %sub3A : i32
    %select_n3A = arith.select %and3A, %sub3A_16, %div3A : i32
    %jit3A_17 = arith.constant 8 : i32
    %eq3A = arith.constant 0 : i32
    %eq3A_18 = arith.cmpi eq, %jit3A_17, %eq3A : i32
    %jit3A_19 = arith.constant 1 : i32
    %select_n3A_20 = arith.select %eq3A_18, %jit3A_19, %jit3A_17 : i32
    %rem3A_21 = arith.remsi %add3A, %select_n3A_20 : i32
    %ne3A_22 = arith.constant 0 : i32
    %ne3A_23 = arith.cmpi ne, %rem3A_21, %ne3A_22 : i32
    %lt3A = arith.constant 0 : i32
    %lt3A_24 = arith.cmpi slt, %rem3A_21, %lt3A : i32
    %lt3A_25 = arith.constant 0 : i32
    %lt3A_26 = arith.cmpi slt, %select_n3A_20, %lt3A_25 : i32
    %ne3A_27 = arith.xori %lt3A_24, %lt3A_26 : i1
    %and3A_28 = arith.andi %ne3A_27, %ne3A_23 : i1
    %add3A_29 = arith.addi %rem3A_21, %select_n3A_20 : i32
    %select_n3A_30 = arith.select %and3A_28, %add3A_29, %rem3A_21 : i32
    %mul3A_31 = arith.constant 32 : i32
    %mul3A_32 = arith.muli %select_n3A_30, %mul3A_31 : i32
    "tpu.region"() ({
      %run_scoped3A = tpu.sem_alloc : memref<!tpu.dma_semaphore, #tpu.memory_space<semaphore_mem>>
      %dma_start3A_994 = arith.constant 0 : i32
      %dma_start3A_995 = arith.constant 0 : i32
      %dma_start3A_996 = tpu.memref_slice %arg5[%dma_start3A_994, %dma_start3A_995] : memref<33x32xi32, #tpu.memory_space<vmem>> -> memref<32x32xi32, #tpu.memory_space<vmem>>
      %dma_start3A_997 = arith.constant 0 : i32
      %dma_start3A_998 = tpu.memref_slice %arg2[%select_n3A, %mul3A_32, %dma_start3A_997] : memref<4x257x32xi32, #tpu.memory_space<hbm>> -> memref<1x32x32xi32, #tpu.memory_space<hbm>>
      %dma_start3A_999 = tpu.memref_squeeze %dma_start3A_998 : memref<1x32x32xi32, #tpu.memory_space<hbm>> -> memref<32x32xi32, #tpu.memory_space<hbm>>
      %dma_start3A_1000 = arith.constant 0 : i32
      %dma_start3A_1001 = arith.constant 0 : i32
      %dma_start3A_1002 = tpu.memref_slice %arg5[%dma_start3A_1000, %dma_start3A_1001] : memref<33x32xi32, #tpu.memory_space<vmem>> -> memref<32x32xi32, #tpu.memory_space<vmem>>
      %dma_start3A_1003 = arith.constant 0 : i32
      %dma_start3A_1004 = tpu.memref_slice %arg2[%select_n3A, %mul3A_32, %dma_start3A_1003] : memref<4x257x32xi32, #tpu.memory_space<hbm>> -> memref<1x32x32xi32, #tpu.memory_space<hbm>>
      %dma_start3A_1005 = tpu.memref_squeeze %dma_start3A_1004 : memref<1x32x32xi32, #tpu.memory_space<hbm>> -> memref<32x32xi32, #tpu.memory_space<hbm>>
      tpu.enqueue_dma source(%dma_start3A_1005 : memref<32x32xi32, #tpu.memory_space<hbm>>) target(%dma_start3A_1002 : memref<32x32xi32, #tpu.memory_space<vmem>>) target_semaphore(%run_scoped3A : memref<!tpu.dma_semaphore, #tpu.memory_space<semaphore_mem>>)
      %dma_wait3A_1006 = arith.constant 0 : i32
      %dma_wait3A_1007 = arith.constant 0 : i32
      %dma_wait3A_1008 = tpu.memref_slice %arg5[%dma_wait3A_1006, %dma_wait3A_1007] : memref<33x32xi32, #tpu.memory_space<vmem>> -> memref<32x32xi32, #tpu.memory_space<vmem>>
      %dma_wait3A_1009 = arith.constant 0 : i32
      %dma_wait3A_1010 = tpu.memref_slice %arg2[%select_n3A, %mul3A_32, %dma_wait3A_1009] : memref<4x257x32xi32, #tpu.memory_space<hbm>> -> memref<1x32x32xi32, #tpu.memory_space<hbm>>
      %dma_wait3A_1011 = tpu.memref_squeeze %dma_wait3A_1010 : memref<1x32x32xi32, #tpu.memory_space<hbm>> -> memref<32x32xi32, #tpu.memory_space<hbm>>
      %dma_wait3A_1012 = arith.constant 0 : i32
      %dma_wait3A_1013 = arith.constant 0 : i32
      %dma_wait3A_1014 = tpu.memref_slice %arg5[%dma_wait3A_1012, %dma_wait3A_1013] : memref<33x32xi32, #tpu.memory_space<vmem>> -> memref<32x32xi32, #tpu.memory_space<vmem>>
      %dma_wait3A_1015 = arith.constant 0 : i32
      %dma_wait3A_1016 = tpu.memref_slice %arg2[%select_n3A, %mul3A_32, %dma_wait3A_1015] : memref<4x257x32xi32, #tpu.memory_space<hbm>> -> memref<1x32x32xi32, #tpu.memory_space<hbm>>
      %dma_wait3A_1017 = tpu.memref_squeeze %dma_wait3A_1016 : memref<1x32x32xi32, #tpu.memory_space<hbm>> -> memref<32x32xi32, #tpu.memory_space<hbm>>
      tpu.wait_dma2 semaphore(%run_scoped3A : memref<!tpu.dma_semaphore, #tpu.memory_space<semaphore_mem>>) src(%dma_wait3A_1017 : memref<32x32xi32, #tpu.memory_space<hbm>>) dst(%dma_wait3A_1014 : memref<32x32xi32, #tpu.memory_space<vmem>>)
      tpu.yield
    }) : () -> ()
    %dma_start3A = arith.constant 0 : i32
    %dma_start3A_33 = arith.constant 0 : i32
    %dma_start3A_34 = tpu.memref_slice %arg5[%dma_start3A, %dma_start3A_33] : memref<33x32xi32, #tpu.memory_space<vmem>> -> memref<1x32xi32, #tpu.memory_space<vmem>>
    %dma_start3A_35 = tpu.memref_squeeze %dma_start3A_34 : memref<1x32xi32, #tpu.memory_space<vmem>> -> memref<32xi32, #tpu.memory_space<vmem>>
    %dma_start3A_36 = arith.constant 0 : i32
    %dma_start3A_37 = arith.constant 0 : i32
    %dma_start3A_38 = tpu.memref_slice %arg3[%dma_start3A_36, %dma_start3A_37] : memref<100000x768xf32, #tpu.memory_space<hbm>> -> memref<100000x768xf32, #tpu.memory_space<hbm>>
    tpu.enqueue_indirect_dma source(%dma_start3A_38 : memref<100000x768xf32, #tpu.memory_space<hbm>>) target(%arg6 : memref<32x768xf32, #tpu.memory_space<vmem>>) offsets(%dma_start3A_35 : memref<32xi32, #tpu.memory_space<vmem>>) semaphore(%arg11 : memref<!tpu.dma_semaphore, #tpu.memory_space<semaphore_mem>>)
    %dma_start3A_39 = arith.constant 1 : i32
    %dma_start3A_40 = arith.constant 0 : i32
    %dma_start3A_41 = tpu.memref_slice %arg5[%dma_start3A_39, %dma_start3A_40] : memref<33x32xi32, #tpu.memory_space<vmem>> -> memref<1x32xi32, #tpu.memory_space<vmem>>
    %dma_start3A_42 = tpu.memref_squeeze %dma_start3A_41 : memref<1x32xi32, #tpu.memory_space<vmem>> -> memref<32xi32, #tpu.memory_space<vmem>>
    %dma_start3A_43 = arith.constant 0 : i32
    %dma_start3A_44 = arith.constant 0 : i32
    %dma_start3A_45 = tpu.memref_slice %arg3[%dma_start3A_43, %dma_start3A_44] : memref<100000x768xf32, #tpu.memory_space<hbm>> -> memref<100000x768xf32, #tpu.memory_space<hbm>>
    tpu.enqueue_indirect_dma source(%dma_start3A_45 : memref<100000x768xf32, #tpu.memory_space<hbm>>) target(%arg7 : memref<32x768xf32, #tpu.memory_space<vmem>>) offsets(%dma_start3A_42 : memref<32xi32, #tpu.memory_space<vmem>>) semaphore(%arg12 : memref<!tpu.dma_semaphore, #tpu.memory_space<semaphore_mem>>)
    %dma_start3A_46 = arith.constant 2 : i32
    %dma_start3A_47 = arith.constant 0 : i32
    %dma_start3A_48 = tpu.memref_slice %arg5[%dma_start3A_46, %dma_start3A_47] : memref<33x32xi32, #tpu.memory_space<vmem>> -> memref<1x32xi32, #tpu.memory_space<vmem>>
    %dma_start3A_49 = tpu.memref_squeeze %dma_start3A_48 : memref<1x32xi32, #tpu.memory_space<vmem>> -> memref<32xi32, #tpu.memory_space<vmem>>
    %dma_start3A_50 = arith.constant 0 : i32
    %dma_start3A_51 = arith.constant 0 : i32
    %dma_start3A_52 = tpu.memref_slice %arg3[%dma_start3A_50, %dma_start3A_51] : memref<100000x768xf32, #tpu.memory_space<hbm>> -> memref<100000x768xf32, #tpu.memory_space<hbm>>
    tpu.enqueue_indirect_dma source(%dma_start3A_52 : memref<100000x768xf32, #tpu.memory_space<hbm>>) target(%arg8 : memref<32x768xf32, #tpu.memory_space<vmem>>) offsets(%dma_start3A_49 : memref<32xi32, #tpu.memory_space<vmem>>) semaphore(%arg13 : memref<!tpu.dma_semaphore, #tpu.memory_space<semaphore_mem>>)
    %dma_start3A_53 = arith.constant 3 : i32
    %dma_start3A_54 = arith.constant 0 : i32
    %dma_start3A_55 = tpu.memref_slice %arg5[%dma_start3A_53, %dma_start3A_54] : memref<33x32xi32, #tpu.memory_space<vmem>> -> memref<1x32xi32, #tpu.memory_space<vmem>>
    %dma_start3A_56 = tpu.memref_squeeze %dma_start3A_55 : memref<1x32xi32, #tpu.memory_space<vmem>> -> memref<32xi32, #tpu.memory_space<vmem>>
    %dma_start3A_57 = arith.constant 0 : i32
    %dma_start3A_58 = arith.constant 0 : i32
    %dma_start3A_59 = tpu.memref_slice %arg3[%dma_start3A_57, %dma_start3A_58] : memref<100000x768xf32, #tpu.memory_space<hbm>> -> memref<100000x768xf32, #tpu.memory_space<hbm>>
    tpu.enqueue_indirect_dma source(%dma_start3A_59 : memref<100000x768xf32, #tpu.memory_space<hbm>>) target(%arg9 : memref<32x768xf32, #tpu.memory_space<vmem>>) offsets(%dma_start3A_56 : memref<32xi32, #tpu.memory_space<vmem>>) semaphore(%arg14 : memref<!tpu.dma_semaphore, #tpu.memory_space<semaphore_mem>>)
    %dma_wait3A = arith.constant 0 : i32
    %dma_wait3A_60 = arith.constant 0 : i32
    %dma_wait3A_61 = tpu.memref_slice %arg5[%dma_wait3A, %dma_wait3A_60] : memref<33x32xi32, #tpu.memory_space<vmem>> -> memref<1x32xi32, #tpu.memory_space<vmem>>
    %dma_wait3A_62 = tpu.memref_squeeze %dma_wait3A_61 : memref<1x32xi32, #tpu.memory_space<vmem>> -> memref<32xi32, #tpu.memory_space<vmem>>
    %dma_wait3A_63 = arith.constant 0 : i32
    %dma_wait3A_64 = arith.constant 0 : i32
    %dma_wait3A_65 = tpu.memref_slice %arg3[%dma_wait3A_63, %dma_wait3A_64] : memref<100000x768xf32, #tpu.memory_space<hbm>> -> memref<100000x768xf32, #tpu.memory_space<hbm>>
    tpu.wait_indirect_dma semaphore(%arg11 : memref<!tpu.dma_semaphore, #tpu.memory_space<semaphore_mem>>) src(%dma_wait3A_65 : memref<100000x768xf32, #tpu.memory_space<hbm>>) dst(%arg6 : memref<32x768xf32, #tpu.memory_space<vmem>>)
    %mul3A_66 = arith.constant 1024 : i32
    %mul3A_67 = arith.muli %select_n3A_30, %mul3A_66 : i32
    %add3A_68 = arith.constant 0 : i32
    %add3A_69 = arith.addi %mul3A_67, %add3A_68 : i32
    %dma_start3A_70 = arith.constant 0 : i32
    %dma_start3A_71 = tpu.memref_slice %arg4[%select_n3A, %add3A_69, %dma_start3A_70] : memref<4x8193x768xf32, #tpu.memory_space<hbm>> -> memref<1x32x768xf32, #tpu.memory_space<hbm>>
    %dma_start3A_72 = tpu.memref_squeeze %dma_start3A_71 : memref<1x32x768xf32, #tpu.memory_space<hbm>> -> memref<32x768xf32, #tpu.memory_space<hbm>>
    %dma_start3A_73 = arith.constant 0 : i32
    %dma_start3A_74 = tpu.memref_slice %arg4[%select_n3A, %add3A_69, %dma_start3A_73] : memref<4x8193x768xf32, #tpu.memory_space<hbm>> -> memref<1x32x768xf32, #tpu.memory_space<hbm>>
    %dma_start3A_75 = tpu.memref_squeeze %dma_start3A_74 : memref<1x32x768xf32, #tpu.memory_space<hbm>> -> memref<32x768xf32, #tpu.memory_space<hbm>>
    tpu.enqueue_dma source(%arg6 : memref<32x768xf32, #tpu.memory_space<vmem>>) target(%dma_start3A_75 : memref<32x768xf32, #tpu.memory_space<hbm>>) target_semaphore(%arg16 : memref<!tpu.dma_semaphore, #tpu.memory_space<semaphore_mem>>)
    %dma_start3A_76 = arith.constant 4 : i32
    %dma_start3A_77 = arith.constant 0 : i32
    %dma_start3A_78 = tpu.memref_slice %arg5[%dma_start3A_76, %dma_start3A_77] : memref<33x32xi32, #tpu.memory_space<vmem>> -> memref<1x32xi32, #tpu.memory_space<vmem>>
    %dma_start3A_79 = tpu.memref_squeeze %dma_start3A_78 : memref<1x32xi32, #tpu.memory_space<vmem>> -> memref<32xi32, #tpu.memory_space<vmem>>
    %dma_start3A_80 = arith.constant 0 : i32
    %dma_start3A_81 = arith.constant 0 : i32
    %dma_start3A_82 = tpu.memref_slice %arg3[%dma_start3A_80, %dma_start3A_81] : memref<100000x768xf32, #tpu.memory_space<hbm>> -> memref<100000x768xf32, #tpu.memory_space<hbm>>
    tpu.enqueue_indirect_dma source(%dma_start3A_82 : memref<100000x768xf32, #tpu.memory_space<hbm>>) target(%arg10 : memref<32x768xf32, #tpu.memory_space<vmem>>) offsets(%dma_start3A_79 : memref<32xi32, #tpu.memory_space<vmem>>) semaphore(%arg15 : memref<!tpu.dma_semaphore, #tpu.memory_space<semaphore_mem>>)
    %dma_wait3A_83 = arith.constant 1 : i32
    %dma_wait3A_84 = arith.constant 0 : i32
    %dma_wait3A_85 = tpu.memref_slice %arg5[%dma_wait3A_83, %dma_wait3A_84] : memref<33x32xi32, #tpu.memory_space<vmem>> -> memref<1x32xi32, #tpu.memory_space<vmem>>
    %dma_wait3A_86 = tpu.memref_squeeze %dma_wait3A_85 : memref<1x32xi32, #tpu.memory_space<vmem>> -> memref<32xi32, #tpu.memory_space<vmem>>
    %dma_wait3A_87 = arith.constant 0 : i32
    %dma_wait3A_88 = arith.constant 0 : i32
    %dma_wait3A_89 = tpu.memref_slice %arg3[%dma_wait3A_87, %dma_wait3A_88] : memref<100000x768xf32, #tpu.memory_space<hbm>> -> memref<100000x768xf32, #tpu.memory_space<hbm>>
    tpu.wait_indirect_dma semaphore(%arg12 : memref<!tpu.dma_semaphore, #tpu.memory_space<semaphore_mem>>) src(%dma_wait3A_89 : memref<100000x768xf32, #tpu.memory_space<hbm>>) dst(%arg7 : memref<32x768xf32, #tpu.memory_space<vmem>>)
    %mul3A_90 = arith.constant 1024 : i32
    %mul3A_91 = arith.muli %select_n3A_30, %mul3A_90 : i32
    %add3A_92 = arith.constant 32 : i32
    %add3A_93 = arith.addi %mul3A_91, %add3A_92 : i32
    %dma_start3A_94 = arith.constant 0 : i32
    %dma_start3A_95 = tpu.memref_slice %arg4[%select_n3A, %add3A_93, %dma_start3A_94] : memref<4x8193x768xf32, #tpu.memory_space<hbm>> -> memref<1x32x768xf32, #tpu.memory_space<hbm>>
    %dma_start3A_96 = tpu.memref_squeeze %dma_start3A_95 : memref<1x32x768xf32, #tpu.memory_space<hbm>> -> memref<32x768xf32, #tpu.memory_space<hbm>>
    %dma_start3A_97 = arith.constant 0 : i32
    %dma_start3A_98 = tpu.memref_slice %arg4[%select_n3A, %add3A_93, %dma_start3A_97] : memref<4x8193x768xf32, #tpu.memory_space<hbm>> -> memref<1x32x768xf32, #tpu.memory_space<hbm>>
    %dma_start3A_99 = tpu.memref_squeeze %dma_start3A_98 : memref<1x32x768xf32, #tpu.memory_space<hbm>> -> memref<32x768xf32, #tpu.memory_space<hbm>>
    tpu.enqueue_dma source(%arg7 : memref<32x768xf32, #tpu.memory_space<vmem>>) target(%dma_start3A_99 : memref<32x768xf32, #tpu.memory_space<hbm>>) target_semaphore(%arg17 : memref<!tpu.dma_semaphore, #tpu.memory_space<semaphore_mem>>)
    %dma_wait3A_100 = arith.constant 0 : i32
    %dma_wait3A_101 = tpu.memref_slice %arg4[%select_n3A, %add3A_69, %dma_wait3A_100] : memref<4x8193x768xf32, #tpu.memory_space<hbm>> -> memref<1x32x768xf32, #tpu.memory_space<hbm>>
    %dma_wait3A_102 = tpu.memref_squeeze %dma_wait3A_101 : memref<1x32x768xf32, #tpu.memory_space<hbm>> -> memref<32x768xf32, #tpu.memory_space<hbm>>
    %dma_wait3A_103 = arith.constant 0 : i32
    %dma_wait3A_104 = tpu.memref_slice %arg4[%select_n3A, %add3A_69, %dma_wait3A_103] : memref<4x8193x768xf32, #tpu.memory_space<hbm>> -> memref<1x32x768xf32, #tpu.memory_space<hbm>>
    %dma_wait3A_105 = tpu.memref_squeeze %dma_wait3A_104 : memref<1x32x768xf32, #tpu.memory_space<hbm>> -> memref<32x768xf32, #tpu.memory_space<hbm>>
    tpu.wait_dma2 semaphore(%arg16 : memref<!tpu.dma_semaphore, #tpu.memory_space<semaphore_mem>>) src(%arg6 : memref<32x768xf32, #tpu.memory_space<vmem>>) dst(%dma_wait3A_105 : memref<32x768xf32, #tpu.memory_space<hbm>>)
    %dma_start3A_106 = arith.constant 5 : i32
    %dma_start3A_107 = arith.constant 0 : i32
    %dma_start3A_108 = tpu.memref_slice %arg5[%dma_start3A_106, %dma_start3A_107] : memref<33x32xi32, #tpu.memory_space<vmem>> -> memref<1x32xi32, #tpu.memory_space<vmem>>
    %dma_start3A_109 = tpu.memref_squeeze %dma_start3A_108 : memref<1x32xi32, #tpu.memory_space<vmem>> -> memref<32xi32, #tpu.memory_space<vmem>>
    %dma_start3A_110 = arith.constant 0 : i32
    %dma_start3A_111 = arith.constant 0 : i32
    %dma_start3A_112 = tpu.memref_slice %arg3[%dma_start3A_110, %dma_start3A_111] : memref<100000x768xf32, #tpu.memory_space<hbm>> -> memref<100000x768xf32, #tpu.memory_space<hbm>>
    tpu.enqueue_indirect_dma source(%dma_start3A_112 : memref<100000x768xf32, #tpu.memory_space<hbm>>) target(%arg6 : memref<32x768xf32, #tpu.memory_space<vmem>>) offsets(%dma_start3A_109 : memref<32xi32, #tpu.memory_space<vmem>>) semaphore(%arg11 : memref<!tpu.dma_semaphore, #tpu.memory_space<semaphore_mem>>)
    %dma_wait3A_113 = arith.constant 2 : i32
    %dma_wait3A_114 = arith.constant 0 : i32
    %dma_wait3A_115 = tpu.memref_slice %arg5[%dma_wait3A_113, %dma_wait3A_114] : memref<33x32xi32, #tpu.memory_space<vmem>> -> memref<1x32xi32, #tpu.memory_space<vmem>>
    %dma_wait3A_116 = tpu.memref_squeeze %dma_wait3A_115 : memref<1x32xi32, #tpu.memory_space<vmem>> -> memref<32xi32, #tpu.memory_space<vmem>>
    %dma_wait3A_117 = arith.constant 0 : i32
    %dma_wait3A_118 = arith.constant 0 : i32
    %dma_wait3A_119 = tpu.memref_slice %arg3[%dma_wait3A_117, %dma_wait3A_118] : memref<100000x768xf32, #tpu.memory_space<hbm>> -> memref<100000x768xf32, #tpu.memory_space<hbm>>
    tpu.wait_indirect_dma semaphore(%arg13 : memref<!tpu.dma_semaphore, #tpu.memory_space<semaphore_mem>>) src(%dma_wait3A_119 : memref<100000x768xf32, #tpu.memory_space<hbm>>) dst(%arg8 : memref<32x768xf32, #tpu.memory_space<vmem>>)
    %mul3A_120 = arith.constant 1024 : i32
    %mul3A_121 = arith.muli %select_n3A_30, %mul3A_120 : i32
    %add3A_122 = arith.constant 64 : i32
    %add3A_123 = arith.addi %mul3A_121, %add3A_122 : i32
    %dma_start3A_124 = arith.constant 0 : i32
    %dma_start3A_125 = tpu.memref_slice %arg4[%select_n3A, %add3A_123, %dma_start3A_124] : memref<4x8193x768xf32, #tpu.memory_space<hbm>> -> memref<1x32x768xf32, #tpu.memory_space<hbm>>
    %dma_start3A_126 = tpu.memref_squeeze %dma_start3A_125 : memref<1x32x768xf32, #tpu.memory_space<hbm>> -> memref<32x768xf32, #tpu.memory_space<hbm>>
    %dma_start3A_127 = arith.constant 0 : i32
    %dma_start3A_128 = tpu.memref_slice %arg4[%select_n3A, %add3A_123, %dma_start3A_127] : memref<4x8193x768xf32, #tpu.memory_space<hbm>> -> memref<1x32x768xf32, #tpu.memory_space<hbm>>
    %dma_start3A_129 = tpu.memref_squeeze %dma_start3A_128 : memref<1x32x768xf32, #tpu.memory_space<hbm>> -> memref<32x768xf32, #tpu.memory_space<hbm>>
    tpu.enqueue_dma source(%arg8 : memref<32x768xf32, #tpu.memory_space<vmem>>) target(%dma_start3A_129 : memref<32x768xf32, #tpu.memory_space<hbm>>) target_semaphore(%arg18 : memref<!tpu.dma_semaphore, #tpu.memory_space<semaphore_mem>>)
    %dma_wait3A_130 = arith.constant 0 : i32
    %dma_wait3A_131 = tpu.memref_slice %arg4[%select_n3A, %add3A_93, %dma_wait3A_130] : memref<4x8193x768xf32, #tpu.memory_space<hbm>> -> memref<1x32x768xf32, #tpu.memory_space<hbm>>
    %dma_wait3A_132 = tpu.memref_squeeze %dma_wait3A_131 : memref<1x32x768xf32, #tpu.memory_space<hbm>> -> memref<32x768xf32, #tpu.memory_space<hbm>>
    %dma_wait3A_133 = arith.constant 0 : i32
    %dma_wait3A_134 = tpu.memref_slice %arg4[%select_n3A, %add3A_93, %dma_wait3A_133] : memref<4x8193x768xf32, #tpu.memory_space<hbm>> -> memref<1x32x768xf32, #tpu.memory_space<hbm>>
    %dma_wait3A_135 = tpu.memref_squeeze %dma_wait3A_134 : memref<1x32x768xf32, #tpu.memory_space<hbm>> -> memref<32x768xf32, #tpu.memory_space<hbm>>
    tpu.wait_dma2 semaphore(%arg17 : memref<!tpu.dma_semaphore, #tpu.memory_space<semaphore_mem>>) src(%arg7 : memref<32x768xf32, #tpu.memory_space<vmem>>) dst(%dma_wait3A_135 : memref<32x768xf32, #tpu.memory_space<hbm>>)
    %dma_start3A_136 = arith.constant 6 : i32
    %dma_start3A_137 = arith.constant 0 : i32
    %dma_start3A_138 = tpu.memref_slice %arg5[%dma_start3A_136, %dma_start3A_137] : memref<33x32xi32, #tpu.memory_space<vmem>> -> memref<1x32xi32, #tpu.memory_space<vmem>>
    %dma_start3A_139 = tpu.memref_squeeze %dma_start3A_138 : memref<1x32xi32, #tpu.memory_space<vmem>> -> memref<32xi32, #tpu.memory_space<vmem>>
    %dma_start3A_140 = arith.constant 0 : i32
    %dma_start3A_141 = arith.constant 0 : i32
    %dma_start3A_142 = tpu.memref_slice %arg3[%dma_start3A_140, %dma_start3A_141] : memref<100000x768xf32, #tpu.memory_space<hbm>> -> memref<100000x768xf32, #tpu.memory_space<hbm>>
    tpu.enqueue_indirect_dma source(%dma_start3A_142 : memref<100000x768xf32, #tpu.memory_space<hbm>>) target(%arg7 : memref<32x768xf32, #tpu.memory_space<vmem>>) offsets(%dma_start3A_139 : memref<32xi32, #tpu.memory_space<vmem>>) semaphore(%arg12 : memref<!tpu.dma_semaphore, #tpu.memory_space<semaphore_mem>>)
    %dma_wait3A_143 = arith.constant 3 : i32
    %dma_wait3A_144 = arith.constant 0 : i32
    %dma_wait3A_145 = tpu.memref_slice %arg5[%dma_wait3A_143, %dma_wait3A_144] : memref<33x32xi32, #tpu.memory_space<vmem>> -> memref<1x32xi32, #tpu.memory_space<vmem>>
    %dma_wait3A_146 = tpu.memref_squeeze %dma_wait3A_145 : memref<1x32xi32, #tpu.memory_space<vmem>> -> memref<32xi32, #tpu.memory_space<vmem>>
    %dma_wait3A_147 = arith.constant 0 : i32
    %dma_wait3A_148 = arith.constant 0 : i32
    %dma_wait3A_149 = tpu.memref_slice %arg3[%dma_wait3A_147, %dma_wait3A_148] : memref<100000x768xf32, #tpu.memory_space<hbm>> -> memref<100000x768xf32, #tpu.memory_space<hbm>>
    tpu.wait_indirect_dma semaphore(%arg14 : memref<!tpu.dma_semaphore, #tpu.memory_space<semaphore_mem>>) src(%dma_wait3A_149 : memref<100000x768xf32, #tpu.memory_space<hbm>>) dst(%arg9 : memref<32x768xf32, #tpu.memory_space<vmem>>)
    %mul3A_150 = arith.constant 1024 : i32
    %mul3A_151 = arith.muli %select_n3A_30, %mul3A_150 : i32
    %add3A_152 = arith.constant 96 : i32
    %add3A_153 = arith.addi %mul3A_151, %add3A_152 : i32
    %dma_start3A_154 = arith.constant 0 : i32
    %dma_start3A_155 = tpu.memref_slice %arg4[%select_n3A, %add3A_153, %dma_start3A_154] : memref<4x8193x768xf32, #tpu.memory_space<hbm>> -> memref<1x32x768xf32, #tpu.memory_space<hbm>>
    %dma_start3A_156 = tpu.memref_squeeze %dma_start3A_155 : memref<1x32x768xf32, #tpu.memory_space<hbm>> -> memref<32x768xf32, #tpu.memory_space<hbm>>
    %dma_start3A_157 = arith.constant 0 : i32
    %dma_start3A_158 = tpu.memref_slice %arg4[%select_n3A, %add3A_153, %dma_start3A_157] : memref<4x8193x768xf32, #tpu.memory_space<hbm>> -> memref<1x32x768xf32, #tpu.memory_space<hbm>>
    %dma_start3A_159 = tpu.memref_squeeze %dma_start3A_158 : memref<1x32x768xf32, #tpu.memory_space<hbm>> -> memref<32x768xf32, #tpu.memory_space<hbm>>
    tpu.enqueue_dma source(%arg9 : memref<32x768xf32, #tpu.memory_space<vmem>>) target(%dma_start3A_159 : memref<32x768xf32, #tpu.memory_space<hbm>>) target_semaphore(%arg19 : memref<!tpu.dma_semaphore, #tpu.memory_space<semaphore_mem>>)
    %dma_wait3A_160 = arith.constant 0 : i32
    %dma_wait3A_161 = tpu.memref_slice %arg4[%select_n3A, %add3A_123, %dma_wait3A_160] : memref<4x8193x768xf32, #tpu.memory_space<hbm>> -> memref<1x32x768xf32, #tpu.memory_space<hbm>>
    %dma_wait3A_162 = tpu.memref_squeeze %dma_wait3A_161 : memref<1x32x768xf32, #tpu.memory_space<hbm>> -> memref<32x768xf32, #tpu.memory_space<hbm>>
    %dma_wait3A_163 = arith.constant 0 : i32
    %dma_wait3A_164 = tpu.memref_slice %arg4[%select_n3A, %add3A_123, %dma_wait3A_163] : memref<4x8193x768xf32, #tpu.memory_space<hbm>> -> memref<1x32x768xf32, #tpu.memory_space<hbm>>
    %dma_wait3A_165 = tpu.memref_squeeze %dma_wait3A_164 : memref<1x32x768xf32, #tpu.memory_space<hbm>> -> memref<32x768xf32, #tpu.memory_space<hbm>>
    tpu.wait_dma2 semaphore(%arg18 : memref<!tpu.dma_semaphore, #tpu.memory_space<semaphore_mem>>) src(%arg8 : memref<32x768xf32, #tpu.memory_space<vmem>>) dst(%dma_wait3A_165 : memref<32x768xf32, #tpu.memory_space<hbm>>)
    %dma_start3A_166 = arith.constant 7 : i32
    %dma_start3A_167 = arith.constant 0 : i32
    %dma_start3A_168 = tpu.memref_slice %arg5[%dma_start3A_166, %dma_start3A_167] : memref<33x32xi32, #tpu.memory_space<vmem>> -> memref<1x32xi32, #tpu.memory_space<vmem>>
    %dma_start3A_169 = tpu.memref_squeeze %dma_start3A_168 : memref<1x32xi32, #tpu.memory_space<vmem>> -> memref<32xi32, #tpu.memory_space<vmem>>
    %dma_start3A_170 = arith.constant 0 : i32
    %dma_start3A_171 = arith.constant 0 : i32
    %dma_start3A_172 = tpu.memref_slice %arg3[%dma_start3A_170, %dma_start3A_171] : memref<100000x768xf32, #tpu.memory_space<hbm>> -> memref<100000x768xf32, #tpu.memory_space<hbm>>
    tpu.enqueue_indirect_dma source(%dma_start3A_172 : memref<100000x768xf32, #tpu.memory_space<hbm>>) target(%arg8 : memref<32x768xf32, #tpu.memory_space<vmem>>) offsets(%dma_start3A_169 : memref<32xi32, #tpu.memory_space<vmem>>) semaphore(%arg13 : memref<!tpu.dma_semaphore, #tpu.memory_space<semaphore_mem>>)
    %dma_wait3A_173 = arith.constant 4 : i32
    %dma_wait3A_174 = arith.constant 0 : i32
    %dma_wait3A_175 = tpu.memref_slice %arg5[%dma_wait3A_173, %dma_wait3A_174] : memref<33x32xi32, #tpu.memory_space<vmem>> -> memref<1x32xi32, #tpu.memory_space<vmem>>
    %dma_wait3A_176 = tpu.memref_squeeze %dma_wait3A_175 : memref<1x32xi32, #tpu.memory_space<vmem>> -> memref<32xi32, #tpu.memory_space<vmem>>
    %dma_wait3A_177 = arith.constant 0 : i32
    %dma_wait3A_178 = arith.constant 0 : i32
    %dma_wait3A_179 = tpu.memref_slice %arg3[%dma_wait3A_177, %dma_wait3A_178] : memref<100000x768xf32, #tpu.memory_space<hbm>> -> memref<100000x768xf32, #tpu.memory_space<hbm>>
    tpu.wait_indirect_dma semaphore(%arg15 : memref<!tpu.dma_semaphore, #tpu.memory_space<semaphore_mem>>) src(%dma_wait3A_179 : memref<100000x768xf32, #tpu.memory_space<hbm>>) dst(%arg10 : memref<32x768xf32, #tpu.memory_space<vmem>>)
    %mul3A_180 = arith.constant 1024 : i32
    %mul3A_181 = arith.muli %select_n3A_30, %mul3A_180 : i32
    %add3A_182 = arith.constant 128 : i32
    %add3A_183 = arith.addi %mul3A_181, %add3A_182 : i32
    %dma_start3A_184 = arith.constant 0 : i32
    %dma_start3A_185 = tpu.memref_slice %arg4[%select_n3A, %add3A_183, %dma_start3A_184] : memref<4x8193x768xf32, #tpu.memory_space<hbm>> -> memref<1x32x768xf32, #tpu.memory_space<hbm>>
    %dma_start3A_186 = tpu.memref_squeeze %dma_start3A_185 : memref<1x32x768xf32, #tpu.memory_space<hbm>> -> memref<32x768xf32, #tpu.memory_space<hbm>>
    %dma_start3A_187 = arith.constant 0 : i32
    %dma_start3A_188 = tpu.memref_slice %arg4[%select_n3A, %add3A_183, %dma_start3A_187] : memref<4x8193x768xf32, #tpu.memory_space<hbm>> -> memref<1x32x768xf32, #tpu.memory_space<hbm>>
    %dma_start3A_189 = tpu.memref_squeeze %dma_start3A_188 : memref<1x32x768xf32, #tpu.memory_space<hbm>> -> memref<32x768xf32, #tpu.memory_space<hbm>>
    tpu.enqueue_dma source(%arg10 : memref<32x768xf32, #tpu.memory_space<vmem>>) target(%dma_start3A_189 : memref<32x768xf32, #tpu.memory_space<hbm>>) target_semaphore(%arg20 : memref<!tpu.dma_semaphore, #tpu.memory_space<semaphore_mem>>)
    %dma_wait3A_190 = arith.constant 0 : i32
    %dma_wait3A_191 = tpu.memref_slice %arg4[%select_n3A, %add3A_153, %dma_wait3A_190] : memref<4x8193x768xf32, #tpu.memory_space<hbm>> -> memref<1x32x768xf32, #tpu.memory_space<hbm>>
    %dma_wait3A_192 = tpu.memref_squeeze %dma_wait3A_191 : memref<1x32x768xf32, #tpu.memory_space<hbm>> -> memref<32x768xf32, #tpu.memory_space<hbm>>
    %dma_wait3A_193 = arith.constant 0 : i32
    %dma_wait3A_194 = tpu.memref_slice %arg4[%select_n3A, %add3A_153, %dma_wait3A_193] : memref<4x8193x768xf32, #tpu.memory_space<hbm>> -> memref<1x32x768xf32, #tpu.memory_space<hbm>>
    %dma_wait3A_195 = tpu.memref_squeeze %dma_wait3A_194 : memref<1x32x768xf32, #tpu.memory_space<hbm>> -> memref<32x768xf32, #tpu.memory_space<hbm>>
    tpu.wait_dma2 semaphore(%arg19 : memref<!tpu.dma_semaphore, #tpu.memory_space<semaphore_mem>>) src(%arg9 : memref<32x768xf32, #tpu.memory_space<vmem>>) dst(%dma_wait3A_195 : memref<32x768xf32, #tpu.memory_space<hbm>>)
    %dma_start3A_196 = arith.constant 8 : i32
    %dma_start3A_197 = arith.constant 0 : i32
    %dma_start3A_198 = tpu.memref_slice %arg5[%dma_start3A_196, %dma_start3A_197] : memref<33x32xi32, #tpu.memory_space<vmem>> -> memref<1x32xi32, #tpu.memory_space<vmem>>
    %dma_start3A_199 = tpu.memref_squeeze %dma_start3A_198 : memref<1x32xi32, #tpu.memory_space<vmem>> -> memref<32xi32, #tpu.memory_space<vmem>>
    %dma_start3A_200 = arith.constant 0 : i32
    %dma_start3A_201 = arith.constant 0 : i32
    %dma_start3A_202 = tpu.memref_slice %arg3[%dma_start3A_200, %dma_start3A_201] : memref<100000x768xf32, #tpu.memory_space<hbm>> -> memref<100000x768xf32, #tpu.memory_space<hbm>>
    tpu.enqueue_indirect_dma source(%dma_start3A_202 : memref<100000x768xf32, #tpu.memory_space<hbm>>) target(%arg9 : memref<32x768xf32, #tpu.memory_space<vmem>>) offsets(%dma_start3A_199 : memref<32xi32, #tpu.memory_space<vmem>>) semaphore(%arg14 : memref<!tpu.dma_semaphore, #tpu.memory_space<semaphore_mem>>)
    %dma_wait3A_203 = arith.constant 5 : i32
    %dma_wait3A_204 = arith.constant 0 : i32
    %dma_wait3A_205 = tpu.memref_slice %arg5[%dma_wait3A_203, %dma_wait3A_204] : memref<33x32xi32, #tpu.memory_space<vmem>> -> memref<1x32xi32, #tpu.memory_space<vmem>>
    %dma_wait3A_206 = tpu.memref_squeeze %dma_wait3A_205 : memref<1x32xi32, #tpu.memory_space<vmem>> -> memref<32xi32, #tpu.memory_space<vmem>>
    %dma_wait3A_207 = arith.constant 0 : i32
    %dma_wait3A_208 = arith.constant 0 : i32
    %dma_wait3A_209 = tpu.memref_slice %arg3[%dma_wait3A_207, %dma_wait3A_208] : memref<100000x768xf32, #tpu.memory_space<hbm>> -> memref<100000x768xf32, #tpu.memory_space<hbm>>
    tpu.wait_indirect_dma semaphore(%arg11 : memref<!tpu.dma_semaphore, #tpu.memory_space<semaphore_mem>>) src(%dma_wait3A_209 : memref<100000x768xf32, #tpu.memory_space<hbm>>) dst(%arg6 : memref<32x768xf32, #tpu.memory_space<vmem>>)
    %mul3A_210 = arith.constant 1024 : i32
    %mul3A_211 = arith.muli %select_n3A_30, %mul3A_210 : i32
    %add3A_212 = arith.constant 160 : i32
    %add3A_213 = arith.addi %mul3A_211, %add3A_212 : i32
    %dma_start3A_214 = arith.constant 0 : i32
    %dma_start3A_215 = tpu.memref_slice %arg4[%select_n3A, %add3A_213, %dma_start3A_214] : memref<4x8193x768xf32, #tpu.memory_space<hbm>> -> memref<1x32x768xf32, #tpu.memory_space<hbm>>
    %dma_start3A_216 = tpu.memref_squeeze %dma_start3A_215 : memref<1x32x768xf32, #tpu.memory_space<hbm>> -> memref<32x768xf32, #tpu.memory_space<hbm>>
    %dma_start3A_217 = arith.constant 0 : i32
    %dma_start3A_218 = tpu.memref_slice %arg4[%select_n3A, %add3A_213, %dma_start3A_217] : memref<4x8193x768xf32, #tpu.memory_space<hbm>> -> memref<1x32x768xf32, #tpu.memory_space<hbm>>
    %dma_start3A_219 = tpu.memref_squeeze %dma_start3A_218 : memref<1x32x768xf32, #tpu.memory_space<hbm>> -> memref<32x768xf32, #tpu.memory_space<hbm>>
    tpu.enqueue_dma source(%arg6 : memref<32x768xf32, #tpu.memory_space<vmem>>) target(%dma_start3A_219 : memref<32x768xf32, #tpu.memory_space<hbm>>) target_semaphore(%arg16 : memref<!tpu.dma_semaphore, #tpu.memory_space<semaphore_mem>>)
    %dma_wait3A_220 = arith.constant 0 : i32
    %dma_wait3A_221 = tpu.memref_slice %arg4[%select_n3A, %add3A_183, %dma_wait3A_220] : memref<4x8193x768xf32, #tpu.memory_space<hbm>> -> memref<1x32x768xf32, #tpu.memory_space<hbm>>
    %dma_wait3A_222 = tpu.memref_squeeze %dma_wait3A_221 : memref<1x32x768xf32, #tpu.memory_space<hbm>> -> memref<32x768xf32, #tpu.memory_space<hbm>>
    %dma_wait3A_223 = arith.constant 0 : i32
    %dma_wait3A_224 = tpu.memref_slice %arg4[%select_n3A, %add3A_183, %dma_wait3A_223] : memref<4x8193x768xf32, #tpu.memory_space<hbm>> -> memref<1x32x768xf32, #tpu.memory_space<hbm>>
    %dma_wait3A_225 = tpu.memref_squeeze %dma_wait3A_224 : memref<1x32x768xf32, #tpu.memory_space<hbm>> -> memref<32x768xf32, #tpu.memory_space<hbm>>
    tpu.wait_dma2 semaphore(%arg20 : memref<!tpu.dma_semaphore, #tpu.memory_space<semaphore_mem>>) src(%arg10 : memref<32x768xf32, #tpu.memory_space<vmem>>) dst(%dma_wait3A_225 : memref<32x768xf32, #tpu.memory_space<hbm>>)
    %dma_start3A_226 = arith.constant 9 : i32
    %dma_start3A_227 = arith.constant 0 : i32
    %dma_start3A_228 = tpu.memref_slice %arg5[%dma_start3A_226, %dma_start3A_227] : memref<33x32xi32, #tpu.memory_space<vmem>> -> memref<1x32xi32, #tpu.memory_space<vmem>>
    %dma_start3A_229 = tpu.memref_squeeze %dma_start3A_228 : memref<1x32xi32, #tpu.memory_space<vmem>> -> memref<32xi32, #tpu.memory_space<vmem>>
    %dma_start3A_230 = arith.constant 0 : i32
    %dma_start3A_231 = arith.constant 0 : i32
    %dma_start3A_232 = tpu.memref_slice %arg3[%dma_start3A_230, %dma_start3A_231] : memref<100000x768xf32, #tpu.memory_space<hbm>> -> memref<100000x768xf32, #tpu.memory_space<hbm>>
    tpu.enqueue_indirect_dma source(%dma_start3A_232 : memref<100000x768xf32, #tpu.memory_space<hbm>>) target(%arg10 : memref<32x768xf32, #tpu.memory_space<vmem>>) offsets(%dma_start3A_229 : memref<32xi32, #tpu.memory_space<vmem>>) semaphore(%arg15 : memref<!tpu.dma_semaphore, #tpu.memory_space<semaphore_mem>>)
    %dma_wait3A_233 = arith.constant 6 : i32
    %dma_wait3A_234 = arith.constant 0 : i32
    %dma_wait3A_235 = tpu.memref_slice %arg5[%dma_wait3A_233, %dma_wait3A_234] : memref<33x32xi32, #tpu.memory_space<vmem>> -> memref<1x32xi32, #tpu.memory_space<vmem>>
    %dma_wait3A_236 = tpu.memref_squeeze %dma_wait3A_235 : memref<1x32xi32, #tpu.memory_space<vmem>> -> memref<32xi32, #tpu.memory_space<vmem>>
    %dma_wait3A_237 = arith.constant 0 : i32
    %dma_wait3A_238 = arith.constant 0 : i32
    %dma_wait3A_239 = tpu.memref_slice %arg3[%dma_wait3A_237, %dma_wait3A_238] : memref<100000x768xf32, #tpu.memory_space<hbm>> -> memref<100000x768xf32, #tpu.memory_space<hbm>>
    tpu.wait_indirect_dma semaphore(%arg12 : memref<!tpu.dma_semaphore, #tpu.memory_space<semaphore_mem>>) src(%dma_wait3A_239 : memref<100000x768xf32, #tpu.memory_space<hbm>>) dst(%arg7 : memref<32x768xf32, #tpu.memory_space<vmem>>)
    %mul3A_240 = arith.constant 1024 : i32
    %mul3A_241 = arith.muli %select_n3A_30, %mul3A_240 : i32
    %add3A_242 = arith.constant 192 : i32
    %add3A_243 = arith.addi %mul3A_241, %add3A_242 : i32
    %dma_start3A_244 = arith.constant 0 : i32
    %dma_start3A_245 = tpu.memref_slice %arg4[%select_n3A, %add3A_243, %dma_start3A_244] : memref<4x8193x768xf32, #tpu.memory_space<hbm>> -> memref<1x32x768xf32, #tpu.memory_space<hbm>>
    %dma_start3A_246 = tpu.memref_squeeze %dma_start3A_245 : memref<1x32x768xf32, #tpu.memory_space<hbm>> -> memref<32x768xf32, #tpu.memory_space<hbm>>
    %dma_start3A_247 = arith.constant 0 : i32
    %dma_start3A_248 = tpu.memref_slice %arg4[%select_n3A, %add3A_243, %dma_start3A_247] : memref<4x8193x768xf32, #tpu.memory_space<hbm>> -> memref<1x32x768xf32, #tpu.memory_space<hbm>>
    %dma_start3A_249 = tpu.memref_squeeze %dma_start3A_248 : memref<1x32x768xf32, #tpu.memory_space<hbm>> -> memref<32x768xf32, #tpu.memory_space<hbm>>
    tpu.enqueue_dma source(%arg7 : memref<32x768xf32, #tpu.memory_space<vmem>>) target(%dma_start3A_249 : memref<32x768xf32, #tpu.memory_space<hbm>>) target_semaphore(%arg17 : memref<!tpu.dma_semaphore, #tpu.memory_space<semaphore_mem>>)
    %dma_wait3A_250 = arith.constant 0 : i32
    %dma_wait3A_251 = tpu.memref_slice %arg4[%select_n3A, %add3A_213, %dma_wait3A_250] : memref<4x8193x768xf32, #tpu.memory_space<hbm>> -> memref<1x32x768xf32, #tpu.memory_space<hbm>>
    %dma_wait3A_252 = tpu.memref_squeeze %dma_wait3A_251 : memref<1x32x768xf32, #tpu.memory_space<hbm>> -> memref<32x768xf32, #tpu.memory_space<hbm>>
    %dma_wait3A_253 = arith.constant 0 : i32
    %dma_wait3A_254 = tpu.memref_slice %arg4[%select_n3A, %add3A_213, %dma_wait3A_253] : memref<4x8193x768xf32, #tpu.memory_space<hbm>> -> memref<1x32x768xf32, #tpu.memory_space<hbm>>
    %dma_wait3A_255 = tpu.memref_squeeze %dma_wait3A_254 : memref<1x32x768xf32, #tpu.memory_space<hbm>> -> memref<32x768xf32, #tpu.memory_space<hbm>>
    tpu.wait_dma2 semaphore(%arg16 : memref<!tpu.dma_semaphore, #tpu.memory_space<semaphore_mem>>) src(%arg6 : memref<32x768xf32, #tpu.memory_space<vmem>>) dst(%dma_wait3A_255 : memref<32x768xf32, #tpu.memory_space<hbm>>)
    %dma_start3A_256 = arith.constant 10 : i32
    %dma_start3A_257 = arith.constant 0 : i32
    %dma_start3A_258 = tpu.memref_slice %arg5[%dma_start3A_256, %dma_start3A_257] : memref<33x32xi32, #tpu.memory_space<vmem>> -> memref<1x32xi32, #tpu.memory_space<vmem>>
    %dma_start3A_259 = tpu.memref_squeeze %dma_start3A_258 : memref<1x32xi32, #tpu.memory_space<vmem>> -> memref<32xi32, #tpu.memory_space<vmem>>
    %dma_start3A_260 = arith.constant 0 : i32
    %dma_start3A_261 = arith.constant 0 : i32
    %dma_start3A_262 = tpu.memref_slice %arg3[%dma_start3A_260, %dma_start3A_261] : memref<100000x768xf32, #tpu.memory_space<hbm>> -> memref<100000x768xf32, #tpu.memory_space<hbm>>
    tpu.enqueue_indirect_dma source(%dma_start3A_262 : memref<100000x768xf32, #tpu.memory_space<hbm>>) target(%arg6 : memref<32x768xf32, #tpu.memory_space<vmem>>) offsets(%dma_start3A_259 : memref<32xi32, #tpu.memory_space<vmem>>) semaphore(%arg11 : memref<!tpu.dma_semaphore, #tpu.memory_space<semaphore_mem>>)
    %dma_wait3A_263 = arith.constant 7 : i32
    %dma_wait3A_264 = arith.constant 0 : i32
    %dma_wait3A_265 = tpu.memref_slice %arg5[%dma_wait3A_263, %dma_wait3A_264] : memref<33x32xi32, #tpu.memory_space<vmem>> -> memref<1x32xi32, #tpu.memory_space<vmem>>
    %dma_wait3A_266 = tpu.memref_squeeze %dma_wait3A_265 : memref<1x32xi32, #tpu.memory_space<vmem>> -> memref<32xi32, #tpu.memory_space<vmem>>
    %dma_wait3A_267 = arith.constant 0 : i32
    %dma_wait3A_268 = arith.constant 0 : i32
    %dma_wait3A_269 = tpu.memref_slice %arg3[%dma_wait3A_267, %dma_wait3A_268] : memref<100000x768xf32, #tpu.memory_space<hbm>> -> memref<100000x768xf32, #tpu.memory_space<hbm>>
    tpu.wait_indirect_dma semaphore(%arg13 : memref<!tpu.dma_semaphore, #tpu.memory_space<semaphore_mem>>) src(%dma_wait3A_269 : memref<100000x768xf32, #tpu.memory_space<hbm>>) dst(%arg8 : memref<32x768xf32, #tpu.memory_space<vmem>>)
    %mul3A_270 = arith.constant 1024 : i32
    %mul3A_271 = arith.muli %select_n3A_30, %mul3A_270 : i32
    %add3A_272 = arith.constant 224 : i32
    %add3A_273 = arith.addi %mul3A_271, %add3A_272 : i32
    %dma_start3A_274 = arith.constant 0 : i32
    %dma_start3A_275 = tpu.memref_slice %arg4[%select_n3A, %add3A_273, %dma_start3A_274] : memref<4x8193x768xf32, #tpu.memory_space<hbm>> -> memref<1x32x768xf32, #tpu.memory_space<hbm>>
    %dma_start3A_276 = tpu.memref_squeeze %dma_start3A_275 : memref<1x32x768xf32, #tpu.memory_space<hbm>> -> memref<32x768xf32, #tpu.memory_space<hbm>>
    %dma_start3A_277 = arith.constant 0 : i32
    %dma_start3A_278 = tpu.memref_slice %arg4[%select_n3A, %add3A_273, %dma_start3A_277] : memref<4x8193x768xf32, #tpu.memory_space<hbm>> -> memref<1x32x768xf32, #tpu.memory_space<hbm>>
    %dma_start3A_279 = tpu.memref_squeeze %dma_start3A_278 : memref<1x32x768xf32, #tpu.memory_space<hbm>> -> memref<32x768xf32, #tpu.memory_space<hbm>>
    tpu.enqueue_dma source(%arg8 : memref<32x768xf32, #tpu.memory_space<vmem>>) target(%dma_start3A_279 : memref<32x768xf32, #tpu.memory_space<hbm>>) target_semaphore(%arg18 : memref<!tpu.dma_semaphore, #tpu.memory_space<semaphore_mem>>)
    %dma_wait3A_280 = arith.constant 0 : i32
    %dma_wait3A_281 = tpu.memref_slice %arg4[%select_n3A, %add3A_243, %dma_wait3A_280] : memref<4x8193x768xf32, #tpu.memory_space<hbm>> -> memref<1x32x768xf32, #tpu.memory_space<hbm>>
    %dma_wait3A_282 = tpu.memref_squeeze %dma_wait3A_281 : memref<1x32x768xf32, #tpu.memory_space<hbm>> -> memref<32x768xf32, #tpu.memory_space<hbm>>
    %dma_wait3A_283 = arith.constant 0 : i32
    %dma_wait3A_284 = tpu.memref_slice %arg4[%select_n3A, %add3A_243, %dma_wait3A_283] : memref<4x8193x768xf32, #tpu.memory_space<hbm>> -> memref<1x32x768xf32, #tpu.memory_space<hbm>>
    %dma_wait3A_285 = tpu.memref_squeeze %dma_wait3A_284 : memref<1x32x768xf32, #tpu.memory_space<hbm>> -> memref<32x768xf32, #tpu.memory_space<hbm>>
    tpu.wait_dma2 semaphore(%arg17 : memref<!tpu.dma_semaphore, #tpu.memory_space<semaphore_mem>>) src(%arg7 : memref<32x768xf32, #tpu.memory_space<vmem>>) dst(%dma_wait3A_285 : memref<32x768xf32, #tpu.memory_space<hbm>>)
    %dma_start3A_286 = arith.constant 11 : i32
    %dma_start3A_287 = arith.constant 0 : i32
    %dma_start3A_288 = tpu.memref_slice %arg5[%dma_start3A_286, %dma_start3A_287] : memref<33x32xi32, #tpu.memory_space<vmem>> -> memref<1x32xi32, #tpu.memory_space<vmem>>
    %dma_start3A_289 = tpu.memref_squeeze %dma_start3A_288 : memref<1x32xi32, #tpu.memory_space<vmem>> -> memref<32xi32, #tpu.memory_space<vmem>>
    %dma_start3A_290 = arith.constant 0 : i32
    %dma_start3A_291 = arith.constant 0 : i32
    %dma_start3A_292 = tpu.memref_slice %arg3[%dma_start3A_290, %dma_start3A_291] : memref<100000x768xf32, #tpu.memory_space<hbm>> -> memref<100000x768xf32, #tpu.memory_space<hbm>>
    tpu.enqueue_indirect_dma source(%dma_start3A_292 : memref<100000x768xf32, #tpu.memory_space<hbm>>) target(%arg7 : memref<32x768xf32, #tpu.memory_space<vmem>>) offsets(%dma_start3A_289 : memref<32xi32, #tpu.memory_space<vmem>>) semaphore(%arg12 : memref<!tpu.dma_semaphore, #tpu.memory_space<semaphore_mem>>)
    %dma_wait3A_293 = arith.constant 8 : i32
    %dma_wait3A_294 = arith.constant 0 : i32
    %dma_wait3A_295 = tpu.memref_slice %arg5[%dma_wait3A_293, %dma_wait3A_294] : memref<33x32xi32, #tpu.memory_space<vmem>> -> memref<1x32xi32, #tpu.memory_space<vmem>>
    %dma_wait3A_296 = tpu.memref_squeeze %dma_wait3A_295 : memref<1x32xi32, #tpu.memory_space<vmem>> -> memref<32xi32, #tpu.memory_space<vmem>>
    %dma_wait3A_297 = arith.constant 0 : i32
    %dma_wait3A_298 = arith.constant 0 : i32
    %dma_wait3A_299 = tpu.memref_slice %arg3[%dma_wait3A_297, %dma_wait3A_298] : memref<100000x768xf32, #tpu.memory_space<hbm>> -> memref<100000x768xf32, #tpu.memory_space<hbm>>
    tpu.wait_indirect_dma semaphore(%arg14 : memref<!tpu.dma_semaphore, #tpu.memory_space<semaphore_mem>>) src(%dma_wait3A_299 : memref<100000x768xf32, #tpu.memory_space<hbm>>) dst(%arg9 : memref<32x768xf32, #tpu.memory_space<vmem>>)
    %mul3A_300 = arith.constant 1024 : i32
    %mul3A_301 = arith.muli %select_n3A_30, %mul3A_300 : i32
    %add3A_302 = arith.constant 256 : i32
    %add3A_303 = arith.addi %mul3A_301, %add3A_302 : i32
    %dma_start3A_304 = arith.constant 0 : i32
    %dma_start3A_305 = tpu.memref_slice %arg4[%select_n3A, %add3A_303, %dma_start3A_304] : memref<4x8193x768xf32, #tpu.memory_space<hbm>> -> memref<1x32x768xf32, #tpu.memory_space<hbm>>
    %dma_start3A_306 = tpu.memref_squeeze %dma_start3A_305 : memref<1x32x768xf32, #tpu.memory_space<hbm>> -> memref<32x768xf32, #tpu.memory_space<hbm>>
    %dma_start3A_307 = arith.constant 0 : i32
    %dma_start3A_308 = tpu.memref_slice %arg4[%select_n3A, %add3A_303, %dma_start3A_307] : memref<4x8193x768xf32, #tpu.memory_space<hbm>> -> memref<1x32x768xf32, #tpu.memory_space<hbm>>
    %dma_start3A_309 = tpu.memref_squeeze %dma_start3A_308 : memref<1x32x768xf32, #tpu.memory_space<hbm>> -> memref<32x768xf32, #tpu.memory_space<hbm>>
    tpu.enqueue_dma source(%arg9 : memref<32x768xf32, #tpu.memory_space<vmem>>) target(%dma_start3A_309 : memref<32x768xf32, #tpu.memory_space<hbm>>) target_semaphore(%arg19 : memref<!tpu.dma_semaphore, #tpu.memory_space<semaphore_mem>>)
    %dma_wait3A_310 = arith.constant 0 : i32
    %dma_wait3A_311 = tpu.memref_slice %arg4[%select_n3A, %add3A_273, %dma_wait3A_310] : memref<4x8193x768xf32, #tpu.memory_space<hbm>> -> memref<1x32x768xf32, #tpu.memory_space<hbm>>
    %dma_wait3A_312 = tpu.memref_squeeze %dma_wait3A_311 : memref<1x32x768xf32, #tpu.memory_space<hbm>> -> memref<32x768xf32, #tpu.memory_space<hbm>>
    %dma_wait3A_313 = arith.constant 0 : i32
    %dma_wait3A_314 = tpu.memref_slice %arg4[%select_n3A, %add3A_273, %dma_wait3A_313] : memref<4x8193x768xf32, #tpu.memory_space<hbm>> -> memref<1x32x768xf32, #tpu.memory_space<hbm>>
    %dma_wait3A_315 = tpu.memref_squeeze %dma_wait3A_314 : memref<1x32x768xf32, #tpu.memory_space<hbm>> -> memref<32x768xf32, #tpu.memory_space<hbm>>
    tpu.wait_dma2 semaphore(%arg18 : memref<!tpu.dma_semaphore, #tpu.memory_space<semaphore_mem>>) src(%arg8 : memref<32x768xf32, #tpu.memory_space<vmem>>) dst(%dma_wait3A_315 : memref<32x768xf32, #tpu.memory_space<hbm>>)
    %dma_start3A_316 = arith.constant 12 : i32
    %dma_start3A_317 = arith.constant 0 : i32
    %dma_start3A_318 = tpu.memref_slice %arg5[%dma_start3A_316, %dma_start3A_317] : memref<33x32xi32, #tpu.memory_space<vmem>> -> memref<1x32xi32, #tpu.memory_space<vmem>>
    %dma_start3A_319 = tpu.memref_squeeze %dma_start3A_318 : memref<1x32xi32, #tpu.memory_space<vmem>> -> memref<32xi32, #tpu.memory_space<vmem>>
    %dma_start3A_320 = arith.constant 0 : i32
    %dma_start3A_321 = arith.constant 0 : i32
    %dma_start3A_322 = tpu.memref_slice %arg3[%dma_start3A_320, %dma_start3A_321] : memref<100000x768xf32, #tpu.memory_space<hbm>> -> memref<100000x768xf32, #tpu.memory_space<hbm>>
    tpu.enqueue_indirect_dma source(%dma_start3A_322 : memref<100000x768xf32, #tpu.memory_space<hbm>>) target(%arg8 : memref<32x768xf32, #tpu.memory_space<vmem>>) offsets(%dma_start3A_319 : memref<32xi32, #tpu.memory_space<vmem>>) semaphore(%arg13 : memref<!tpu.dma_semaphore, #tpu.memory_space<semaphore_mem>>)
    %dma_wait3A_323 = arith.constant 9 : i32
    %dma_wait3A_324 = arith.constant 0 : i32
    %dma_wait3A_325 = tpu.memref_slice %arg5[%dma_wait3A_323, %dma_wait3A_324] : memref<33x32xi32, #tpu.memory_space<vmem>> -> memref<1x32xi32, #tpu.memory_space<vmem>>
    %dma_wait3A_326 = tpu.memref_squeeze %dma_wait3A_325 : memref<1x32xi32, #tpu.memory_space<vmem>> -> memref<32xi32, #tpu.memory_space<vmem>>
    %dma_wait3A_327 = arith.constant 0 : i32
    %dma_wait3A_328 = arith.constant 0 : i32
    %dma_wait3A_329 = tpu.memref_slice %arg3[%dma_wait3A_327, %dma_wait3A_328] : memref<100000x768xf32, #tpu.memory_space<hbm>> -> memref<100000x768xf32, #tpu.memory_space<hbm>>
    tpu.wait_indirect_dma semaphore(%arg15 : memref<!tpu.dma_semaphore, #tpu.memory_space<semaphore_mem>>) src(%dma_wait3A_329 : memref<100000x768xf32, #tpu.memory_space<hbm>>) dst(%arg10 : memref<32x768xf32, #tpu.memory_space<vmem>>)
    %mul3A_330 = arith.constant 1024 : i32
    %mul3A_331 = arith.muli %select_n3A_30, %mul3A_330 : i32
    %add3A_332 = arith.constant 288 : i32
    %add3A_333 = arith.addi %mul3A_331, %add3A_332 : i32
    %dma_start3A_334 = arith.constant 0 : i32
    %dma_start3A_335 = tpu.memref_slice %arg4[%select_n3A, %add3A_333, %dma_start3A_334] : memref<4x8193x768xf32, #tpu.memory_space<hbm>> -> memref<1x32x768xf32, #tpu.memory_space<hbm>>
    %dma_start3A_336 = tpu.memref_squeeze %dma_start3A_335 : memref<1x32x768xf32, #tpu.memory_space<hbm>> -> memref<32x768xf32, #tpu.memory_space<hbm>>
    %dma_start3A_337 = arith.constant 0 : i32
    %dma_start3A_338 = tpu.memref_slice %arg4[%select_n3A, %add3A_333, %dma_start3A_337] : memref<4x8193x768xf32, #tpu.memory_space<hbm>> -> memref<1x32x768xf32, #tpu.memory_space<hbm>>
    %dma_start3A_339 = tpu.memref_squeeze %dma_start3A_338 : memref<1x32x768xf32, #tpu.memory_space<hbm>> -> memref<32x768xf32, #tpu.memory_space<hbm>>
    tpu.enqueue_dma source(%arg10 : memref<32x768xf32, #tpu.memory_space<vmem>>) target(%dma_start3A_339 : memref<32x768xf32, #tpu.memory_space<hbm>>) target_semaphore(%arg20 : memref<!tpu.dma_semaphore, #tpu.memory_space<semaphore_mem>>)
    %dma_wait3A_340 = arith.constant 0 : i32
    %dma_wait3A_341 = tpu.memref_slice %arg4[%select_n3A, %add3A_303, %dma_wait3A_340] : memref<4x8193x768xf32, #tpu.memory_space<hbm>> -> memref<1x32x768xf32, #tpu.memory_space<hbm>>
    %dma_wait3A_342 = tpu.memref_squeeze %dma_wait3A_341 : memref<1x32x768xf32, #tpu.memory_space<hbm>> -> memref<32x768xf32, #tpu.memory_space<hbm>>
    %dma_wait3A_343 = arith.constant 0 : i32
    %dma_wait3A_344 = tpu.memref_slice %arg4[%select_n3A, %add3A_303, %dma_wait3A_343] : memref<4x8193x768xf32, #tpu.memory_space<hbm>> -> memref<1x32x768xf32, #tpu.memory_space<hbm>>
    %dma_wait3A_345 = tpu.memref_squeeze %dma_wait3A_344 : memref<1x32x768xf32, #tpu.memory_space<hbm>> -> memref<32x768xf32, #tpu.memory_space<hbm>>
    tpu.wait_dma2 semaphore(%arg19 : memref<!tpu.dma_semaphore, #tpu.memory_space<semaphore_mem>>) src(%arg9 : memref<32x768xf32, #tpu.memory_space<vmem>>) dst(%dma_wait3A_345 : memref<32x768xf32, #tpu.memory_space<hbm>>)
    %dma_start3A_346 = arith.constant 13 : i32
    %dma_start3A_347 = arith.constant 0 : i32
    %dma_start3A_348 = tpu.memref_slice %arg5[%dma_start3A_346, %dma_start3A_347] : memref<33x32xi32, #tpu.memory_space<vmem>> -> memref<1x32xi32, #tpu.memory_space<vmem>>
    %dma_start3A_349 = tpu.memref_squeeze %dma_start3A_348 : memref<1x32xi32, #tpu.memory_space<vmem>> -> memref<32xi32, #tpu.memory_space<vmem>>
    %dma_start3A_350 = arith.constant 0 : i32
    %dma_start3A_351 = arith.constant 0 : i32
    %dma_start3A_352 = tpu.memref_slice %arg3[%dma_start3A_350, %dma_start3A_351] : memref<100000x768xf32, #tpu.memory_space<hbm>> -> memref<100000x768xf32, #tpu.memory_space<hbm>>
    tpu.enqueue_indirect_dma source(%dma_start3A_352 : memref<100000x768xf32, #tpu.memory_space<hbm>>) target(%arg9 : memref<32x768xf32, #tpu.memory_space<vmem>>) offsets(%dma_start3A_349 : memref<32xi32, #tpu.memory_space<vmem>>) semaphore(%arg14 : memref<!tpu.dma_semaphore, #tpu.memory_space<semaphore_mem>>)
    %dma_wait3A_353 = arith.constant 10 : i32
    %dma_wait3A_354 = arith.constant 0 : i32
    %dma_wait3A_355 = tpu.memref_slice %arg5[%dma_wait3A_353, %dma_wait3A_354] : memref<33x32xi32, #tpu.memory_space<vmem>> -> memref<1x32xi32, #tpu.memory_space<vmem>>
    %dma_wait3A_356 = tpu.memref_squeeze %dma_wait3A_355 : memref<1x32xi32, #tpu.memory_space<vmem>> -> memref<32xi32, #tpu.memory_space<vmem>>
    %dma_wait3A_357 = arith.constant 0 : i32
    %dma_wait3A_358 = arith.constant 0 : i32
    %dma_wait3A_359 = tpu.memref_slice %arg3[%dma_wait3A_357, %dma_wait3A_358] : memref<100000x768xf32, #tpu.memory_space<hbm>> -> memref<100000x768xf32, #tpu.memory_space<hbm>>
    tpu.wait_indirect_dma semaphore(%arg11 : memref<!tpu.dma_semaphore, #tpu.memory_space<semaphore_mem>>) src(%dma_wait3A_359 : memref<100000x768xf32, #tpu.memory_space<hbm>>) dst(%arg6 : memref<32x768xf32, #tpu.memory_space<vmem>>)
    %mul3A_360 = arith.constant 1024 : i32
    %mul3A_361 = arith.muli %select_n3A_30, %mul3A_360 : i32
    %add3A_362 = arith.constant 320 : i32
    %add3A_363 = arith.addi %mul3A_361, %add3A_362 : i32
    %dma_start3A_364 = arith.constant 0 : i32
    %dma_start3A_365 = tpu.memref_slice %arg4[%select_n3A, %add3A_363, %dma_start3A_364] : memref<4x8193x768xf32, #tpu.memory_space<hbm>> -> memref<1x32x768xf32, #tpu.memory_space<hbm>>
    %dma_start3A_366 = tpu.memref_squeeze %dma_start3A_365 : memref<1x32x768xf32, #tpu.memory_space<hbm>> -> memref<32x768xf32, #tpu.memory_space<hbm>>
    %dma_start3A_367 = arith.constant 0 : i32
    %dma_start3A_368 = tpu.memref_slice %arg4[%select_n3A, %add3A_363, %dma_start3A_367] : memref<4x8193x768xf32, #tpu.memory_space<hbm>> -> memref<1x32x768xf32, #tpu.memory_space<hbm>>
    %dma_start3A_369 = tpu.memref_squeeze %dma_start3A_368 : memref<1x32x768xf32, #tpu.memory_space<hbm>> -> memref<32x768xf32, #tpu.memory_space<hbm>>
    tpu.enqueue_dma source(%arg6 : memref<32x768xf32, #tpu.memory_space<vmem>>) target(%dma_start3A_369 : memref<32x768xf32, #tpu.memory_space<hbm>>) target_semaphore(%arg16 : memref<!tpu.dma_semaphore, #tpu.memory_space<semaphore_mem>>)
    %dma_wait3A_370 = arith.constant 0 : i32
    %dma_wait3A_371 = tpu.memref_slice %arg4[%select_n3A, %add3A_333, %dma_wait3A_370] : memref<4x8193x768xf32, #tpu.memory_space<hbm>> -> memref<1x32x768xf32, #tpu.memory_space<hbm>>
    %dma_wait3A_372 = tpu.memref_squeeze %dma_wait3A_371 : memref<1x32x768xf32, #tpu.memory_space<hbm>> -> memref<32x768xf32, #tpu.memory_space<hbm>>
    %dma_wait3A_373 = arith.constant 0 : i32
    %dma_wait3A_374 = tpu.memref_slice %arg4[%select_n3A, %add3A_333, %dma_wait3A_373] : memref<4x8193x768xf32, #tpu.memory_space<hbm>> -> memref<1x32x768xf32, #tpu.memory_space<hbm>>
    %dma_wait3A_375 = tpu.memref_squeeze %dma_wait3A_374 : memref<1x32x768xf32, #tpu.memory_space<hbm>> -> memref<32x768xf32, #tpu.memory_space<hbm>>
    tpu.wait_dma2 semaphore(%arg20 : memref<!tpu.dma_semaphore, #tpu.memory_space<semaphore_mem>>) src(%arg10 : memref<32x768xf32, #tpu.memory_space<vmem>>) dst(%dma_wait3A_375 : memref<32x768xf32, #tpu.memory_space<hbm>>)
    %dma_start3A_376 = arith.constant 14 : i32
    %dma_start3A_377 = arith.constant 0 : i32
    %dma_start3A_378 = tpu.memref_slice %arg5[%dma_start3A_376, %dma_start3A_377] : memref<33x32xi32, #tpu.memory_space<vmem>> -> memref<1x32xi32, #tpu.memory_space<vmem>>
    %dma_start3A_379 = tpu.memref_squeeze %dma_start3A_378 : memref<1x32xi32, #tpu.memory_space<vmem>> -> memref<32xi32, #tpu.memory_space<vmem>>
    %dma_start3A_380 = arith.constant 0 : i32
    %dma_start3A_381 = arith.constant 0 : i32
    %dma_start3A_382 = tpu.memref_slice %arg3[%dma_start3A_380, %dma_start3A_381] : memref<100000x768xf32, #tpu.memory_space<hbm>> -> memref<100000x768xf32, #tpu.memory_space<hbm>>
    tpu.enqueue_indirect_dma source(%dma_start3A_382 : memref<100000x768xf32, #tpu.memory_space<hbm>>) target(%arg10 : memref<32x768xf32, #tpu.memory_space<vmem>>) offsets(%dma_start3A_379 : memref<32xi32, #tpu.memory_space<vmem>>) semaphore(%arg15 : memref<!tpu.dma_semaphore, #tpu.memory_space<semaphore_mem>>)
    %dma_wait3A_383 = arith.constant 11 : i32
    %dma_wait3A_384 = arith.constant 0 : i32
    %dma_wait3A_385 = tpu.memref_slice %arg5[%dma_wait3A_383, %dma_wait3A_384] : memref<33x32xi32, #tpu.memory_space<vmem>> -> memref<1x32xi32, #tpu.memory_space<vmem>>
    %dma_wait3A_386 = tpu.memref_squeeze %dma_wait3A_385 : memref<1x32xi32, #tpu.memory_space<vmem>> -> memref<32xi32, #tpu.memory_space<vmem>>
    %dma_wait3A_387 = arith.constant 0 : i32
    %dma_wait3A_388 = arith.constant 0 : i32
    %dma_wait3A_389 = tpu.memref_slice %arg3[%dma_wait3A_387, %dma_wait3A_388] : memref<100000x768xf32, #tpu.memory_space<hbm>> -> memref<100000x768xf32, #tpu.memory_space<hbm>>
    tpu.wait_indirect_dma semaphore(%arg12 : memref<!tpu.dma_semaphore, #tpu.memory_space<semaphore_mem>>) src(%dma_wait3A_389 : memref<100000x768xf32, #tpu.memory_space<hbm>>) dst(%arg7 : memref<32x768xf32, #tpu.memory_space<vmem>>)
    %mul3A_390 = arith.constant 1024 : i32
    %mul3A_391 = arith.muli %select_n3A_30, %mul3A_390 : i32
    %add3A_392 = arith.constant 352 : i32
    %add3A_393 = arith.addi %mul3A_391, %add3A_392 : i32
    %dma_start3A_394 = arith.constant 0 : i32
    %dma_start3A_395 = tpu.memref_slice %arg4[%select_n3A, %add3A_393, %dma_start3A_394] : memref<4x8193x768xf32, #tpu.memory_space<hbm>> -> memref<1x32x768xf32, #tpu.memory_space<hbm>>
    %dma_start3A_396 = tpu.memref_squeeze %dma_start3A_395 : memref<1x32x768xf32, #tpu.memory_space<hbm>> -> memref<32x768xf32, #tpu.memory_space<hbm>>
    %dma_start3A_397 = arith.constant 0 : i32
    %dma_start3A_398 = tpu.memref_slice %arg4[%select_n3A, %add3A_393, %dma_start3A_397] : memref<4x8193x768xf32, #tpu.memory_space<hbm>> -> memref<1x32x768xf32, #tpu.memory_space<hbm>>
    %dma_start3A_399 = tpu.memref_squeeze %dma_start3A_398 : memref<1x32x768xf32, #tpu.memory_space<hbm>> -> memref<32x768xf32, #tpu.memory_space<hbm>>
    tpu.enqueue_dma source(%arg7 : memref<32x768xf32, #tpu.memory_space<vmem>>) target(%dma_start3A_399 : memref<32x768xf32, #tpu.memory_space<hbm>>) target_semaphore(%arg17 : memref<!tpu.dma_semaphore, #tpu.memory_space<semaphore_mem>>)
    %dma_wait3A_400 = arith.constant 0 : i32
    %dma_wait3A_401 = tpu.memref_slice %arg4[%select_n3A, %add3A_363, %dma_wait3A_400] : memref<4x8193x768xf32, #tpu.memory_space<hbm>> -> memref<1x32x768xf32, #tpu.memory_space<hbm>>
    %dma_wait3A_402 = tpu.memref_squeeze %dma_wait3A_401 : memref<1x32x768xf32, #tpu.memory_space<hbm>> -> memref<32x768xf32, #tpu.memory_space<hbm>>
    %dma_wait3A_403 = arith.constant 0 : i32
    %dma_wait3A_404 = tpu.memref_slice %arg4[%select_n3A, %add3A_363, %dma_wait3A_403] : memref<4x8193x768xf32, #tpu.memory_space<hbm>> -> memref<1x32x768xf32, #tpu.memory_space<hbm>>
    %dma_wait3A_405 = tpu.memref_squeeze %dma_wait3A_404 : memref<1x32x768xf32, #tpu.memory_space<hbm>> -> memref<32x768xf32, #tpu.memory_space<hbm>>
    tpu.wait_dma2 semaphore(%arg16 : memref<!tpu.dma_semaphore, #tpu.memory_space<semaphore_mem>>) src(%arg6 : memref<32x768xf32, #tpu.memory_space<vmem>>) dst(%dma_wait3A_405 : memref<32x768xf32, #tpu.memory_space<hbm>>)
    %dma_start3A_406 = arith.constant 15 : i32
    %dma_start3A_407 = arith.constant 0 : i32
    %dma_start3A_408 = tpu.memref_slice %arg5[%dma_start3A_406, %dma_start3A_407] : memref<33x32xi32, #tpu.memory_space<vmem>> -> memref<1x32xi32, #tpu.memory_space<vmem>>
    %dma_start3A_409 = tpu.memref_squeeze %dma_start3A_408 : memref<1x32xi32, #tpu.memory_space<vmem>> -> memref<32xi32, #tpu.memory_space<vmem>>
    %dma_start3A_410 = arith.constant 0 : i32
    %dma_start3A_411 = arith.constant 0 : i32
    %dma_start3A_412 = tpu.memref_slice %arg3[%dma_start3A_410, %dma_start3A_411] : memref<100000x768xf32, #tpu.memory_space<hbm>> -> memref<100000x768xf32, #tpu.memory_space<hbm>>
    tpu.enqueue_indirect_dma source(%dma_start3A_412 : memref<100000x768xf32, #tpu.memory_space<hbm>>) target(%arg6 : memref<32x768xf32, #tpu.memory_space<vmem>>) offsets(%dma_start3A_409 : memref<32xi32, #tpu.memory_space<vmem>>) semaphore(%arg11 : memref<!tpu.dma_semaphore, #tpu.memory_space<semaphore_mem>>)
    %dma_wait3A_413 = arith.constant 12 : i32
    %dma_wait3A_414 = arith.constant 0 : i32
    %dma_wait3A_415 = tpu.memref_slice %arg5[%dma_wait3A_413, %dma_wait3A_414] : memref<33x32xi32, #tpu.memory_space<vmem>> -> memref<1x32xi32, #tpu.memory_space<vmem>>
    %dma_wait3A_416 = tpu.memref_squeeze %dma_wait3A_415 : memref<1x32xi32, #tpu.memory_space<vmem>> -> memref<32xi32, #tpu.memory_space<vmem>>
    %dma_wait3A_417 = arith.constant 0 : i32
    %dma_wait3A_418 = arith.constant 0 : i32
    %dma_wait3A_419 = tpu.memref_slice %arg3[%dma_wait3A_417, %dma_wait3A_418] : memref<100000x768xf32, #tpu.memory_space<hbm>> -> memref<100000x768xf32, #tpu.memory_space<hbm>>
    tpu.wait_indirect_dma semaphore(%arg13 : memref<!tpu.dma_semaphore, #tpu.memory_space<semaphore_mem>>) src(%dma_wait3A_419 : memref<100000x768xf32, #tpu.memory_space<hbm>>) dst(%arg8 : memref<32x768xf32, #tpu.memory_space<vmem>>)
    %mul3A_420 = arith.constant 1024 : i32
    %mul3A_421 = arith.muli %select_n3A_30, %mul3A_420 : i32
    %add3A_422 = arith.constant 384 : i32
    %add3A_423 = arith.addi %mul3A_421, %add3A_422 : i32
    %dma_start3A_424 = arith.constant 0 : i32
    %dma_start3A_425 = tpu.memref_slice %arg4[%select_n3A, %add3A_423, %dma_start3A_424] : memref<4x8193x768xf32, #tpu.memory_space<hbm>> -> memref<1x32x768xf32, #tpu.memory_space<hbm>>
    %dma_start3A_426 = tpu.memref_squeeze %dma_start3A_425 : memref<1x32x768xf32, #tpu.memory_space<hbm>> -> memref<32x768xf32, #tpu.memory_space<hbm>>
    %dma_start3A_427 = arith.constant 0 : i32
    %dma_start3A_428 = tpu.memref_slice %arg4[%select_n3A, %add3A_423, %dma_start3A_427] : memref<4x8193x768xf32, #tpu.memory_space<hbm>> -> memref<1x32x768xf32, #tpu.memory_space<hbm>>
    %dma_start3A_429 = tpu.memref_squeeze %dma_start3A_428 : memref<1x32x768xf32, #tpu.memory_space<hbm>> -> memref<32x768xf32, #tpu.memory_space<hbm>>
    tpu.enqueue_dma source(%arg8 : memref<32x768xf32, #tpu.memory_space<vmem>>) target(%dma_start3A_429 : memref<32x768xf32, #tpu.memory_space<hbm>>) target_semaphore(%arg18 : memref<!tpu.dma_semaphore, #tpu.memory_space<semaphore_mem>>)
    %dma_wait3A_430 = arith.constant 0 : i32
    %dma_wait3A_431 = tpu.memref_slice %arg4[%select_n3A, %add3A_393, %dma_wait3A_430] : memref<4x8193x768xf32, #tpu.memory_space<hbm>> -> memref<1x32x768xf32, #tpu.memory_space<hbm>>
    %dma_wait3A_432 = tpu.memref_squeeze %dma_wait3A_431 : memref<1x32x768xf32, #tpu.memory_space<hbm>> -> memref<32x768xf32, #tpu.memory_space<hbm>>
    %dma_wait3A_433 = arith.constant 0 : i32
    %dma_wait3A_434 = tpu.memref_slice %arg4[%select_n3A, %add3A_393, %dma_wait3A_433] : memref<4x8193x768xf32, #tpu.memory_space<hbm>> -> memref<1x32x768xf32, #tpu.memory_space<hbm>>
    %dma_wait3A_435 = tpu.memref_squeeze %dma_wait3A_434 : memref<1x32x768xf32, #tpu.memory_space<hbm>> -> memref<32x768xf32, #tpu.memory_space<hbm>>
    tpu.wait_dma2 semaphore(%arg17 : memref<!tpu.dma_semaphore, #tpu.memory_space<semaphore_mem>>) src(%arg7 : memref<32x768xf32, #tpu.memory_space<vmem>>) dst(%dma_wait3A_435 : memref<32x768xf32, #tpu.memory_space<hbm>>)
    %dma_start3A_436 = arith.constant 16 : i32
    %dma_start3A_437 = arith.constant 0 : i32
    %dma_start3A_438 = tpu.memref_slice %arg5[%dma_start3A_436, %dma_start3A_437] : memref<33x32xi32, #tpu.memory_space<vmem>> -> memref<1x32xi32, #tpu.memory_space<vmem>>
    %dma_start3A_439 = tpu.memref_squeeze %dma_start3A_438 : memref<1x32xi32, #tpu.memory_space<vmem>> -> memref<32xi32, #tpu.memory_space<vmem>>
    %dma_start3A_440 = arith.constant 0 : i32
    %dma_start3A_441 = arith.constant 0 : i32
    %dma_start3A_442 = tpu.memref_slice %arg3[%dma_start3A_440, %dma_start3A_441] : memref<100000x768xf32, #tpu.memory_space<hbm>> -> memref<100000x768xf32, #tpu.memory_space<hbm>>
    tpu.enqueue_indirect_dma source(%dma_start3A_442 : memref<100000x768xf32, #tpu.memory_space<hbm>>) target(%arg7 : memref<32x768xf32, #tpu.memory_space<vmem>>) offsets(%dma_start3A_439 : memref<32xi32, #tpu.memory_space<vmem>>) semaphore(%arg12 : memref<!tpu.dma_semaphore, #tpu.memory_space<semaphore_mem>>)
    %dma_wait3A_443 = arith.constant 13 : i32
    %dma_wait3A_444 = arith.constant 0 : i32
    %dma_wait3A_445 = tpu.memref_slice %arg5[%dma_wait3A_443, %dma_wait3A_444] : memref<33x32xi32, #tpu.memory_space<vmem>> -> memref<1x32xi32, #tpu.memory_space<vmem>>
    %dma_wait3A_446 = tpu.memref_squeeze %dma_wait3A_445 : memref<1x32xi32, #tpu.memory_space<vmem>> -> memref<32xi32, #tpu.memory_space<vmem>>
    %dma_wait3A_447 = arith.constant 0 : i32
    %dma_wait3A_448 = arith.constant 0 : i32
    %dma_wait3A_449 = tpu.memref_slice %arg3[%dma_wait3A_447, %dma_wait3A_448] : memref<100000x768xf32, #tpu.memory_space<hbm>> -> memref<100000x768xf32, #tpu.memory_space<hbm>>
    tpu.wait_indirect_dma semaphore(%arg14 : memref<!tpu.dma_semaphore, #tpu.memory_space<semaphore_mem>>) src(%dma_wait3A_449 : memref<100000x768xf32, #tpu.memory_space<hbm>>) dst(%arg9 : memref<32x768xf32, #tpu.memory_space<vmem>>)
    %mul3A_450 = arith.constant 1024 : i32
    %mul3A_451 = arith.muli %select_n3A_30, %mul3A_450 : i32
    %add3A_452 = arith.constant 416 : i32
    %add3A_453 = arith.addi %mul3A_451, %add3A_452 : i32
    %dma_start3A_454 = arith.constant 0 : i32
    %dma_start3A_455 = tpu.memref_slice %arg4[%select_n3A, %add3A_453, %dma_start3A_454] : memref<4x8193x768xf32, #tpu.memory_space<hbm>> -> memref<1x32x768xf32, #tpu.memory_space<hbm>>
    %dma_start3A_456 = tpu.memref_squeeze %dma_start3A_455 : memref<1x32x768xf32, #tpu.memory_space<hbm>> -> memref<32x768xf32, #tpu.memory_space<hbm>>
    %dma_start3A_457 = arith.constant 0 : i32
    %dma_start3A_458 = tpu.memref_slice %arg4[%select_n3A, %add3A_453, %dma_start3A_457] : memref<4x8193x768xf32, #tpu.memory_space<hbm>> -> memref<1x32x768xf32, #tpu.memory_space<hbm>>
    %dma_start3A_459 = tpu.memref_squeeze %dma_start3A_458 : memref<1x32x768xf32, #tpu.memory_space<hbm>> -> memref<32x768xf32, #tpu.memory_space<hbm>>
    tpu.enqueue_dma source(%arg9 : memref<32x768xf32, #tpu.memory_space<vmem>>) target(%dma_start3A_459 : memref<32x768xf32, #tpu.memory_space<hbm>>) target_semaphore(%arg19 : memref<!tpu.dma_semaphore, #tpu.memory_space<semaphore_mem>>)
    %dma_wait3A_460 = arith.constant 0 : i32
    %dma_wait3A_461 = tpu.memref_slice %arg4[%select_n3A, %add3A_423, %dma_wait3A_460] : memref<4x8193x768xf32, #tpu.memory_space<hbm>> -> memref<1x32x768xf32, #tpu.memory_space<hbm>>
    %dma_wait3A_462 = tpu.memref_squeeze %dma_wait3A_461 : memref<1x32x768xf32, #tpu.memory_space<hbm>> -> memref<32x768xf32, #tpu.memory_space<hbm>>
    %dma_wait3A_463 = arith.constant 0 : i32
    %dma_wait3A_464 = tpu.memref_slice %arg4[%select_n3A, %add3A_423, %dma_wait3A_463] : memref<4x8193x768xf32, #tpu.memory_space<hbm>> -> memref<1x32x768xf32, #tpu.memory_space<hbm>>
    %dma_wait3A_465 = tpu.memref_squeeze %dma_wait3A_464 : memref<1x32x768xf32, #tpu.memory_space<hbm>> -> memref<32x768xf32, #tpu.memory_space<hbm>>
    tpu.wait_dma2 semaphore(%arg18 : memref<!tpu.dma_semaphore, #tpu.memory_space<semaphore_mem>>) src(%arg8 : memref<32x768xf32, #tpu.memory_space<vmem>>) dst(%dma_wait3A_465 : memref<32x768xf32, #tpu.memory_space<hbm>>)
    %dma_start3A_466 = arith.constant 17 : i32
    %dma_start3A_467 = arith.constant 0 : i32
    %dma_start3A_468 = tpu.memref_slice %arg5[%dma_start3A_466, %dma_start3A_467] : memref<33x32xi32, #tpu.memory_space<vmem>> -> memref<1x32xi32, #tpu.memory_space<vmem>>
    %dma_start3A_469 = tpu.memref_squeeze %dma_start3A_468 : memref<1x32xi32, #tpu.memory_space<vmem>> -> memref<32xi32, #tpu.memory_space<vmem>>
    %dma_start3A_470 = arith.constant 0 : i32
    %dma_start3A_471 = arith.constant 0 : i32
    %dma_start3A_472 = tpu.memref_slice %arg3[%dma_start3A_470, %dma_start3A_471] : memref<100000x768xf32, #tpu.memory_space<hbm>> -> memref<100000x768xf32, #tpu.memory_space<hbm>>
    tpu.enqueue_indirect_dma source(%dma_start3A_472 : memref<100000x768xf32, #tpu.memory_space<hbm>>) target(%arg8 : memref<32x768xf32, #tpu.memory_space<vmem>>) offsets(%dma_start3A_469 : memref<32xi32, #tpu.memory_space<vmem>>) semaphore(%arg13 : memref<!tpu.dma_semaphore, #tpu.memory_space<semaphore_mem>>)
    %dma_wait3A_473 = arith.constant 14 : i32
    %dma_wait3A_474 = arith.constant 0 : i32
    %dma_wait3A_475 = tpu.memref_slice %arg5[%dma_wait3A_473, %dma_wait3A_474] : memref<33x32xi32, #tpu.memory_space<vmem>> -> memref<1x32xi32, #tpu.memory_space<vmem>>
    %dma_wait3A_476 = tpu.memref_squeeze %dma_wait3A_475 : memref<1x32xi32, #tpu.memory_space<vmem>> -> memref<32xi32, #tpu.memory_space<vmem>>
    %dma_wait3A_477 = arith.constant 0 : i32
    %dma_wait3A_478 = arith.constant 0 : i32
    %dma_wait3A_479 = tpu.memref_slice %arg3[%dma_wait3A_477, %dma_wait3A_478] : memref<100000x768xf32, #tpu.memory_space<hbm>> -> memref<100000x768xf32, #tpu.memory_space<hbm>>
    tpu.wait_indirect_dma semaphore(%arg15 : memref<!tpu.dma_semaphore, #tpu.memory_space<semaphore_mem>>) src(%dma_wait3A_479 : memref<100000x768xf32, #tpu.memory_space<hbm>>) dst(%arg10 : memref<32x768xf32, #tpu.memory_space<vmem>>)
    %mul3A_480 = arith.constant 1024 : i32
    %mul3A_481 = arith.muli %select_n3A_30, %mul3A_480 : i32
    %add3A_482 = arith.constant 448 : i32
    %add3A_483 = arith.addi %mul3A_481, %add3A_482 : i32
    %dma_start3A_484 = arith.constant 0 : i32
    %dma_start3A_485 = tpu.memref_slice %arg4[%select_n3A, %add3A_483, %dma_start3A_484] : memref<4x8193x768xf32, #tpu.memory_space<hbm>> -> memref<1x32x768xf32, #tpu.memory_space<hbm>>
    %dma_start3A_486 = tpu.memref_squeeze %dma_start3A_485 : memref<1x32x768xf32, #tpu.memory_space<hbm>> -> memref<32x768xf32, #tpu.memory_space<hbm>>
    %dma_start3A_487 = arith.constant 0 : i32
    %dma_start3A_488 = tpu.memref_slice %arg4[%select_n3A, %add3A_483, %dma_start3A_487] : memref<4x8193x768xf32, #tpu.memory_space<hbm>> -> memref<1x32x768xf32, #tpu.memory_space<hbm>>
    %dma_start3A_489 = tpu.memref_squeeze %dma_start3A_488 : memref<1x32x768xf32, #tpu.memory_space<hbm>> -> memref<32x768xf32, #tpu.memory_space<hbm>>
    tpu.enqueue_dma source(%arg10 : memref<32x768xf32, #tpu.memory_space<vmem>>) target(%dma_start3A_489 : memref<32x768xf32, #tpu.memory_space<hbm>>) target_semaphore(%arg20 : memref<!tpu.dma_semaphore, #tpu.memory_space<semaphore_mem>>)
    %dma_wait3A_490 = arith.constant 0 : i32
    %dma_wait3A_491 = tpu.memref_slice %arg4[%select_n3A, %add3A_453, %dma_wait3A_490] : memref<4x8193x768xf32, #tpu.memory_space<hbm>> -> memref<1x32x768xf32, #tpu.memory_space<hbm>>
    %dma_wait3A_492 = tpu.memref_squeeze %dma_wait3A_491 : memref<1x32x768xf32, #tpu.memory_space<hbm>> -> memref<32x768xf32, #tpu.memory_space<hbm>>
    %dma_wait3A_493 = arith.constant 0 : i32
    %dma_wait3A_494 = tpu.memref_slice %arg4[%select_n3A, %add3A_453, %dma_wait3A_493] : memref<4x8193x768xf32, #tpu.memory_space<hbm>> -> memref<1x32x768xf32, #tpu.memory_space<hbm>>
    %dma_wait3A_495 = tpu.memref_squeeze %dma_wait3A_494 : memref<1x32x768xf32, #tpu.memory_space<hbm>> -> memref<32x768xf32, #tpu.memory_space<hbm>>
    tpu.wait_dma2 semaphore(%arg19 : memref<!tpu.dma_semaphore, #tpu.memory_space<semaphore_mem>>) src(%arg9 : memref<32x768xf32, #tpu.memory_space<vmem>>) dst(%dma_wait3A_495 : memref<32x768xf32, #tpu.memory_space<hbm>>)
    %dma_start3A_496 = arith.constant 18 : i32
    %dma_start3A_497 = arith.constant 0 : i32
    %dma_start3A_498 = tpu.memref_slice %arg5[%dma_start3A_496, %dma_start3A_497] : memref<33x32xi32, #tpu.memory_space<vmem>> -> memref<1x32xi32, #tpu.memory_space<vmem>>
    %dma_start3A_499 = tpu.memref_squeeze %dma_start3A_498 : memref<1x32xi32, #tpu.memory_space<vmem>> -> memref<32xi32, #tpu.memory_space<vmem>>
    %dma_start3A_500 = arith.constant 0 : i32
    %dma_start3A_501 = arith.constant 0 : i32
    %dma_start3A_502 = tpu.memref_slice %arg3[%dma_start3A_500, %dma_start3A_501] : memref<100000x768xf32, #tpu.memory_space<hbm>> -> memref<100000x768xf32, #tpu.memory_space<hbm>>
    tpu.enqueue_indirect_dma source(%dma_start3A_502 : memref<100000x768xf32, #tpu.memory_space<hbm>>) target(%arg9 : memref<32x768xf32, #tpu.memory_space<vmem>>) offsets(%dma_start3A_499 : memref<32xi32, #tpu.memory_space<vmem>>) semaphore(%arg14 : memref<!tpu.dma_semaphore, #tpu.memory_space<semaphore_mem>>)
    %dma_wait3A_503 = arith.constant 15 : i32
    %dma_wait3A_504 = arith.constant 0 : i32
    %dma_wait3A_505 = tpu.memref_slice %arg5[%dma_wait3A_503, %dma_wait3A_504] : memref<33x32xi32, #tpu.memory_space<vmem>> -> memref<1x32xi32, #tpu.memory_space<vmem>>
    %dma_wait3A_506 = tpu.memref_squeeze %dma_wait3A_505 : memref<1x32xi32, #tpu.memory_space<vmem>> -> memref<32xi32, #tpu.memory_space<vmem>>
    %dma_wait3A_507 = arith.constant 0 : i32
    %dma_wait3A_508 = arith.constant 0 : i32
    %dma_wait3A_509 = tpu.memref_slice %arg3[%dma_wait3A_507, %dma_wait3A_508] : memref<100000x768xf32, #tpu.memory_space<hbm>> -> memref<100000x768xf32, #tpu.memory_space<hbm>>
    tpu.wait_indirect_dma semaphore(%arg11 : memref<!tpu.dma_semaphore, #tpu.memory_space<semaphore_mem>>) src(%dma_wait3A_509 : memref<100000x768xf32, #tpu.memory_space<hbm>>) dst(%arg6 : memref<32x768xf32, #tpu.memory_space<vmem>>)
    %mul3A_510 = arith.constant 1024 : i32
    %mul3A_511 = arith.muli %select_n3A_30, %mul3A_510 : i32
    %add3A_512 = arith.constant 480 : i32
    %add3A_513 = arith.addi %mul3A_511, %add3A_512 : i32
    %dma_start3A_514 = arith.constant 0 : i32
    %dma_start3A_515 = tpu.memref_slice %arg4[%select_n3A, %add3A_513, %dma_start3A_514] : memref<4x8193x768xf32, #tpu.memory_space<hbm>> -> memref<1x32x768xf32, #tpu.memory_space<hbm>>
    %dma_start3A_516 = tpu.memref_squeeze %dma_start3A_515 : memref<1x32x768xf32, #tpu.memory_space<hbm>> -> memref<32x768xf32, #tpu.memory_space<hbm>>
    %dma_start3A_517 = arith.constant 0 : i32
    %dma_start3A_518 = tpu.memref_slice %arg4[%select_n3A, %add3A_513, %dma_start3A_517] : memref<4x8193x768xf32, #tpu.memory_space<hbm>> -> memref<1x32x768xf32, #tpu.memory_space<hbm>>
    %dma_start3A_519 = tpu.memref_squeeze %dma_start3A_518 : memref<1x32x768xf32, #tpu.memory_space<hbm>> -> memref<32x768xf32, #tpu.memory_space<hbm>>
    tpu.enqueue_dma source(%arg6 : memref<32x768xf32, #tpu.memory_space<vmem>>) target(%dma_start3A_519 : memref<32x768xf32, #tpu.memory_space<hbm>>) target_semaphore(%arg16 : memref<!tpu.dma_semaphore, #tpu.memory_space<semaphore_mem>>)
    %dma_wait3A_520 = arith.constant 0 : i32
    %dma_wait3A_521 = tpu.memref_slice %arg4[%select_n3A, %add3A_483, %dma_wait3A_520] : memref<4x8193x768xf32, #tpu.memory_space<hbm>> -> memref<1x32x768xf32, #tpu.memory_space<hbm>>
    %dma_wait3A_522 = tpu.memref_squeeze %dma_wait3A_521 : memref<1x32x768xf32, #tpu.memory_space<hbm>> -> memref<32x768xf32, #tpu.memory_space<hbm>>
    %dma_wait3A_523 = arith.constant 0 : i32
    %dma_wait3A_524 = tpu.memref_slice %arg4[%select_n3A, %add3A_483, %dma_wait3A_523] : memref<4x8193x768xf32, #tpu.memory_space<hbm>> -> memref<1x32x768xf32, #tpu.memory_space<hbm>>
    %dma_wait3A_525 = tpu.memref_squeeze %dma_wait3A_524 : memref<1x32x768xf32, #tpu.memory_space<hbm>> -> memref<32x768xf32, #tpu.memory_space<hbm>>
    tpu.wait_dma2 semaphore(%arg20 : memref<!tpu.dma_semaphore, #tpu.memory_space<semaphore_mem>>) src(%arg10 : memref<32x768xf32, #tpu.memory_space<vmem>>) dst(%dma_wait3A_525 : memref<32x768xf32, #tpu.memory_space<hbm>>)
    %dma_start3A_526 = arith.constant 19 : i32
    %dma_start3A_527 = arith.constant 0 : i32
    %dma_start3A_528 = tpu.memref_slice %arg5[%dma_start3A_526, %dma_start3A_527] : memref<33x32xi32, #tpu.memory_space<vmem>> -> memref<1x32xi32, #tpu.memory_space<vmem>>
    %dma_start3A_529 = tpu.memref_squeeze %dma_start3A_528 : memref<1x32xi32, #tpu.memory_space<vmem>> -> memref<32xi32, #tpu.memory_space<vmem>>
    %dma_start3A_530 = arith.constant 0 : i32
    %dma_start3A_531 = arith.constant 0 : i32
    %dma_start3A_532 = tpu.memref_slice %arg3[%dma_start3A_530, %dma_start3A_531] : memref<100000x768xf32, #tpu.memory_space<hbm>> -> memref<100000x768xf32, #tpu.memory_space<hbm>>
    tpu.enqueue_indirect_dma source(%dma_start3A_532 : memref<100000x768xf32, #tpu.memory_space<hbm>>) target(%arg10 : memref<32x768xf32, #tpu.memory_space<vmem>>) offsets(%dma_start3A_529 : memref<32xi32, #tpu.memory_space<vmem>>) semaphore(%arg15 : memref<!tpu.dma_semaphore, #tpu.memory_space<semaphore_mem>>)
    %dma_wait3A_533 = arith.constant 16 : i32
    %dma_wait3A_534 = arith.constant 0 : i32
    %dma_wait3A_535 = tpu.memref_slice %arg5[%dma_wait3A_533, %dma_wait3A_534] : memref<33x32xi32, #tpu.memory_space<vmem>> -> memref<1x32xi32, #tpu.memory_space<vmem>>
    %dma_wait3A_536 = tpu.memref_squeeze %dma_wait3A_535 : memref<1x32xi32, #tpu.memory_space<vmem>> -> memref<32xi32, #tpu.memory_space<vmem>>
    %dma_wait3A_537 = arith.constant 0 : i32
    %dma_wait3A_538 = arith.constant 0 : i32
    %dma_wait3A_539 = tpu.memref_slice %arg3[%dma_wait3A_537, %dma_wait3A_538] : memref<100000x768xf32, #tpu.memory_space<hbm>> -> memref<100000x768xf32, #tpu.memory_space<hbm>>
    tpu.wait_indirect_dma semaphore(%arg12 : memref<!tpu.dma_semaphore, #tpu.memory_space<semaphore_mem>>) src(%dma_wait3A_539 : memref<100000x768xf32, #tpu.memory_space<hbm>>) dst(%arg7 : memref<32x768xf32, #tpu.memory_space<vmem>>)
    %mul3A_540 = arith.constant 1024 : i32
    %mul3A_541 = arith.muli %select_n3A_30, %mul3A_540 : i32
    %add3A_542 = arith.constant 512 : i32
    %add3A_543 = arith.addi %mul3A_541, %add3A_542 : i32
    %dma_start3A_544 = arith.constant 0 : i32
    %dma_start3A_545 = tpu.memref_slice %arg4[%select_n3A, %add3A_543, %dma_start3A_544] : memref<4x8193x768xf32, #tpu.memory_space<hbm>> -> memref<1x32x768xf32, #tpu.memory_space<hbm>>
    %dma_start3A_546 = tpu.memref_squeeze %dma_start3A_545 : memref<1x32x768xf32, #tpu.memory_space<hbm>> -> memref<32x768xf32, #tpu.memory_space<hbm>>
    %dma_start3A_547 = arith.constant 0 : i32
    %dma_start3A_548 = tpu.memref_slice %arg4[%select_n3A, %add3A_543, %dma_start3A_547] : memref<4x8193x768xf32, #tpu.memory_space<hbm>> -> memref<1x32x768xf32, #tpu.memory_space<hbm>>
    %dma_start3A_549 = tpu.memref_squeeze %dma_start3A_548 : memref<1x32x768xf32, #tpu.memory_space<hbm>> -> memref<32x768xf32, #tpu.memory_space<hbm>>
    tpu.enqueue_dma source(%arg7 : memref<32x768xf32, #tpu.memory_space<vmem>>) target(%dma_start3A_549 : memref<32x768xf32, #tpu.memory_space<hbm>>) target_semaphore(%arg17 : memref<!tpu.dma_semaphore, #tpu.memory_space<semaphore_mem>>)
    %dma_wait3A_550 = arith.constant 0 : i32
    %dma_wait3A_551 = tpu.memref_slice %arg4[%select_n3A, %add3A_513, %dma_wait3A_550] : memref<4x8193x768xf32, #tpu.memory_space<hbm>> -> memref<1x32x768xf32, #tpu.memory_space<hbm>>
    %dma_wait3A_552 = tpu.memref_squeeze %dma_wait3A_551 : memref<1x32x768xf32, #tpu.memory_space<hbm>> -> memref<32x768xf32, #tpu.memory_space<hbm>>
    %dma_wait3A_553 = arith.constant 0 : i32
    %dma_wait3A_554 = tpu.memref_slice %arg4[%select_n3A, %add3A_513, %dma_wait3A_553] : memref<4x8193x768xf32, #tpu.memory_space<hbm>> -> memref<1x32x768xf32, #tpu.memory_space<hbm>>
    %dma_wait3A_555 = tpu.memref_squeeze %dma_wait3A_554 : memref<1x32x768xf32, #tpu.memory_space<hbm>> -> memref<32x768xf32, #tpu.memory_space<hbm>>
    tpu.wait_dma2 semaphore(%arg16 : memref<!tpu.dma_semaphore, #tpu.memory_space<semaphore_mem>>) src(%arg6 : memref<32x768xf32, #tpu.memory_space<vmem>>) dst(%dma_wait3A_555 : memref<32x768xf32, #tpu.memory_space<hbm>>)
    %dma_start3A_556 = arith.constant 20 : i32
    %dma_start3A_557 = arith.constant 0 : i32
    %dma_start3A_558 = tpu.memref_slice %arg5[%dma_start3A_556, %dma_start3A_557] : memref<33x32xi32, #tpu.memory_space<vmem>> -> memref<1x32xi32, #tpu.memory_space<vmem>>
    %dma_start3A_559 = tpu.memref_squeeze %dma_start3A_558 : memref<1x32xi32, #tpu.memory_space<vmem>> -> memref<32xi32, #tpu.memory_space<vmem>>
    %dma_start3A_560 = arith.constant 0 : i32
    %dma_start3A_561 = arith.constant 0 : i32
    %dma_start3A_562 = tpu.memref_slice %arg3[%dma_start3A_560, %dma_start3A_561] : memref<100000x768xf32, #tpu.memory_space<hbm>> -> memref<100000x768xf32, #tpu.memory_space<hbm>>
    tpu.enqueue_indirect_dma source(%dma_start3A_562 : memref<100000x768xf32, #tpu.memory_space<hbm>>) target(%arg6 : memref<32x768xf32, #tpu.memory_space<vmem>>) offsets(%dma_start3A_559 : memref<32xi32, #tpu.memory_space<vmem>>) semaphore(%arg11 : memref<!tpu.dma_semaphore, #tpu.memory_space<semaphore_mem>>)
    %dma_wait3A_563 = arith.constant 17 : i32
    %dma_wait3A_564 = arith.constant 0 : i32
    %dma_wait3A_565 = tpu.memref_slice %arg5[%dma_wait3A_563, %dma_wait3A_564] : memref<33x32xi32, #tpu.memory_space<vmem>> -> memref<1x32xi32, #tpu.memory_space<vmem>>
    %dma_wait3A_566 = tpu.memref_squeeze %dma_wait3A_565 : memref<1x32xi32, #tpu.memory_space<vmem>> -> memref<32xi32, #tpu.memory_space<vmem>>
    %dma_wait3A_567 = arith.constant 0 : i32
    %dma_wait3A_568 = arith.constant 0 : i32
    %dma_wait3A_569 = tpu.memref_slice %arg3[%dma_wait3A_567, %dma_wait3A_568] : memref<100000x768xf32, #tpu.memory_space<hbm>> -> memref<100000x768xf32, #tpu.memory_space<hbm>>
    tpu.wait_indirect_dma semaphore(%arg13 : memref<!tpu.dma_semaphore, #tpu.memory_space<semaphore_mem>>) src(%dma_wait3A_569 : memref<100000x768xf32, #tpu.memory_space<hbm>>) dst(%arg8 : memref<32x768xf32, #tpu.memory_space<vmem>>)
    %mul3A_570 = arith.constant 1024 : i32
    %mul3A_571 = arith.muli %select_n3A_30, %mul3A_570 : i32
    %add3A_572 = arith.constant 544 : i32
    %add3A_573 = arith.addi %mul3A_571, %add3A_572 : i32
    %dma_start3A_574 = arith.constant 0 : i32
    %dma_start3A_575 = tpu.memref_slice %arg4[%select_n3A, %add3A_573, %dma_start3A_574] : memref<4x8193x768xf32, #tpu.memory_space<hbm>> -> memref<1x32x768xf32, #tpu.memory_space<hbm>>
    %dma_start3A_576 = tpu.memref_squeeze %dma_start3A_575 : memref<1x32x768xf32, #tpu.memory_space<hbm>> -> memref<32x768xf32, #tpu.memory_space<hbm>>
    %dma_start3A_577 = arith.constant 0 : i32
    %dma_start3A_578 = tpu.memref_slice %arg4[%select_n3A, %add3A_573, %dma_start3A_577] : memref<4x8193x768xf32, #tpu.memory_space<hbm>> -> memref<1x32x768xf32, #tpu.memory_space<hbm>>
    %dma_start3A_579 = tpu.memref_squeeze %dma_start3A_578 : memref<1x32x768xf32, #tpu.memory_space<hbm>> -> memref<32x768xf32, #tpu.memory_space<hbm>>
    tpu.enqueue_dma source(%arg8 : memref<32x768xf32, #tpu.memory_space<vmem>>) target(%dma_start3A_579 : memref<32x768xf32, #tpu.memory_space<hbm>>) target_semaphore(%arg18 : memref<!tpu.dma_semaphore, #tpu.memory_space<semaphore_mem>>)
    %dma_wait3A_580 = arith.constant 0 : i32
    %dma_wait3A_581 = tpu.memref_slice %arg4[%select_n3A, %add3A_543, %dma_wait3A_580] : memref<4x8193x768xf32, #tpu.memory_space<hbm>> -> memref<1x32x768xf32, #tpu.memory_space<hbm>>
    %dma_wait3A_582 = tpu.memref_squeeze %dma_wait3A_581 : memref<1x32x768xf32, #tpu.memory_space<hbm>> -> memref<32x768xf32, #tpu.memory_space<hbm>>
    %dma_wait3A_583 = arith.constant 0 : i32
    %dma_wait3A_584 = tpu.memref_slice %arg4[%select_n3A, %add3A_543, %dma_wait3A_583] : memref<4x8193x768xf32, #tpu.memory_space<hbm>> -> memref<1x32x768xf32, #tpu.memory_space<hbm>>
    %dma_wait3A_585 = tpu.memref_squeeze %dma_wait3A_584 : memref<1x32x768xf32, #tpu.memory_space<hbm>> -> memref<32x768xf32, #tpu.memory_space<hbm>>
    tpu.wait_dma2 semaphore(%arg17 : memref<!tpu.dma_semaphore, #tpu.memory_space<semaphore_mem>>) src(%arg7 : memref<32x768xf32, #tpu.memory_space<vmem>>) dst(%dma_wait3A_585 : memref<32x768xf32, #tpu.memory_space<hbm>>)
    %dma_start3A_586 = arith.constant 21 : i32
    %dma_start3A_587 = arith.constant 0 : i32
    %dma_start3A_588 = tpu.memref_slice %arg5[%dma_start3A_586, %dma_start3A_587] : memref<33x32xi32, #tpu.memory_space<vmem>> -> memref<1x32xi32, #tpu.memory_space<vmem>>
    %dma_start3A_589 = tpu.memref_squeeze %dma_start3A_588 : memref<1x32xi32, #tpu.memory_space<vmem>> -> memref<32xi32, #tpu.memory_space<vmem>>
    %dma_start3A_590 = arith.constant 0 : i32
    %dma_start3A_591 = arith.constant 0 : i32
    %dma_start3A_592 = tpu.memref_slice %arg3[%dma_start3A_590, %dma_start3A_591] : memref<100000x768xf32, #tpu.memory_space<hbm>> -> memref<100000x768xf32, #tpu.memory_space<hbm>>
    tpu.enqueue_indirect_dma source(%dma_start3A_592 : memref<100000x768xf32, #tpu.memory_space<hbm>>) target(%arg7 : memref<32x768xf32, #tpu.memory_space<vmem>>) offsets(%dma_start3A_589 : memref<32xi32, #tpu.memory_space<vmem>>) semaphore(%arg12 : memref<!tpu.dma_semaphore, #tpu.memory_space<semaphore_mem>>)
    %dma_wait3A_593 = arith.constant 18 : i32
    %dma_wait3A_594 = arith.constant 0 : i32
    %dma_wait3A_595 = tpu.memref_slice %arg5[%dma_wait3A_593, %dma_wait3A_594] : memref<33x32xi32, #tpu.memory_space<vmem>> -> memref<1x32xi32, #tpu.memory_space<vmem>>
    %dma_wait3A_596 = tpu.memref_squeeze %dma_wait3A_595 : memref<1x32xi32, #tpu.memory_space<vmem>> -> memref<32xi32, #tpu.memory_space<vmem>>
    %dma_wait3A_597 = arith.constant 0 : i32
    %dma_wait3A_598 = arith.constant 0 : i32
    %dma_wait3A_599 = tpu.memref_slice %arg3[%dma_wait3A_597, %dma_wait3A_598] : memref<100000x768xf32, #tpu.memory_space<hbm>> -> memref<100000x768xf32, #tpu.memory_space<hbm>>
    tpu.wait_indirect_dma semaphore(%arg14 : memref<!tpu.dma_semaphore, #tpu.memory_space<semaphore_mem>>) src(%dma_wait3A_599 : memref<100000x768xf32, #tpu.memory_space<hbm>>) dst(%arg9 : memref<32x768xf32, #tpu.memory_space<vmem>>)
    %mul3A_600 = arith.constant 1024 : i32
    %mul3A_601 = arith.muli %select_n3A_30, %mul3A_600 : i32
    %add3A_602 = arith.constant 576 : i32
    %add3A_603 = arith.addi %mul3A_601, %add3A_602 : i32
    %dma_start3A_604 = arith.constant 0 : i32
    %dma_start3A_605 = tpu.memref_slice %arg4[%select_n3A, %add3A_603, %dma_start3A_604] : memref<4x8193x768xf32, #tpu.memory_space<hbm>> -> memref<1x32x768xf32, #tpu.memory_space<hbm>>
    %dma_start3A_606 = tpu.memref_squeeze %dma_start3A_605 : memref<1x32x768xf32, #tpu.memory_space<hbm>> -> memref<32x768xf32, #tpu.memory_space<hbm>>
    %dma_start3A_607 = arith.constant 0 : i32
    %dma_start3A_608 = tpu.memref_slice %arg4[%select_n3A, %add3A_603, %dma_start3A_607] : memref<4x8193x768xf32, #tpu.memory_space<hbm>> -> memref<1x32x768xf32, #tpu.memory_space<hbm>>
    %dma_start3A_609 = tpu.memref_squeeze %dma_start3A_608 : memref<1x32x768xf32, #tpu.memory_space<hbm>> -> memref<32x768xf32, #tpu.memory_space<hbm>>
    tpu.enqueue_dma source(%arg9 : memref<32x768xf32, #tpu.memory_space<vmem>>) target(%dma_start3A_609 : memref<32x768xf32, #tpu.memory_space<hbm>>) target_semaphore(%arg19 : memref<!tpu.dma_semaphore, #tpu.memory_space<semaphore_mem>>)
    %dma_wait3A_610 = arith.constant 0 : i32
    %dma_wait3A_611 = tpu.memref_slice %arg4[%select_n3A, %add3A_573, %dma_wait3A_610] : memref<4x8193x768xf32, #tpu.memory_space<hbm>> -> memref<1x32x768xf32, #tpu.memory_space<hbm>>
    %dma_wait3A_612 = tpu.memref_squeeze %dma_wait3A_611 : memref<1x32x768xf32, #tpu.memory_space<hbm>> -> memref<32x768xf32, #tpu.memory_space<hbm>>
    %dma_wait3A_613 = arith.constant 0 : i32
    %dma_wait3A_614 = tpu.memref_slice %arg4[%select_n3A, %add3A_573, %dma_wait3A_613] : memref<4x8193x768xf32, #tpu.memory_space<hbm>> -> memref<1x32x768xf32, #tpu.memory_space<hbm>>
    %dma_wait3A_615 = tpu.memref_squeeze %dma_wait3A_614 : memref<1x32x768xf32, #tpu.memory_space<hbm>> -> memref<32x768xf32, #tpu.memory_space<hbm>>
    tpu.wait_dma2 semaphore(%arg18 : memref<!tpu.dma_semaphore, #tpu.memory_space<semaphore_mem>>) src(%arg8 : memref<32x768xf32, #tpu.memory_space<vmem>>) dst(%dma_wait3A_615 : memref<32x768xf32, #tpu.memory_space<hbm>>)
    %dma_start3A_616 = arith.constant 22 : i32
    %dma_start3A_617 = arith.constant 0 : i32
    %dma_start3A_618 = tpu.memref_slice %arg5[%dma_start3A_616, %dma_start3A_617] : memref<33x32xi32, #tpu.memory_space<vmem>> -> memref<1x32xi32, #tpu.memory_space<vmem>>
    %dma_start3A_619 = tpu.memref_squeeze %dma_start3A_618 : memref<1x32xi32, #tpu.memory_space<vmem>> -> memref<32xi32, #tpu.memory_space<vmem>>
    %dma_start3A_620 = arith.constant 0 : i32
    %dma_start3A_621 = arith.constant 0 : i32
    %dma_start3A_622 = tpu.memref_slice %arg3[%dma_start3A_620, %dma_start3A_621] : memref<100000x768xf32, #tpu.memory_space<hbm>> -> memref<100000x768xf32, #tpu.memory_space<hbm>>
    tpu.enqueue_indirect_dma source(%dma_start3A_622 : memref<100000x768xf32, #tpu.memory_space<hbm>>) target(%arg8 : memref<32x768xf32, #tpu.memory_space<vmem>>) offsets(%dma_start3A_619 : memref<32xi32, #tpu.memory_space<vmem>>) semaphore(%arg13 : memref<!tpu.dma_semaphore, #tpu.memory_space<semaphore_mem>>)
    %dma_wait3A_623 = arith.constant 19 : i32
    %dma_wait3A_624 = arith.constant 0 : i32
    %dma_wait3A_625 = tpu.memref_slice %arg5[%dma_wait3A_623, %dma_wait3A_624] : memref<33x32xi32, #tpu.memory_space<vmem>> -> memref<1x32xi32, #tpu.memory_space<vmem>>
    %dma_wait3A_626 = tpu.memref_squeeze %dma_wait3A_625 : memref<1x32xi32, #tpu.memory_space<vmem>> -> memref<32xi32, #tpu.memory_space<vmem>>
    %dma_wait3A_627 = arith.constant 0 : i32
    %dma_wait3A_628 = arith.constant 0 : i32
    %dma_wait3A_629 = tpu.memref_slice %arg3[%dma_wait3A_627, %dma_wait3A_628] : memref<100000x768xf32, #tpu.memory_space<hbm>> -> memref<100000x768xf32, #tpu.memory_space<hbm>>
    tpu.wait_indirect_dma semaphore(%arg15 : memref<!tpu.dma_semaphore, #tpu.memory_space<semaphore_mem>>) src(%dma_wait3A_629 : memref<100000x768xf32, #tpu.memory_space<hbm>>) dst(%arg10 : memref<32x768xf32, #tpu.memory_space<vmem>>)
    %mul3A_630 = arith.constant 1024 : i32
    %mul3A_631 = arith.muli %select_n3A_30, %mul3A_630 : i32
    %add3A_632 = arith.constant 608 : i32
    %add3A_633 = arith.addi %mul3A_631, %add3A_632 : i32
    %dma_start3A_634 = arith.constant 0 : i32
    %dma_start3A_635 = tpu.memref_slice %arg4[%select_n3A, %add3A_633, %dma_start3A_634] : memref<4x8193x768xf32, #tpu.memory_space<hbm>> -> memref<1x32x768xf32, #tpu.memory_space<hbm>>
    %dma_start3A_636 = tpu.memref_squeeze %dma_start3A_635 : memref<1x32x768xf32, #tpu.memory_space<hbm>> -> memref<32x768xf32, #tpu.memory_space<hbm>>
    %dma_start3A_637 = arith.constant 0 : i32
    %dma_start3A_638 = tpu.memref_slice %arg4[%select_n3A, %add3A_633, %dma_start3A_637] : memref<4x8193x768xf32, #tpu.memory_space<hbm>> -> memref<1x32x768xf32, #tpu.memory_space<hbm>>
    %dma_start3A_639 = tpu.memref_squeeze %dma_start3A_638 : memref<1x32x768xf32, #tpu.memory_space<hbm>> -> memref<32x768xf32, #tpu.memory_space<hbm>>
    tpu.enqueue_dma source(%arg10 : memref<32x768xf32, #tpu.memory_space<vmem>>) target(%dma_start3A_639 : memref<32x768xf32, #tpu.memory_space<hbm>>) target_semaphore(%arg20 : memref<!tpu.dma_semaphore, #tpu.memory_space<semaphore_mem>>)
    %dma_wait3A_640 = arith.constant 0 : i32
    %dma_wait3A_641 = tpu.memref_slice %arg4[%select_n3A, %add3A_603, %dma_wait3A_640] : memref<4x8193x768xf32, #tpu.memory_space<hbm>> -> memref<1x32x768xf32, #tpu.memory_space<hbm>>
    %dma_wait3A_642 = tpu.memref_squeeze %dma_wait3A_641 : memref<1x32x768xf32, #tpu.memory_space<hbm>> -> memref<32x768xf32, #tpu.memory_space<hbm>>
    %dma_wait3A_643 = arith.constant 0 : i32
    %dma_wait3A_644 = tpu.memref_slice %arg4[%select_n3A, %add3A_603, %dma_wait3A_643] : memref<4x8193x768xf32, #tpu.memory_space<hbm>> -> memref<1x32x768xf32, #tpu.memory_space<hbm>>
    %dma_wait3A_645 = tpu.memref_squeeze %dma_wait3A_644 : memref<1x32x768xf32, #tpu.memory_space<hbm>> -> memref<32x768xf32, #tpu.memory_space<hbm>>
    tpu.wait_dma2 semaphore(%arg19 : memref<!tpu.dma_semaphore, #tpu.memory_space<semaphore_mem>>) src(%arg9 : memref<32x768xf32, #tpu.memory_space<vmem>>) dst(%dma_wait3A_645 : memref<32x768xf32, #tpu.memory_space<hbm>>)
    %dma_start3A_646 = arith.constant 23 : i32
    %dma_start3A_647 = arith.constant 0 : i32
    %dma_start3A_648 = tpu.memref_slice %arg5[%dma_start3A_646, %dma_start3A_647] : memref<33x32xi32, #tpu.memory_space<vmem>> -> memref<1x32xi32, #tpu.memory_space<vmem>>
    %dma_start3A_649 = tpu.memref_squeeze %dma_start3A_648 : memref<1x32xi32, #tpu.memory_space<vmem>> -> memref<32xi32, #tpu.memory_space<vmem>>
    %dma_start3A_650 = arith.constant 0 : i32
    %dma_start3A_651 = arith.constant 0 : i32
    %dma_start3A_652 = tpu.memref_slice %arg3[%dma_start3A_650, %dma_start3A_651] : memref<100000x768xf32, #tpu.memory_space<hbm>> -> memref<100000x768xf32, #tpu.memory_space<hbm>>
    tpu.enqueue_indirect_dma source(%dma_start3A_652 : memref<100000x768xf32, #tpu.memory_space<hbm>>) target(%arg9 : memref<32x768xf32, #tpu.memory_space<vmem>>) offsets(%dma_start3A_649 : memref<32xi32, #tpu.memory_space<vmem>>) semaphore(%arg14 : memref<!tpu.dma_semaphore, #tpu.memory_space<semaphore_mem>>)
    %dma_wait3A_653 = arith.constant 20 : i32
    %dma_wait3A_654 = arith.constant 0 : i32
    %dma_wait3A_655 = tpu.memref_slice %arg5[%dma_wait3A_653, %dma_wait3A_654] : memref<33x32xi32, #tpu.memory_space<vmem>> -> memref<1x32xi32, #tpu.memory_space<vmem>>
    %dma_wait3A_656 = tpu.memref_squeeze %dma_wait3A_655 : memref<1x32xi32, #tpu.memory_space<vmem>> -> memref<32xi32, #tpu.memory_space<vmem>>
    %dma_wait3A_657 = arith.constant 0 : i32
    %dma_wait3A_658 = arith.constant 0 : i32
    %dma_wait3A_659 = tpu.memref_slice %arg3[%dma_wait3A_657, %dma_wait3A_658] : memref<100000x768xf32, #tpu.memory_space<hbm>> -> memref<100000x768xf32, #tpu.memory_space<hbm>>
    tpu.wait_indirect_dma semaphore(%arg11 : memref<!tpu.dma_semaphore, #tpu.memory_space<semaphore_mem>>) src(%dma_wait3A_659 : memref<100000x768xf32, #tpu.memory_space<hbm>>) dst(%arg6 : memref<32x768xf32, #tpu.memory_space<vmem>>)
    %mul3A_660 = arith.constant 1024 : i32
    %mul3A_661 = arith.muli %select_n3A_30, %mul3A_660 : i32
    %add3A_662 = arith.constant 640 : i32
    %add3A_663 = arith.addi %mul3A_661, %add3A_662 : i32
    %dma_start3A_664 = arith.constant 0 : i32
    %dma_start3A_665 = tpu.memref_slice %arg4[%select_n3A, %add3A_663, %dma_start3A_664] : memref<4x8193x768xf32, #tpu.memory_space<hbm>> -> memref<1x32x768xf32, #tpu.memory_space<hbm>>
    %dma_start3A_666 = tpu.memref_squeeze %dma_start3A_665 : memref<1x32x768xf32, #tpu.memory_space<hbm>> -> memref<32x768xf32, #tpu.memory_space<hbm>>
    %dma_start3A_667 = arith.constant 0 : i32
    %dma_start3A_668 = tpu.memref_slice %arg4[%select_n3A, %add3A_663, %dma_start3A_667] : memref<4x8193x768xf32, #tpu.memory_space<hbm>> -> memref<1x32x768xf32, #tpu.memory_space<hbm>>
    %dma_start3A_669 = tpu.memref_squeeze %dma_start3A_668 : memref<1x32x768xf32, #tpu.memory_space<hbm>> -> memref<32x768xf32, #tpu.memory_space<hbm>>
    tpu.enqueue_dma source(%arg6 : memref<32x768xf32, #tpu.memory_space<vmem>>) target(%dma_start3A_669 : memref<32x768xf32, #tpu.memory_space<hbm>>) target_semaphore(%arg16 : memref<!tpu.dma_semaphore, #tpu.memory_space<semaphore_mem>>)
    %dma_wait3A_670 = arith.constant 0 : i32
    %dma_wait3A_671 = tpu.memref_slice %arg4[%select_n3A, %add3A_633, %dma_wait3A_670] : memref<4x8193x768xf32, #tpu.memory_space<hbm>> -> memref<1x32x768xf32, #tpu.memory_space<hbm>>
    %dma_wait3A_672 = tpu.memref_squeeze %dma_wait3A_671 : memref<1x32x768xf32, #tpu.memory_space<hbm>> -> memref<32x768xf32, #tpu.memory_space<hbm>>
    %dma_wait3A_673 = arith.constant 0 : i32
    %dma_wait3A_674 = tpu.memref_slice %arg4[%select_n3A, %add3A_633, %dma_wait3A_673] : memref<4x8193x768xf32, #tpu.memory_space<hbm>> -> memref<1x32x768xf32, #tpu.memory_space<hbm>>
    %dma_wait3A_675 = tpu.memref_squeeze %dma_wait3A_674 : memref<1x32x768xf32, #tpu.memory_space<hbm>> -> memref<32x768xf32, #tpu.memory_space<hbm>>
    tpu.wait_dma2 semaphore(%arg20 : memref<!tpu.dma_semaphore, #tpu.memory_space<semaphore_mem>>) src(%arg10 : memref<32x768xf32, #tpu.memory_space<vmem>>) dst(%dma_wait3A_675 : memref<32x768xf32, #tpu.memory_space<hbm>>)
    %dma_start3A_676 = arith.constant 24 : i32
    %dma_start3A_677 = arith.constant 0 : i32
    %dma_start3A_678 = tpu.memref_slice %arg5[%dma_start3A_676, %dma_start3A_677] : memref<33x32xi32, #tpu.memory_space<vmem>> -> memref<1x32xi32, #tpu.memory_space<vmem>>
    %dma_start3A_679 = tpu.memref_squeeze %dma_start3A_678 : memref<1x32xi32, #tpu.memory_space<vmem>> -> memref<32xi32, #tpu.memory_space<vmem>>
    %dma_start3A_680 = arith.constant 0 : i32
    %dma_start3A_681 = arith.constant 0 : i32
    %dma_start3A_682 = tpu.memref_slice %arg3[%dma_start3A_680, %dma_start3A_681] : memref<100000x768xf32, #tpu.memory_space<hbm>> -> memref<100000x768xf32, #tpu.memory_space<hbm>>
    tpu.enqueue_indirect_dma source(%dma_start3A_682 : memref<100000x768xf32, #tpu.memory_space<hbm>>) target(%arg10 : memref<32x768xf32, #tpu.memory_space<vmem>>) offsets(%dma_start3A_679 : memref<32xi32, #tpu.memory_space<vmem>>) semaphore(%arg15 : memref<!tpu.dma_semaphore, #tpu.memory_space<semaphore_mem>>)
    %dma_wait3A_683 = arith.constant 21 : i32
    %dma_wait3A_684 = arith.constant 0 : i32
    %dma_wait3A_685 = tpu.memref_slice %arg5[%dma_wait3A_683, %dma_wait3A_684] : memref<33x32xi32, #tpu.memory_space<vmem>> -> memref<1x32xi32, #tpu.memory_space<vmem>>
    %dma_wait3A_686 = tpu.memref_squeeze %dma_wait3A_685 : memref<1x32xi32, #tpu.memory_space<vmem>> -> memref<32xi32, #tpu.memory_space<vmem>>
    %dma_wait3A_687 = arith.constant 0 : i32
    %dma_wait3A_688 = arith.constant 0 : i32
    %dma_wait3A_689 = tpu.memref_slice %arg3[%dma_wait3A_687, %dma_wait3A_688] : memref<100000x768xf32, #tpu.memory_space<hbm>> -> memref<100000x768xf32, #tpu.memory_space<hbm>>
    tpu.wait_indirect_dma semaphore(%arg12 : memref<!tpu.dma_semaphore, #tpu.memory_space<semaphore_mem>>) src(%dma_wait3A_689 : memref<100000x768xf32, #tpu.memory_space<hbm>>) dst(%arg7 : memref<32x768xf32, #tpu.memory_space<vmem>>)
    %mul3A_690 = arith.constant 1024 : i32
    %mul3A_691 = arith.muli %select_n3A_30, %mul3A_690 : i32
    %add3A_692 = arith.constant 672 : i32
    %add3A_693 = arith.addi %mul3A_691, %add3A_692 : i32
    %dma_start3A_694 = arith.constant 0 : i32
    %dma_start3A_695 = tpu.memref_slice %arg4[%select_n3A, %add3A_693, %dma_start3A_694] : memref<4x8193x768xf32, #tpu.memory_space<hbm>> -> memref<1x32x768xf32, #tpu.memory_space<hbm>>
    %dma_start3A_696 = tpu.memref_squeeze %dma_start3A_695 : memref<1x32x768xf32, #tpu.memory_space<hbm>> -> memref<32x768xf32, #tpu.memory_space<hbm>>
    %dma_start3A_697 = arith.constant 0 : i32
    %dma_start3A_698 = tpu.memref_slice %arg4[%select_n3A, %add3A_693, %dma_start3A_697] : memref<4x8193x768xf32, #tpu.memory_space<hbm>> -> memref<1x32x768xf32, #tpu.memory_space<hbm>>
    %dma_start3A_699 = tpu.memref_squeeze %dma_start3A_698 : memref<1x32x768xf32, #tpu.memory_space<hbm>> -> memref<32x768xf32, #tpu.memory_space<hbm>>
    tpu.enqueue_dma source(%arg7 : memref<32x768xf32, #tpu.memory_space<vmem>>) target(%dma_start3A_699 : memref<32x768xf32, #tpu.memory_space<hbm>>) target_semaphore(%arg17 : memref<!tpu.dma_semaphore, #tpu.memory_space<semaphore_mem>>)
    %dma_wait3A_700 = arith.constant 0 : i32
    %dma_wait3A_701 = tpu.memref_slice %arg4[%select_n3A, %add3A_663, %dma_wait3A_700] : memref<4x8193x768xf32, #tpu.memory_space<hbm>> -> memref<1x32x768xf32, #tpu.memory_space<hbm>>
    %dma_wait3A_702 = tpu.memref_squeeze %dma_wait3A_701 : memref<1x32x768xf32, #tpu.memory_space<hbm>> -> memref<32x768xf32, #tpu.memory_space<hbm>>
    %dma_wait3A_703 = arith.constant 0 : i32
    %dma_wait3A_704 = tpu.memref_slice %arg4[%select_n3A, %add3A_663, %dma_wait3A_703] : memref<4x8193x768xf32, #tpu.memory_space<hbm>> -> memref<1x32x768xf32, #tpu.memory_space<hbm>>
    %dma_wait3A_705 = tpu.memref_squeeze %dma_wait3A_704 : memref<1x32x768xf32, #tpu.memory_space<hbm>> -> memref<32x768xf32, #tpu.memory_space<hbm>>
    tpu.wait_dma2 semaphore(%arg16 : memref<!tpu.dma_semaphore, #tpu.memory_space<semaphore_mem>>) src(%arg6 : memref<32x768xf32, #tpu.memory_space<vmem>>) dst(%dma_wait3A_705 : memref<32x768xf32, #tpu.memory_space<hbm>>)
    %dma_start3A_706 = arith.constant 25 : i32
    %dma_start3A_707 = arith.constant 0 : i32
    %dma_start3A_708 = tpu.memref_slice %arg5[%dma_start3A_706, %dma_start3A_707] : memref<33x32xi32, #tpu.memory_space<vmem>> -> memref<1x32xi32, #tpu.memory_space<vmem>>
    %dma_start3A_709 = tpu.memref_squeeze %dma_start3A_708 : memref<1x32xi32, #tpu.memory_space<vmem>> -> memref<32xi32, #tpu.memory_space<vmem>>
    %dma_start3A_710 = arith.constant 0 : i32
    %dma_start3A_711 = arith.constant 0 : i32
    %dma_start3A_712 = tpu.memref_slice %arg3[%dma_start3A_710, %dma_start3A_711] : memref<100000x768xf32, #tpu.memory_space<hbm>> -> memref<100000x768xf32, #tpu.memory_space<hbm>>
    tpu.enqueue_indirect_dma source(%dma_start3A_712 : memref<100000x768xf32, #tpu.memory_space<hbm>>) target(%arg6 : memref<32x768xf32, #tpu.memory_space<vmem>>) offsets(%dma_start3A_709 : memref<32xi32, #tpu.memory_space<vmem>>) semaphore(%arg11 : memref<!tpu.dma_semaphore, #tpu.memory_space<semaphore_mem>>)
    %dma_wait3A_713 = arith.constant 22 : i32
    %dma_wait3A_714 = arith.constant 0 : i32
    %dma_wait3A_715 = tpu.memref_slice %arg5[%dma_wait3A_713, %dma_wait3A_714] : memref<33x32xi32, #tpu.memory_space<vmem>> -> memref<1x32xi32, #tpu.memory_space<vmem>>
    %dma_wait3A_716 = tpu.memref_squeeze %dma_wait3A_715 : memref<1x32xi32, #tpu.memory_space<vmem>> -> memref<32xi32, #tpu.memory_space<vmem>>
    %dma_wait3A_717 = arith.constant 0 : i32
    %dma_wait3A_718 = arith.constant 0 : i32
    %dma_wait3A_719 = tpu.memref_slice %arg3[%dma_wait3A_717, %dma_wait3A_718] : memref<100000x768xf32, #tpu.memory_space<hbm>> -> memref<100000x768xf32, #tpu.memory_space<hbm>>
    tpu.wait_indirect_dma semaphore(%arg13 : memref<!tpu.dma_semaphore, #tpu.memory_space<semaphore_mem>>) src(%dma_wait3A_719 : memref<100000x768xf32, #tpu.memory_space<hbm>>) dst(%arg8 : memref<32x768xf32, #tpu.memory_space<vmem>>)
    %mul3A_720 = arith.constant 1024 : i32
    %mul3A_721 = arith.muli %select_n3A_30, %mul3A_720 : i32
    %add3A_722 = arith.constant 704 : i32
    %add3A_723 = arith.addi %mul3A_721, %add3A_722 : i32
    %dma_start3A_724 = arith.constant 0 : i32
    %dma_start3A_725 = tpu.memref_slice %arg4[%select_n3A, %add3A_723, %dma_start3A_724] : memref<4x8193x768xf32, #tpu.memory_space<hbm>> -> memref<1x32x768xf32, #tpu.memory_space<hbm>>
    %dma_start3A_726 = tpu.memref_squeeze %dma_start3A_725 : memref<1x32x768xf32, #tpu.memory_space<hbm>> -> memref<32x768xf32, #tpu.memory_space<hbm>>
    %dma_start3A_727 = arith.constant 0 : i32
    %dma_start3A_728 = tpu.memref_slice %arg4[%select_n3A, %add3A_723, %dma_start3A_727] : memref<4x8193x768xf32, #tpu.memory_space<hbm>> -> memref<1x32x768xf32, #tpu.memory_space<hbm>>
    %dma_start3A_729 = tpu.memref_squeeze %dma_start3A_728 : memref<1x32x768xf32, #tpu.memory_space<hbm>> -> memref<32x768xf32, #tpu.memory_space<hbm>>
    tpu.enqueue_dma source(%arg8 : memref<32x768xf32, #tpu.memory_space<vmem>>) target(%dma_start3A_729 : memref<32x768xf32, #tpu.memory_space<hbm>>) target_semaphore(%arg18 : memref<!tpu.dma_semaphore, #tpu.memory_space<semaphore_mem>>)
    %dma_wait3A_730 = arith.constant 0 : i32
    %dma_wait3A_731 = tpu.memref_slice %arg4[%select_n3A, %add3A_693, %dma_wait3A_730] : memref<4x8193x768xf32, #tpu.memory_space<hbm>> -> memref<1x32x768xf32, #tpu.memory_space<hbm>>
    %dma_wait3A_732 = tpu.memref_squeeze %dma_wait3A_731 : memref<1x32x768xf32, #tpu.memory_space<hbm>> -> memref<32x768xf32, #tpu.memory_space<hbm>>
    %dma_wait3A_733 = arith.constant 0 : i32
    %dma_wait3A_734 = tpu.memref_slice %arg4[%select_n3A, %add3A_693, %dma_wait3A_733] : memref<4x8193x768xf32, #tpu.memory_space<hbm>> -> memref<1x32x768xf32, #tpu.memory_space<hbm>>
    %dma_wait3A_735 = tpu.memref_squeeze %dma_wait3A_734 : memref<1x32x768xf32, #tpu.memory_space<hbm>> -> memref<32x768xf32, #tpu.memory_space<hbm>>
    tpu.wait_dma2 semaphore(%arg17 : memref<!tpu.dma_semaphore, #tpu.memory_space<semaphore_mem>>) src(%arg7 : memref<32x768xf32, #tpu.memory_space<vmem>>) dst(%dma_wait3A_735 : memref<32x768xf32, #tpu.memory_space<hbm>>)
    %dma_start3A_736 = arith.constant 26 : i32
    %dma_start3A_737 = arith.constant 0 : i32
    %dma_start3A_738 = tpu.memref_slice %arg5[%dma_start3A_736, %dma_start3A_737] : memref<33x32xi32, #tpu.memory_space<vmem>> -> memref<1x32xi32, #tpu.memory_space<vmem>>
    %dma_start3A_739 = tpu.memref_squeeze %dma_start3A_738 : memref<1x32xi32, #tpu.memory_space<vmem>> -> memref<32xi32, #tpu.memory_space<vmem>>
    %dma_start3A_740 = arith.constant 0 : i32
    %dma_start3A_741 = arith.constant 0 : i32
    %dma_start3A_742 = tpu.memref_slice %arg3[%dma_start3A_740, %dma_start3A_741] : memref<100000x768xf32, #tpu.memory_space<hbm>> -> memref<100000x768xf32, #tpu.memory_space<hbm>>
    tpu.enqueue_indirect_dma source(%dma_start3A_742 : memref<100000x768xf32, #tpu.memory_space<hbm>>) target(%arg7 : memref<32x768xf32, #tpu.memory_space<vmem>>) offsets(%dma_start3A_739 : memref<32xi32, #tpu.memory_space<vmem>>) semaphore(%arg12 : memref<!tpu.dma_semaphore, #tpu.memory_space<semaphore_mem>>)
    %dma_wait3A_743 = arith.constant 23 : i32
    %dma_wait3A_744 = arith.constant 0 : i32
    %dma_wait3A_745 = tpu.memref_slice %arg5[%dma_wait3A_743, %dma_wait3A_744] : memref<33x32xi32, #tpu.memory_space<vmem>> -> memref<1x32xi32, #tpu.memory_space<vmem>>
    %dma_wait3A_746 = tpu.memref_squeeze %dma_wait3A_745 : memref<1x32xi32, #tpu.memory_space<vmem>> -> memref<32xi32, #tpu.memory_space<vmem>>
    %dma_wait3A_747 = arith.constant 0 : i32
    %dma_wait3A_748 = arith.constant 0 : i32
    %dma_wait3A_749 = tpu.memref_slice %arg3[%dma_wait3A_747, %dma_wait3A_748] : memref<100000x768xf32, #tpu.memory_space<hbm>> -> memref<100000x768xf32, #tpu.memory_space<hbm>>
    tpu.wait_indirect_dma semaphore(%arg14 : memref<!tpu.dma_semaphore, #tpu.memory_space<semaphore_mem>>) src(%dma_wait3A_749 : memref<100000x768xf32, #tpu.memory_space<hbm>>) dst(%arg9 : memref<32x768xf32, #tpu.memory_space<vmem>>)
    %mul3A_750 = arith.constant 1024 : i32
    %mul3A_751 = arith.muli %select_n3A_30, %mul3A_750 : i32
    %add3A_752 = arith.constant 736 : i32
    %add3A_753 = arith.addi %mul3A_751, %add3A_752 : i32
    %dma_start3A_754 = arith.constant 0 : i32
    %dma_start3A_755 = tpu.memref_slice %arg4[%select_n3A, %add3A_753, %dma_start3A_754] : memref<4x8193x768xf32, #tpu.memory_space<hbm>> -> memref<1x32x768xf32, #tpu.memory_space<hbm>>
    %dma_start3A_756 = tpu.memref_squeeze %dma_start3A_755 : memref<1x32x768xf32, #tpu.memory_space<hbm>> -> memref<32x768xf32, #tpu.memory_space<hbm>>
    %dma_start3A_757 = arith.constant 0 : i32
    %dma_start3A_758 = tpu.memref_slice %arg4[%select_n3A, %add3A_753, %dma_start3A_757] : memref<4x8193x768xf32, #tpu.memory_space<hbm>> -> memref<1x32x768xf32, #tpu.memory_space<hbm>>
    %dma_start3A_759 = tpu.memref_squeeze %dma_start3A_758 : memref<1x32x768xf32, #tpu.memory_space<hbm>> -> memref<32x768xf32, #tpu.memory_space<hbm>>
    tpu.enqueue_dma source(%arg9 : memref<32x768xf32, #tpu.memory_space<vmem>>) target(%dma_start3A_759 : memref<32x768xf32, #tpu.memory_space<hbm>>) target_semaphore(%arg19 : memref<!tpu.dma_semaphore, #tpu.memory_space<semaphore_mem>>)
    %dma_wait3A_760 = arith.constant 0 : i32
    %dma_wait3A_761 = tpu.memref_slice %arg4[%select_n3A, %add3A_723, %dma_wait3A_760] : memref<4x8193x768xf32, #tpu.memory_space<hbm>> -> memref<1x32x768xf32, #tpu.memory_space<hbm>>
    %dma_wait3A_762 = tpu.memref_squeeze %dma_wait3A_761 : memref<1x32x768xf32, #tpu.memory_space<hbm>> -> memref<32x768xf32, #tpu.memory_space<hbm>>
    %dma_wait3A_763 = arith.constant 0 : i32
    %dma_wait3A_764 = tpu.memref_slice %arg4[%select_n3A, %add3A_723, %dma_wait3A_763] : memref<4x8193x768xf32, #tpu.memory_space<hbm>> -> memref<1x32x768xf32, #tpu.memory_space<hbm>>
    %dma_wait3A_765 = tpu.memref_squeeze %dma_wait3A_764 : memref<1x32x768xf32, #tpu.memory_space<hbm>> -> memref<32x768xf32, #tpu.memory_space<hbm>>
    tpu.wait_dma2 semaphore(%arg18 : memref<!tpu.dma_semaphore, #tpu.memory_space<semaphore_mem>>) src(%arg8 : memref<32x768xf32, #tpu.memory_space<vmem>>) dst(%dma_wait3A_765 : memref<32x768xf32, #tpu.memory_space<hbm>>)
    %dma_start3A_766 = arith.constant 27 : i32
    %dma_start3A_767 = arith.constant 0 : i32
    %dma_start3A_768 = tpu.memref_slice %arg5[%dma_start3A_766, %dma_start3A_767] : memref<33x32xi32, #tpu.memory_space<vmem>> -> memref<1x32xi32, #tpu.memory_space<vmem>>
    %dma_start3A_769 = tpu.memref_squeeze %dma_start3A_768 : memref<1x32xi32, #tpu.memory_space<vmem>> -> memref<32xi32, #tpu.memory_space<vmem>>
    %dma_start3A_770 = arith.constant 0 : i32
    %dma_start3A_771 = arith.constant 0 : i32
    %dma_start3A_772 = tpu.memref_slice %arg3[%dma_start3A_770, %dma_start3A_771] : memref<100000x768xf32, #tpu.memory_space<hbm>> -> memref<100000x768xf32, #tpu.memory_space<hbm>>
    tpu.enqueue_indirect_dma source(%dma_start3A_772 : memref<100000x768xf32, #tpu.memory_space<hbm>>) target(%arg8 : memref<32x768xf32, #tpu.memory_space<vmem>>) offsets(%dma_start3A_769 : memref<32xi32, #tpu.memory_space<vmem>>) semaphore(%arg13 : memref<!tpu.dma_semaphore, #tpu.memory_space<semaphore_mem>>)
    %dma_wait3A_773 = arith.constant 24 : i32
    %dma_wait3A_774 = arith.constant 0 : i32
    %dma_wait3A_775 = tpu.memref_slice %arg5[%dma_wait3A_773, %dma_wait3A_774] : memref<33x32xi32, #tpu.memory_space<vmem>> -> memref<1x32xi32, #tpu.memory_space<vmem>>
    %dma_wait3A_776 = tpu.memref_squeeze %dma_wait3A_775 : memref<1x32xi32, #tpu.memory_space<vmem>> -> memref<32xi32, #tpu.memory_space<vmem>>
    %dma_wait3A_777 = arith.constant 0 : i32
    %dma_wait3A_778 = arith.constant 0 : i32
    %dma_wait3A_779 = tpu.memref_slice %arg3[%dma_wait3A_777, %dma_wait3A_778] : memref<100000x768xf32, #tpu.memory_space<hbm>> -> memref<100000x768xf32, #tpu.memory_space<hbm>>
    tpu.wait_indirect_dma semaphore(%arg15 : memref<!tpu.dma_semaphore, #tpu.memory_space<semaphore_mem>>) src(%dma_wait3A_779 : memref<100000x768xf32, #tpu.memory_space<hbm>>) dst(%arg10 : memref<32x768xf32, #tpu.memory_space<vmem>>)
    %mul3A_780 = arith.constant 1024 : i32
    %mul3A_781 = arith.muli %select_n3A_30, %mul3A_780 : i32
    %add3A_782 = arith.constant 768 : i32
    %add3A_783 = arith.addi %mul3A_781, %add3A_782 : i32
    %dma_start3A_784 = arith.constant 0 : i32
    %dma_start3A_785 = tpu.memref_slice %arg4[%select_n3A, %add3A_783, %dma_start3A_784] : memref<4x8193x768xf32, #tpu.memory_space<hbm>> -> memref<1x32x768xf32, #tpu.memory_space<hbm>>
    %dma_start3A_786 = tpu.memref_squeeze %dma_start3A_785 : memref<1x32x768xf32, #tpu.memory_space<hbm>> -> memref<32x768xf32, #tpu.memory_space<hbm>>
    %dma_start3A_787 = arith.constant 0 : i32
    %dma_start3A_788 = tpu.memref_slice %arg4[%select_n3A, %add3A_783, %dma_start3A_787] : memref<4x8193x768xf32, #tpu.memory_space<hbm>> -> memref<1x32x768xf32, #tpu.memory_space<hbm>>
    %dma_start3A_789 = tpu.memref_squeeze %dma_start3A_788 : memref<1x32x768xf32, #tpu.memory_space<hbm>> -> memref<32x768xf32, #tpu.memory_space<hbm>>
    tpu.enqueue_dma source(%arg10 : memref<32x768xf32, #tpu.memory_space<vmem>>) target(%dma_start3A_789 : memref<32x768xf32, #tpu.memory_space<hbm>>) target_semaphore(%arg20 : memref<!tpu.dma_semaphore, #tpu.memory_space<semaphore_mem>>)
    %dma_wait3A_790 = arith.constant 0 : i32
    %dma_wait3A_791 = tpu.memref_slice %arg4[%select_n3A, %add3A_753, %dma_wait3A_790] : memref<4x8193x768xf32, #tpu.memory_space<hbm>> -> memref<1x32x768xf32, #tpu.memory_space<hbm>>
    %dma_wait3A_792 = tpu.memref_squeeze %dma_wait3A_791 : memref<1x32x768xf32, #tpu.memory_space<hbm>> -> memref<32x768xf32, #tpu.memory_space<hbm>>
    %dma_wait3A_793 = arith.constant 0 : i32
    %dma_wait3A_794 = tpu.memref_slice %arg4[%select_n3A, %add3A_753, %dma_wait3A_793] : memref<4x8193x768xf32, #tpu.memory_space<hbm>> -> memref<1x32x768xf32, #tpu.memory_space<hbm>>
    %dma_wait3A_795 = tpu.memref_squeeze %dma_wait3A_794 : memref<1x32x768xf32, #tpu.memory_space<hbm>> -> memref<32x768xf32, #tpu.memory_space<hbm>>
    tpu.wait_dma2 semaphore(%arg19 : memref<!tpu.dma_semaphore, #tpu.memory_space<semaphore_mem>>) src(%arg9 : memref<32x768xf32, #tpu.memory_space<vmem>>) dst(%dma_wait3A_795 : memref<32x768xf32, #tpu.memory_space<hbm>>)
    %dma_start3A_796 = arith.constant 28 : i32
    %dma_start3A_797 = arith.constant 0 : i32
    %dma_start3A_798 = tpu.memref_slice %arg5[%dma_start3A_796, %dma_start3A_797] : memref<33x32xi32, #tpu.memory_space<vmem>> -> memref<1x32xi32, #tpu.memory_space<vmem>>
    %dma_start3A_799 = tpu.memref_squeeze %dma_start3A_798 : memref<1x32xi32, #tpu.memory_space<vmem>> -> memref<32xi32, #tpu.memory_space<vmem>>
    %dma_start3A_800 = arith.constant 0 : i32
    %dma_start3A_801 = arith.constant 0 : i32
    %dma_start3A_802 = tpu.memref_slice %arg3[%dma_start3A_800, %dma_start3A_801] : memref<100000x768xf32, #tpu.memory_space<hbm>> -> memref<100000x768xf32, #tpu.memory_space<hbm>>
    tpu.enqueue_indirect_dma source(%dma_start3A_802 : memref<100000x768xf32, #tpu.memory_space<hbm>>) target(%arg9 : memref<32x768xf32, #tpu.memory_space<vmem>>) offsets(%dma_start3A_799 : memref<32xi32, #tpu.memory_space<vmem>>) semaphore(%arg14 : memref<!tpu.dma_semaphore, #tpu.memory_space<semaphore_mem>>)
    %dma_wait3A_803 = arith.constant 25 : i32
    %dma_wait3A_804 = arith.constant 0 : i32
    %dma_wait3A_805 = tpu.memref_slice %arg5[%dma_wait3A_803, %dma_wait3A_804] : memref<33x32xi32, #tpu.memory_space<vmem>> -> memref<1x32xi32, #tpu.memory_space<vmem>>
    %dma_wait3A_806 = tpu.memref_squeeze %dma_wait3A_805 : memref<1x32xi32, #tpu.memory_space<vmem>> -> memref<32xi32, #tpu.memory_space<vmem>>
    %dma_wait3A_807 = arith.constant 0 : i32
    %dma_wait3A_808 = arith.constant 0 : i32
    %dma_wait3A_809 = tpu.memref_slice %arg3[%dma_wait3A_807, %dma_wait3A_808] : memref<100000x768xf32, #tpu.memory_space<hbm>> -> memref<100000x768xf32, #tpu.memory_space<hbm>>
    tpu.wait_indirect_dma semaphore(%arg11 : memref<!tpu.dma_semaphore, #tpu.memory_space<semaphore_mem>>) src(%dma_wait3A_809 : memref<100000x768xf32, #tpu.memory_space<hbm>>) dst(%arg6 : memref<32x768xf32, #tpu.memory_space<vmem>>)
    %mul3A_810 = arith.constant 1024 : i32
    %mul3A_811 = arith.muli %select_n3A_30, %mul3A_810 : i32
    %add3A_812 = arith.constant 800 : i32
    %add3A_813 = arith.addi %mul3A_811, %add3A_812 : i32
    %dma_start3A_814 = arith.constant 0 : i32
    %dma_start3A_815 = tpu.memref_slice %arg4[%select_n3A, %add3A_813, %dma_start3A_814] : memref<4x8193x768xf32, #tpu.memory_space<hbm>> -> memref<1x32x768xf32, #tpu.memory_space<hbm>>
    %dma_start3A_816 = tpu.memref_squeeze %dma_start3A_815 : memref<1x32x768xf32, #tpu.memory_space<hbm>> -> memref<32x768xf32, #tpu.memory_space<hbm>>
    %dma_start3A_817 = arith.constant 0 : i32
    %dma_start3A_818 = tpu.memref_slice %arg4[%select_n3A, %add3A_813, %dma_start3A_817] : memref<4x8193x768xf32, #tpu.memory_space<hbm>> -> memref<1x32x768xf32, #tpu.memory_space<hbm>>
    %dma_start3A_819 = tpu.memref_squeeze %dma_start3A_818 : memref<1x32x768xf32, #tpu.memory_space<hbm>> -> memref<32x768xf32, #tpu.memory_space<hbm>>
    tpu.enqueue_dma source(%arg6 : memref<32x768xf32, #tpu.memory_space<vmem>>) target(%dma_start3A_819 : memref<32x768xf32, #tpu.memory_space<hbm>>) target_semaphore(%arg16 : memref<!tpu.dma_semaphore, #tpu.memory_space<semaphore_mem>>)
    %dma_wait3A_820 = arith.constant 0 : i32
    %dma_wait3A_821 = tpu.memref_slice %arg4[%select_n3A, %add3A_783, %dma_wait3A_820] : memref<4x8193x768xf32, #tpu.memory_space<hbm>> -> memref<1x32x768xf32, #tpu.memory_space<hbm>>
    %dma_wait3A_822 = tpu.memref_squeeze %dma_wait3A_821 : memref<1x32x768xf32, #tpu.memory_space<hbm>> -> memref<32x768xf32, #tpu.memory_space<hbm>>
    %dma_wait3A_823 = arith.constant 0 : i32
    %dma_wait3A_824 = tpu.memref_slice %arg4[%select_n3A, %add3A_783, %dma_wait3A_823] : memref<4x8193x768xf32, #tpu.memory_space<hbm>> -> memref<1x32x768xf32, #tpu.memory_space<hbm>>
    %dma_wait3A_825 = tpu.memref_squeeze %dma_wait3A_824 : memref<1x32x768xf32, #tpu.memory_space<hbm>> -> memref<32x768xf32, #tpu.memory_space<hbm>>
    tpu.wait_dma2 semaphore(%arg20 : memref<!tpu.dma_semaphore, #tpu.memory_space<semaphore_mem>>) src(%arg10 : memref<32x768xf32, #tpu.memory_space<vmem>>) dst(%dma_wait3A_825 : memref<32x768xf32, #tpu.memory_space<hbm>>)
    %dma_start3A_826 = arith.constant 29 : i32
    %dma_start3A_827 = arith.constant 0 : i32
    %dma_start3A_828 = tpu.memref_slice %arg5[%dma_start3A_826, %dma_start3A_827] : memref<33x32xi32, #tpu.memory_space<vmem>> -> memref<1x32xi32, #tpu.memory_space<vmem>>
    %dma_start3A_829 = tpu.memref_squeeze %dma_start3A_828 : memref<1x32xi32, #tpu.memory_space<vmem>> -> memref<32xi32, #tpu.memory_space<vmem>>
    %dma_start3A_830 = arith.constant 0 : i32
    %dma_start3A_831 = arith.constant 0 : i32
    %dma_start3A_832 = tpu.memref_slice %arg3[%dma_start3A_830, %dma_start3A_831] : memref<100000x768xf32, #tpu.memory_space<hbm>> -> memref<100000x768xf32, #tpu.memory_space<hbm>>
    tpu.enqueue_indirect_dma source(%dma_start3A_832 : memref<100000x768xf32, #tpu.memory_space<hbm>>) target(%arg10 : memref<32x768xf32, #tpu.memory_space<vmem>>) offsets(%dma_start3A_829 : memref<32xi32, #tpu.memory_space<vmem>>) semaphore(%arg15 : memref<!tpu.dma_semaphore, #tpu.memory_space<semaphore_mem>>)
    %dma_wait3A_833 = arith.constant 26 : i32
    %dma_wait3A_834 = arith.constant 0 : i32
    %dma_wait3A_835 = tpu.memref_slice %arg5[%dma_wait3A_833, %dma_wait3A_834] : memref<33x32xi32, #tpu.memory_space<vmem>> -> memref<1x32xi32, #tpu.memory_space<vmem>>
    %dma_wait3A_836 = tpu.memref_squeeze %dma_wait3A_835 : memref<1x32xi32, #tpu.memory_space<vmem>> -> memref<32xi32, #tpu.memory_space<vmem>>
    %dma_wait3A_837 = arith.constant 0 : i32
    %dma_wait3A_838 = arith.constant 0 : i32
    %dma_wait3A_839 = tpu.memref_slice %arg3[%dma_wait3A_837, %dma_wait3A_838] : memref<100000x768xf32, #tpu.memory_space<hbm>> -> memref<100000x768xf32, #tpu.memory_space<hbm>>
    tpu.wait_indirect_dma semaphore(%arg12 : memref<!tpu.dma_semaphore, #tpu.memory_space<semaphore_mem>>) src(%dma_wait3A_839 : memref<100000x768xf32, #tpu.memory_space<hbm>>) dst(%arg7 : memref<32x768xf32, #tpu.memory_space<vmem>>)
    %mul3A_840 = arith.constant 1024 : i32
    %mul3A_841 = arith.muli %select_n3A_30, %mul3A_840 : i32
    %add3A_842 = arith.constant 832 : i32
    %add3A_843 = arith.addi %mul3A_841, %add3A_842 : i32
    %dma_start3A_844 = arith.constant 0 : i32
    %dma_start3A_845 = tpu.memref_slice %arg4[%select_n3A, %add3A_843, %dma_start3A_844] : memref<4x8193x768xf32, #tpu.memory_space<hbm>> -> memref<1x32x768xf32, #tpu.memory_space<hbm>>
    %dma_start3A_846 = tpu.memref_squeeze %dma_start3A_845 : memref<1x32x768xf32, #tpu.memory_space<hbm>> -> memref<32x768xf32, #tpu.memory_space<hbm>>
    %dma_start3A_847 = arith.constant 0 : i32
    %dma_start3A_848 = tpu.memref_slice %arg4[%select_n3A, %add3A_843, %dma_start3A_847] : memref<4x8193x768xf32, #tpu.memory_space<hbm>> -> memref<1x32x768xf32, #tpu.memory_space<hbm>>
    %dma_start3A_849 = tpu.memref_squeeze %dma_start3A_848 : memref<1x32x768xf32, #tpu.memory_space<hbm>> -> memref<32x768xf32, #tpu.memory_space<hbm>>
    tpu.enqueue_dma source(%arg7 : memref<32x768xf32, #tpu.memory_space<vmem>>) target(%dma_start3A_849 : memref<32x768xf32, #tpu.memory_space<hbm>>) target_semaphore(%arg17 : memref<!tpu.dma_semaphore, #tpu.memory_space<semaphore_mem>>)
    %dma_wait3A_850 = arith.constant 0 : i32
    %dma_wait3A_851 = tpu.memref_slice %arg4[%select_n3A, %add3A_813, %dma_wait3A_850] : memref<4x8193x768xf32, #tpu.memory_space<hbm>> -> memref<1x32x768xf32, #tpu.memory_space<hbm>>
    %dma_wait3A_852 = tpu.memref_squeeze %dma_wait3A_851 : memref<1x32x768xf32, #tpu.memory_space<hbm>> -> memref<32x768xf32, #tpu.memory_space<hbm>>
    %dma_wait3A_853 = arith.constant 0 : i32
    %dma_wait3A_854 = tpu.memref_slice %arg4[%select_n3A, %add3A_813, %dma_wait3A_853] : memref<4x8193x768xf32, #tpu.memory_space<hbm>> -> memref<1x32x768xf32, #tpu.memory_space<hbm>>
    %dma_wait3A_855 = tpu.memref_squeeze %dma_wait3A_854 : memref<1x32x768xf32, #tpu.memory_space<hbm>> -> memref<32x768xf32, #tpu.memory_space<hbm>>
    tpu.wait_dma2 semaphore(%arg16 : memref<!tpu.dma_semaphore, #tpu.memory_space<semaphore_mem>>) src(%arg6 : memref<32x768xf32, #tpu.memory_space<vmem>>) dst(%dma_wait3A_855 : memref<32x768xf32, #tpu.memory_space<hbm>>)
    %dma_start3A_856 = arith.constant 30 : i32
    %dma_start3A_857 = arith.constant 0 : i32
    %dma_start3A_858 = tpu.memref_slice %arg5[%dma_start3A_856, %dma_start3A_857] : memref<33x32xi32, #tpu.memory_space<vmem>> -> memref<1x32xi32, #tpu.memory_space<vmem>>
    %dma_start3A_859 = tpu.memref_squeeze %dma_start3A_858 : memref<1x32xi32, #tpu.memory_space<vmem>> -> memref<32xi32, #tpu.memory_space<vmem>>
    %dma_start3A_860 = arith.constant 0 : i32
    %dma_start3A_861 = arith.constant 0 : i32
    %dma_start3A_862 = tpu.memref_slice %arg3[%dma_start3A_860, %dma_start3A_861] : memref<100000x768xf32, #tpu.memory_space<hbm>> -> memref<100000x768xf32, #tpu.memory_space<hbm>>
    tpu.enqueue_indirect_dma source(%dma_start3A_862 : memref<100000x768xf32, #tpu.memory_space<hbm>>) target(%arg6 : memref<32x768xf32, #tpu.memory_space<vmem>>) offsets(%dma_start3A_859 : memref<32xi32, #tpu.memory_space<vmem>>) semaphore(%arg11 : memref<!tpu.dma_semaphore, #tpu.memory_space<semaphore_mem>>)
    %dma_wait3A_863 = arith.constant 27 : i32
    %dma_wait3A_864 = arith.constant 0 : i32
    %dma_wait3A_865 = tpu.memref_slice %arg5[%dma_wait3A_863, %dma_wait3A_864] : memref<33x32xi32, #tpu.memory_space<vmem>> -> memref<1x32xi32, #tpu.memory_space<vmem>>
    %dma_wait3A_866 = tpu.memref_squeeze %dma_wait3A_865 : memref<1x32xi32, #tpu.memory_space<vmem>> -> memref<32xi32, #tpu.memory_space<vmem>>
    %dma_wait3A_867 = arith.constant 0 : i32
    %dma_wait3A_868 = arith.constant 0 : i32
    %dma_wait3A_869 = tpu.memref_slice %arg3[%dma_wait3A_867, %dma_wait3A_868] : memref<100000x768xf32, #tpu.memory_space<hbm>> -> memref<100000x768xf32, #tpu.memory_space<hbm>>
    tpu.wait_indirect_dma semaphore(%arg13 : memref<!tpu.dma_semaphore, #tpu.memory_space<semaphore_mem>>) src(%dma_wait3A_869 : memref<100000x768xf32, #tpu.memory_space<hbm>>) dst(%arg8 : memref<32x768xf32, #tpu.memory_space<vmem>>)
    %mul3A_870 = arith.constant 1024 : i32
    %mul3A_871 = arith.muli %select_n3A_30, %mul3A_870 : i32
    %add3A_872 = arith.constant 864 : i32
    %add3A_873 = arith.addi %mul3A_871, %add3A_872 : i32
    %dma_start3A_874 = arith.constant 0 : i32
    %dma_start3A_875 = tpu.memref_slice %arg4[%select_n3A, %add3A_873, %dma_start3A_874] : memref<4x8193x768xf32, #tpu.memory_space<hbm>> -> memref<1x32x768xf32, #tpu.memory_space<hbm>>
    %dma_start3A_876 = tpu.memref_squeeze %dma_start3A_875 : memref<1x32x768xf32, #tpu.memory_space<hbm>> -> memref<32x768xf32, #tpu.memory_space<hbm>>
    %dma_start3A_877 = arith.constant 0 : i32
    %dma_start3A_878 = tpu.memref_slice %arg4[%select_n3A, %add3A_873, %dma_start3A_877] : memref<4x8193x768xf32, #tpu.memory_space<hbm>> -> memref<1x32x768xf32, #tpu.memory_space<hbm>>
    %dma_start3A_879 = tpu.memref_squeeze %dma_start3A_878 : memref<1x32x768xf32, #tpu.memory_space<hbm>> -> memref<32x768xf32, #tpu.memory_space<hbm>>
    tpu.enqueue_dma source(%arg8 : memref<32x768xf32, #tpu.memory_space<vmem>>) target(%dma_start3A_879 : memref<32x768xf32, #tpu.memory_space<hbm>>) target_semaphore(%arg18 : memref<!tpu.dma_semaphore, #tpu.memory_space<semaphore_mem>>)
    %dma_wait3A_880 = arith.constant 0 : i32
    %dma_wait3A_881 = tpu.memref_slice %arg4[%select_n3A, %add3A_843, %dma_wait3A_880] : memref<4x8193x768xf32, #tpu.memory_space<hbm>> -> memref<1x32x768xf32, #tpu.memory_space<hbm>>
    %dma_wait3A_882 = tpu.memref_squeeze %dma_wait3A_881 : memref<1x32x768xf32, #tpu.memory_space<hbm>> -> memref<32x768xf32, #tpu.memory_space<hbm>>
    %dma_wait3A_883 = arith.constant 0 : i32
    %dma_wait3A_884 = tpu.memref_slice %arg4[%select_n3A, %add3A_843, %dma_wait3A_883] : memref<4x8193x768xf32, #tpu.memory_space<hbm>> -> memref<1x32x768xf32, #tpu.memory_space<hbm>>
    %dma_wait3A_885 = tpu.memref_squeeze %dma_wait3A_884 : memref<1x32x768xf32, #tpu.memory_space<hbm>> -> memref<32x768xf32, #tpu.memory_space<hbm>>
    tpu.wait_dma2 semaphore(%arg17 : memref<!tpu.dma_semaphore, #tpu.memory_space<semaphore_mem>>) src(%arg7 : memref<32x768xf32, #tpu.memory_space<vmem>>) dst(%dma_wait3A_885 : memref<32x768xf32, #tpu.memory_space<hbm>>)
    %dma_start3A_886 = arith.constant 31 : i32
    %dma_start3A_887 = arith.constant 0 : i32
    %dma_start3A_888 = tpu.memref_slice %arg5[%dma_start3A_886, %dma_start3A_887] : memref<33x32xi32, #tpu.memory_space<vmem>> -> memref<1x32xi32, #tpu.memory_space<vmem>>
    %dma_start3A_889 = tpu.memref_squeeze %dma_start3A_888 : memref<1x32xi32, #tpu.memory_space<vmem>> -> memref<32xi32, #tpu.memory_space<vmem>>
    %dma_start3A_890 = arith.constant 0 : i32
    %dma_start3A_891 = arith.constant 0 : i32
    %dma_start3A_892 = tpu.memref_slice %arg3[%dma_start3A_890, %dma_start3A_891] : memref<100000x768xf32, #tpu.memory_space<hbm>> -> memref<100000x768xf32, #tpu.memory_space<hbm>>
    tpu.enqueue_indirect_dma source(%dma_start3A_892 : memref<100000x768xf32, #tpu.memory_space<hbm>>) target(%arg7 : memref<32x768xf32, #tpu.memory_space<vmem>>) offsets(%dma_start3A_889 : memref<32xi32, #tpu.memory_space<vmem>>) semaphore(%arg12 : memref<!tpu.dma_semaphore, #tpu.memory_space<semaphore_mem>>)
    %dma_wait3A_893 = arith.constant 28 : i32
    %dma_wait3A_894 = arith.constant 0 : i32
    %dma_wait3A_895 = tpu.memref_slice %arg5[%dma_wait3A_893, %dma_wait3A_894] : memref<33x32xi32, #tpu.memory_space<vmem>> -> memref<1x32xi32, #tpu.memory_space<vmem>>
    %dma_wait3A_896 = tpu.memref_squeeze %dma_wait3A_895 : memref<1x32xi32, #tpu.memory_space<vmem>> -> memref<32xi32, #tpu.memory_space<vmem>>
    %dma_wait3A_897 = arith.constant 0 : i32
    %dma_wait3A_898 = arith.constant 0 : i32
    %dma_wait3A_899 = tpu.memref_slice %arg3[%dma_wait3A_897, %dma_wait3A_898] : memref<100000x768xf32, #tpu.memory_space<hbm>> -> memref<100000x768xf32, #tpu.memory_space<hbm>>
    tpu.wait_indirect_dma semaphore(%arg14 : memref<!tpu.dma_semaphore, #tpu.memory_space<semaphore_mem>>) src(%dma_wait3A_899 : memref<100000x768xf32, #tpu.memory_space<hbm>>) dst(%arg9 : memref<32x768xf32, #tpu.memory_space<vmem>>)
    %mul3A_900 = arith.constant 1024 : i32
    %mul3A_901 = arith.muli %select_n3A_30, %mul3A_900 : i32
    %add3A_902 = arith.constant 896 : i32
    %add3A_903 = arith.addi %mul3A_901, %add3A_902 : i32
    %dma_start3A_904 = arith.constant 0 : i32
    %dma_start3A_905 = tpu.memref_slice %arg4[%select_n3A, %add3A_903, %dma_start3A_904] : memref<4x8193x768xf32, #tpu.memory_space<hbm>> -> memref<1x32x768xf32, #tpu.memory_space<hbm>>
    %dma_start3A_906 = tpu.memref_squeeze %dma_start3A_905 : memref<1x32x768xf32, #tpu.memory_space<hbm>> -> memref<32x768xf32, #tpu.memory_space<hbm>>
    %dma_start3A_907 = arith.constant 0 : i32
    %dma_start3A_908 = tpu.memref_slice %arg4[%select_n3A, %add3A_903, %dma_start3A_907] : memref<4x8193x768xf32, #tpu.memory_space<hbm>> -> memref<1x32x768xf32, #tpu.memory_space<hbm>>
    %dma_start3A_909 = tpu.memref_squeeze %dma_start3A_908 : memref<1x32x768xf32, #tpu.memory_space<hbm>> -> memref<32x768xf32, #tpu.memory_space<hbm>>
    tpu.enqueue_dma source(%arg9 : memref<32x768xf32, #tpu.memory_space<vmem>>) target(%dma_start3A_909 : memref<32x768xf32, #tpu.memory_space<hbm>>) target_semaphore(%arg19 : memref<!tpu.dma_semaphore, #tpu.memory_space<semaphore_mem>>)
    %dma_wait3A_910 = arith.constant 29 : i32
    %dma_wait3A_911 = arith.constant 0 : i32
    %dma_wait3A_912 = tpu.memref_slice %arg5[%dma_wait3A_910, %dma_wait3A_911] : memref<33x32xi32, #tpu.memory_space<vmem>> -> memref<1x32xi32, #tpu.memory_space<vmem>>
    %dma_wait3A_913 = tpu.memref_squeeze %dma_wait3A_912 : memref<1x32xi32, #tpu.memory_space<vmem>> -> memref<32xi32, #tpu.memory_space<vmem>>
    %dma_wait3A_914 = arith.constant 0 : i32
    %dma_wait3A_915 = arith.constant 0 : i32
    %dma_wait3A_916 = tpu.memref_slice %arg3[%dma_wait3A_914, %dma_wait3A_915] : memref<100000x768xf32, #tpu.memory_space<hbm>> -> memref<100000x768xf32, #tpu.memory_space<hbm>>
    tpu.wait_indirect_dma semaphore(%arg15 : memref<!tpu.dma_semaphore, #tpu.memory_space<semaphore_mem>>) src(%dma_wait3A_916 : memref<100000x768xf32, #tpu.memory_space<hbm>>) dst(%arg10 : memref<32x768xf32, #tpu.memory_space<vmem>>)
    %mul3A_917 = arith.constant 1024 : i32
    %mul3A_918 = arith.muli %select_n3A_30, %mul3A_917 : i32
    %add3A_919 = arith.constant 928 : i32
    %add3A_920 = arith.addi %mul3A_918, %add3A_919 : i32
    %dma_start3A_921 = arith.constant 0 : i32
    %dma_start3A_922 = tpu.memref_slice %arg4[%select_n3A, %add3A_920, %dma_start3A_921] : memref<4x8193x768xf32, #tpu.memory_space<hbm>> -> memref<1x32x768xf32, #tpu.memory_space<hbm>>
    %dma_start3A_923 = tpu.memref_squeeze %dma_start3A_922 : memref<1x32x768xf32, #tpu.memory_space<hbm>> -> memref<32x768xf32, #tpu.memory_space<hbm>>
    %dma_start3A_924 = arith.constant 0 : i32
    %dma_start3A_925 = tpu.memref_slice %arg4[%select_n3A, %add3A_920, %dma_start3A_924] : memref<4x8193x768xf32, #tpu.memory_space<hbm>> -> memref<1x32x768xf32, #tpu.memory_space<hbm>>
    %dma_start3A_926 = tpu.memref_squeeze %dma_start3A_925 : memref<1x32x768xf32, #tpu.memory_space<hbm>> -> memref<32x768xf32, #tpu.memory_space<hbm>>
    tpu.enqueue_dma source(%arg10 : memref<32x768xf32, #tpu.memory_space<vmem>>) target(%dma_start3A_926 : memref<32x768xf32, #tpu.memory_space<hbm>>) target_semaphore(%arg20 : memref<!tpu.dma_semaphore, #tpu.memory_space<semaphore_mem>>)
    %dma_wait3A_927 = arith.constant 30 : i32
    %dma_wait3A_928 = arith.constant 0 : i32
    %dma_wait3A_929 = tpu.memref_slice %arg5[%dma_wait3A_927, %dma_wait3A_928] : memref<33x32xi32, #tpu.memory_space<vmem>> -> memref<1x32xi32, #tpu.memory_space<vmem>>
    %dma_wait3A_930 = tpu.memref_squeeze %dma_wait3A_929 : memref<1x32xi32, #tpu.memory_space<vmem>> -> memref<32xi32, #tpu.memory_space<vmem>>
    %dma_wait3A_931 = arith.constant 0 : i32
    %dma_wait3A_932 = arith.constant 0 : i32
    %dma_wait3A_933 = tpu.memref_slice %arg3[%dma_wait3A_931, %dma_wait3A_932] : memref<100000x768xf32, #tpu.memory_space<hbm>> -> memref<100000x768xf32, #tpu.memory_space<hbm>>
    tpu.wait_indirect_dma semaphore(%arg11 : memref<!tpu.dma_semaphore, #tpu.memory_space<semaphore_mem>>) src(%dma_wait3A_933 : memref<100000x768xf32, #tpu.memory_space<hbm>>) dst(%arg6 : memref<32x768xf32, #tpu.memory_space<vmem>>)
    %mul3A_934 = arith.constant 1024 : i32
    %mul3A_935 = arith.muli %select_n3A_30, %mul3A_934 : i32
    %add3A_936 = arith.constant 960 : i32
    %add3A_937 = arith.addi %mul3A_935, %add3A_936 : i32
    %dma_start3A_938 = arith.constant 0 : i32
    %dma_start3A_939 = tpu.memref_slice %arg4[%select_n3A, %add3A_937, %dma_start3A_938] : memref<4x8193x768xf32, #tpu.memory_space<hbm>> -> memref<1x32x768xf32, #tpu.memory_space<hbm>>
    %dma_start3A_940 = tpu.memref_squeeze %dma_start3A_939 : memref<1x32x768xf32, #tpu.memory_space<hbm>> -> memref<32x768xf32, #tpu.memory_space<hbm>>
    %dma_start3A_941 = arith.constant 0 : i32
    %dma_start3A_942 = tpu.memref_slice %arg4[%select_n3A, %add3A_937, %dma_start3A_941] : memref<4x8193x768xf32, #tpu.memory_space<hbm>> -> memref<1x32x768xf32, #tpu.memory_space<hbm>>
    %dma_start3A_943 = tpu.memref_squeeze %dma_start3A_942 : memref<1x32x768xf32, #tpu.memory_space<hbm>> -> memref<32x768xf32, #tpu.memory_space<hbm>>
    tpu.enqueue_dma source(%arg6 : memref<32x768xf32, #tpu.memory_space<vmem>>) target(%dma_start3A_943 : memref<32x768xf32, #tpu.memory_space<hbm>>) target_semaphore(%arg16 : memref<!tpu.dma_semaphore, #tpu.memory_space<semaphore_mem>>)
    %dma_wait3A_944 = arith.constant 31 : i32
    %dma_wait3A_945 = arith.constant 0 : i32
    %dma_wait3A_946 = tpu.memref_slice %arg5[%dma_wait3A_944, %dma_wait3A_945] : memref<33x32xi32, #tpu.memory_space<vmem>> -> memref<1x32xi32, #tpu.memory_space<vmem>>
    %dma_wait3A_947 = tpu.memref_squeeze %dma_wait3A_946 : memref<1x32xi32, #tpu.memory_space<vmem>> -> memref<32xi32, #tpu.memory_space<vmem>>
    %dma_wait3A_948 = arith.constant 0 : i32
    %dma_wait3A_949 = arith.constant 0 : i32
    %dma_wait3A_950 = tpu.memref_slice %arg3[%dma_wait3A_948, %dma_wait3A_949] : memref<100000x768xf32, #tpu.memory_space<hbm>> -> memref<100000x768xf32, #tpu.memory_space<hbm>>
    tpu.wait_indirect_dma semaphore(%arg12 : memref<!tpu.dma_semaphore, #tpu.memory_space<semaphore_mem>>) src(%dma_wait3A_950 : memref<100000x768xf32, #tpu.memory_space<hbm>>) dst(%arg7 : memref<32x768xf32, #tpu.memory_space<vmem>>)
    %mul3A_951 = arith.constant 1024 : i32
    %mul3A_952 = arith.muli %select_n3A_30, %mul3A_951 : i32
    %add3A_953 = arith.constant 992 : i32
    %add3A_954 = arith.addi %mul3A_952, %add3A_953 : i32
    %dma_start3A_955 = arith.constant 0 : i32
    %dma_start3A_956 = tpu.memref_slice %arg4[%select_n3A, %add3A_954, %dma_start3A_955] : memref<4x8193x768xf32, #tpu.memory_space<hbm>> -> memref<1x32x768xf32, #tpu.memory_space<hbm>>
    %dma_start3A_957 = tpu.memref_squeeze %dma_start3A_956 : memref<1x32x768xf32, #tpu.memory_space<hbm>> -> memref<32x768xf32, #tpu.memory_space<hbm>>
    %dma_start3A_958 = arith.constant 0 : i32
    %dma_start3A_959 = tpu.memref_slice %arg4[%select_n3A, %add3A_954, %dma_start3A_958] : memref<4x8193x768xf32, #tpu.memory_space<hbm>> -> memref<1x32x768xf32, #tpu.memory_space<hbm>>
    %dma_start3A_960 = tpu.memref_squeeze %dma_start3A_959 : memref<1x32x768xf32, #tpu.memory_space<hbm>> -> memref<32x768xf32, #tpu.memory_space<hbm>>
    tpu.enqueue_dma source(%arg7 : memref<32x768xf32, #tpu.memory_space<vmem>>) target(%dma_start3A_960 : memref<32x768xf32, #tpu.memory_space<hbm>>) target_semaphore(%arg17 : memref<!tpu.dma_semaphore, #tpu.memory_space<semaphore_mem>>)
    %dma_wait3A_961 = arith.constant 0 : i32
    %dma_wait3A_962 = tpu.memref_slice %arg4[%select_n3A, %add3A_873, %dma_wait3A_961] : memref<4x8193x768xf32, #tpu.memory_space<hbm>> -> memref<1x32x768xf32, #tpu.memory_space<hbm>>
    %dma_wait3A_963 = tpu.memref_squeeze %dma_wait3A_962 : memref<1x32x768xf32, #tpu.memory_space<hbm>> -> memref<32x768xf32, #tpu.memory_space<hbm>>
    %dma_wait3A_964 = arith.constant 0 : i32
    %dma_wait3A_965 = tpu.memref_slice %arg4[%select_n3A, %add3A_873, %dma_wait3A_964] : memref<4x8193x768xf32, #tpu.memory_space<hbm>> -> memref<1x32x768xf32, #tpu.memory_space<hbm>>
    %dma_wait3A_966 = tpu.memref_squeeze %dma_wait3A_965 : memref<1x32x768xf32, #tpu.memory_space<hbm>> -> memref<32x768xf32, #tpu.memory_space<hbm>>
    tpu.wait_dma2 semaphore(%arg18 : memref<!tpu.dma_semaphore, #tpu.memory_space<semaphore_mem>>) src(%arg8 : memref<32x768xf32, #tpu.memory_space<vmem>>) dst(%dma_wait3A_966 : memref<32x768xf32, #tpu.memory_space<hbm>>)
    %dma_wait3A_967 = arith.constant 0 : i32
    %dma_wait3A_968 = tpu.memref_slice %arg4[%select_n3A, %add3A_903, %dma_wait3A_967] : memref<4x8193x768xf32, #tpu.memory_space<hbm>> -> memref<1x32x768xf32, #tpu.memory_space<hbm>>
    %dma_wait3A_969 = tpu.memref_squeeze %dma_wait3A_968 : memref<1x32x768xf32, #tpu.memory_space<hbm>> -> memref<32x768xf32, #tpu.memory_space<hbm>>
    %dma_wait3A_970 = arith.constant 0 : i32
    %dma_wait3A_971 = tpu.memref_slice %arg4[%select_n3A, %add3A_903, %dma_wait3A_970] : memref<4x8193x768xf32, #tpu.memory_space<hbm>> -> memref<1x32x768xf32, #tpu.memory_space<hbm>>
    %dma_wait3A_972 = tpu.memref_squeeze %dma_wait3A_971 : memref<1x32x768xf32, #tpu.memory_space<hbm>> -> memref<32x768xf32, #tpu.memory_space<hbm>>
    tpu.wait_dma2 semaphore(%arg19 : memref<!tpu.dma_semaphore, #tpu.memory_space<semaphore_mem>>) src(%arg9 : memref<32x768xf32, #tpu.memory_space<vmem>>) dst(%dma_wait3A_972 : memref<32x768xf32, #tpu.memory_space<hbm>>)
    %dma_wait3A_973 = arith.constant 0 : i32
    %dma_wait3A_974 = tpu.memref_slice %arg4[%select_n3A, %add3A_920, %dma_wait3A_973] : memref<4x8193x768xf32, #tpu.memory_space<hbm>> -> memref<1x32x768xf32, #tpu.memory_space<hbm>>
    %dma_wait3A_975 = tpu.memref_squeeze %dma_wait3A_974 : memref<1x32x768xf32, #tpu.memory_space<hbm>> -> memref<32x768xf32, #tpu.memory_space<hbm>>
    %dma_wait3A_976 = arith.constant 0 : i32
    %dma_wait3A_977 = tpu.memref_slice %arg4[%select_n3A, %add3A_920, %dma_wait3A_976] : memref<4x8193x768xf32, #tpu.memory_space<hbm>> -> memref<1x32x768xf32, #tpu.memory_space<hbm>>
    %dma_wait3A_978 = tpu.memref_squeeze %dma_wait3A_977 : memref<1x32x768xf32, #tpu.memory_space<hbm>> -> memref<32x768xf32, #tpu.memory_space<hbm>>
    tpu.wait_dma2 semaphore(%arg20 : memref<!tpu.dma_semaphore, #tpu.memory_space<semaphore_mem>>) src(%arg10 : memref<32x768xf32, #tpu.memory_space<vmem>>) dst(%dma_wait3A_978 : memref<32x768xf32, #tpu.memory_space<hbm>>)
    %dma_wait3A_979 = arith.constant 0 : i32
    %dma_wait3A_980 = tpu.memref_slice %arg4[%select_n3A, %add3A_937, %dma_wait3A_979] : memref<4x8193x768xf32, #tpu.memory_space<hbm>> -> memref<1x32x768xf32, #tpu.memory_space<hbm>>
    %dma_wait3A_981 = tpu.memref_squeeze %dma_wait3A_980 : memref<1x32x768xf32, #tpu.memory_space<hbm>> -> memref<32x768xf32, #tpu.memory_space<hbm>>
    %dma_wait3A_982 = arith.constant 0 : i32
    %dma_wait3A_983 = tpu.memref_slice %arg4[%select_n3A, %add3A_937, %dma_wait3A_982] : memref<4x8193x768xf32, #tpu.memory_space<hbm>> -> memref<1x32x768xf32, #tpu.memory_space<hbm>>
    %dma_wait3A_984 = tpu.memref_squeeze %dma_wait3A_983 : memref<1x32x768xf32, #tpu.memory_space<hbm>> -> memref<32x768xf32, #tpu.memory_space<hbm>>
    tpu.wait_dma2 semaphore(%arg16 : memref<!tpu.dma_semaphore, #tpu.memory_space<semaphore_mem>>) src(%arg6 : memref<32x768xf32, #tpu.memory_space<vmem>>) dst(%dma_wait3A_984 : memref<32x768xf32, #tpu.memory_space<hbm>>)
    %dma_wait3A_985 = arith.constant 0 : i32
    %dma_wait3A_986 = tpu.memref_slice %arg4[%select_n3A, %add3A_954, %dma_wait3A_985] : memref<4x8193x768xf32, #tpu.memory_space<hbm>> -> memref<1x32x768xf32, #tpu.memory_space<hbm>>
    %dma_wait3A_987 = tpu.memref_squeeze %dma_wait3A_986 : memref<1x32x768xf32, #tpu.memory_space<hbm>> -> memref<32x768xf32, #tpu.memory_space<hbm>>
    %dma_wait3A_988 = arith.constant 0 : i32
    %dma_wait3A_989 = tpu.memref_slice %arg4[%select_n3A, %add3A_954, %dma_wait3A_988] : memref<4x8193x768xf32, #tpu.memory_space<hbm>> -> memref<1x32x768xf32, #tpu.memory_space<hbm>>
    %dma_wait3A_990 = tpu.memref_squeeze %dma_wait3A_989 : memref<1x32x768xf32, #tpu.memory_space<hbm>> -> memref<32x768xf32, #tpu.memory_space<hbm>>
    tpu.wait_dma2 semaphore(%arg17 : memref<!tpu.dma_semaphore, #tpu.memory_space<semaphore_mem>>) src(%arg7 : memref<32x768xf32, #tpu.memory_space<vmem>>) dst(%dma_wait3A_990 : memref<32x768xf32, #tpu.memory_space<hbm>>)
    %eq3A_991 = arith.constant 7 : i32
    %eq3A_992 = arith.cmpi eq, %select_n3A_30, %eq3A_991 : i32
    %convert_element_type3A = arith.extui %eq3A_992 : i1 to i32
    %cond3A = arith.constant 0 : i32
    %cond3A_993 = arith.cmpi ne, %convert_element_type3A, %cond3A : i32
    scf.if %cond3A_993 {
      "tpu.region"() ({
        %run_scoped3A = tpu.sem_alloc : memref<!tpu.dma_semaphore, #tpu.memory_space<semaphore_mem>>
        %dma_start3A_1008 = arith.constant 32 : i32
        %dma_start3A_1009 = arith.constant 0 : i32
        %dma_start3A_1010 = tpu.memref_slice %arg5[%dma_start3A_1008, %dma_start3A_1009] : memref<33x32xi32, #tpu.memory_space<vmem>> -> memref<1x32xi32, #tpu.memory_space<vmem>>
        %dma_start3A_1011 = arith.constant 256 : i32
        %dma_start3A_1012 = arith.constant 0 : i32
        %dma_start3A_1013 = tpu.memref_slice %arg2[%select_n3A, %dma_start3A_1011, %dma_start3A_1012] : memref<4x257x32xi32, #tpu.memory_space<hbm>> -> memref<1x1x32xi32, #tpu.memory_space<hbm>>
        %dma_start3A_1014 = tpu.memref_squeeze %dma_start3A_1013 : memref<1x1x32xi32, #tpu.memory_space<hbm>> -> memref<1x32xi32, #tpu.memory_space<hbm>>
        %dma_start3A_1015 = arith.constant 32 : i32
        %dma_start3A_1016 = arith.constant 0 : i32
        %dma_start3A_1017 = tpu.memref_slice %arg5[%dma_start3A_1015, %dma_start3A_1016] : memref<33x32xi32, #tpu.memory_space<vmem>> -> memref<1x32xi32, #tpu.memory_space<vmem>>
        %dma_start3A_1018 = arith.constant 256 : i32
        %dma_start3A_1019 = arith.constant 0 : i32
        %dma_start3A_1020 = tpu.memref_slice %arg2[%select_n3A, %dma_start3A_1018, %dma_start3A_1019] : memref<4x257x32xi32, #tpu.memory_space<hbm>> -> memref<1x1x32xi32, #tpu.memory_space<hbm>>
        %dma_start3A_1021 = tpu.memref_squeeze %dma_start3A_1020 : memref<1x1x32xi32, #tpu.memory_space<hbm>> -> memref<1x32xi32, #tpu.memory_space<hbm>>
        tpu.enqueue_dma source(%dma_start3A_1021 : memref<1x32xi32, #tpu.memory_space<hbm>>) target(%dma_start3A_1017 : memref<1x32xi32, #tpu.memory_space<vmem>>) target_semaphore(%run_scoped3A : memref<!tpu.dma_semaphore, #tpu.memory_space<semaphore_mem>>)
        %dma_wait3A_1022 = arith.constant 32 : i32
        %dma_wait3A_1023 = arith.constant 0 : i32
        %dma_wait3A_1024 = tpu.memref_slice %arg5[%dma_wait3A_1022, %dma_wait3A_1023] : memref<33x32xi32, #tpu.memory_space<vmem>> -> memref<1x32xi32, #tpu.memory_space<vmem>>
        %dma_wait3A_1025 = arith.constant 256 : i32
        %dma_wait3A_1026 = arith.constant 0 : i32
        %dma_wait3A_1027 = tpu.memref_slice %arg2[%select_n3A, %dma_wait3A_1025, %dma_wait3A_1026] : memref<4x257x32xi32, #tpu.memory_space<hbm>> -> memref<1x1x32xi32, #tpu.memory_space<hbm>>
        %dma_wait3A_1028 = tpu.memref_squeeze %dma_wait3A_1027 : memref<1x1x32xi32, #tpu.memory_space<hbm>> -> memref<1x32xi32, #tpu.memory_space<hbm>>
        %dma_wait3A_1029 = arith.constant 32 : i32
        %dma_wait3A_1030 = arith.constant 0 : i32
        %dma_wait3A_1031 = tpu.memref_slice %arg5[%dma_wait3A_1029, %dma_wait3A_1030] : memref<33x32xi32, #tpu.memory_space<vmem>> -> memref<1x32xi32, #tpu.memory_space<vmem>>
        %dma_wait3A_1032 = arith.constant 256 : i32
        %dma_wait3A_1033 = arith.constant 0 : i32
        %dma_wait3A_1034 = tpu.memref_slice %arg2[%select_n3A, %dma_wait3A_1032, %dma_wait3A_1033] : memref<4x257x32xi32, #tpu.memory_space<hbm>> -> memref<1x1x32xi32, #tpu.memory_space<hbm>>
        %dma_wait3A_1035 = tpu.memref_squeeze %dma_wait3A_1034 : memref<1x1x32xi32, #tpu.memory_space<hbm>> -> memref<1x32xi32, #tpu.memory_space<hbm>>
        tpu.wait_dma2 semaphore(%run_scoped3A : memref<!tpu.dma_semaphore, #tpu.memory_space<semaphore_mem>>) src(%dma_wait3A_1035 : memref<1x32xi32, #tpu.memory_space<hbm>>) dst(%dma_wait3A_1031 : memref<1x32xi32, #tpu.memory_space<vmem>>)
        tpu.yield
      }) : () -> ()
      %dma_start3A_994 = arith.constant 32 : i32
      %dma_start3A_995 = arith.constant 0 : i32
      %dma_start3A_996 = tpu.memref_slice %arg5[%dma_start3A_994, %dma_start3A_995] : memref<33x32xi32, #tpu.memory_space<vmem>> -> memref<1x32xi32, #tpu.memory_space<vmem>>
      %dma_start3A_997 = tpu.memref_squeeze %dma_start3A_996 : memref<1x32xi32, #tpu.memory_space<vmem>> -> memref<32xi32, #tpu.memory_space<vmem>>
      %dma_start3A_998 = arith.constant 0 : i32
      %dma_start3A_999 = arith.constant 0 : i32
      %dma_start3A_1000 = tpu.memref_slice %arg3[%dma_start3A_998, %dma_start3A_999] : memref<100000x768xf32, #tpu.memory_space<hbm>> -> memref<100000x768xf32, #tpu.memory_space<hbm>>
      tpu.enqueue_indirect_dma source(%dma_start3A_1000 : memref<100000x768xf32, #tpu.memory_space<hbm>>) target(%arg6 : memref<32x768xf32, #tpu.memory_space<vmem>>) offsets(%dma_start3A_997 : memref<32xi32, #tpu.memory_space<vmem>>) semaphore(%arg11 : memref<!tpu.dma_semaphore, #tpu.memory_space<semaphore_mem>>)
      %dma_wait3A_1001 = arith.constant 32 : i32
      %dma_wait3A_1002 = arith.constant 0 : i32
      %dma_wait3A_1003 = tpu.memref_slice %arg5[%dma_wait3A_1001, %dma_wait3A_1002] : memref<33x32xi32, #tpu.memory_space<vmem>> -> memref<1x32xi32, #tpu.memory_space<vmem>>
      %dma_wait3A_1004 = tpu.memref_squeeze %dma_wait3A_1003 : memref<1x32xi32, #tpu.memory_space<vmem>> -> memref<32xi32, #tpu.memory_space<vmem>>
      %dma_wait3A_1005 = arith.constant 0 : i32
      %dma_wait3A_1006 = arith.constant 0 : i32
      %dma_wait3A_1007 = tpu.memref_slice %arg3[%dma_wait3A_1005, %dma_wait3A_1006] : memref<100000x768xf32, #tpu.memory_space<hbm>> -> memref<100000x768xf32, #tpu.memory_space<hbm>>
      tpu.wait_indirect_dma semaphore(%arg11 : memref<!tpu.dma_semaphore, #tpu.memory_space<semaphore_mem>>) src(%dma_wait3A_1007 : memref<100000x768xf32, #tpu.memory_space<hbm>>) dst(%arg6 : memref<32x768xf32, #tpu.memory_space<vmem>>)
      "tpu.region"() ({
        %run_scoped3A = tpu.sem_alloc : memref<!tpu.dma_semaphore, #tpu.memory_space<semaphore_mem>>
        %dma_start3A_1008 = arith.constant 0 : i32
        %dma_start3A_1009 = arith.constant 0 : i32
        %dma_start3A_1010 = tpu.memref_slice %arg6[%dma_start3A_1008, %dma_start3A_1009] : memref<32x768xf32, #tpu.memory_space<vmem>> -> memref<1x768xf32, #tpu.memory_space<vmem>>
        %dma_start3A_1011 = arith.constant 8192 : i32
        %dma_start3A_1012 = arith.constant 0 : i32
        %dma_start3A_1013 = tpu.memref_slice %arg4[%select_n3A, %dma_start3A_1011, %dma_start3A_1012] : memref<4x8193x768xf32, #tpu.memory_space<hbm>> -> memref<1x1x768xf32, #tpu.memory_space<hbm>>
        %dma_start3A_1014 = tpu.memref_squeeze %dma_start3A_1013 : memref<1x1x768xf32, #tpu.memory_space<hbm>> -> memref<1x768xf32, #tpu.memory_space<hbm>>
        %dma_start3A_1015 = arith.constant 8192 : i32
        %dma_start3A_1016 = arith.constant 0 : i32
        %dma_start3A_1017 = tpu.memref_slice %arg4[%select_n3A, %dma_start3A_1015, %dma_start3A_1016] : memref<4x8193x768xf32, #tpu.memory_space<hbm>> -> memref<1x1x768xf32, #tpu.memory_space<hbm>>
        %dma_start3A_1018 = tpu.memref_squeeze %dma_start3A_1017 : memref<1x1x768xf32, #tpu.memory_space<hbm>> -> memref<1x768xf32, #tpu.memory_space<hbm>>
        %dma_start3A_1019 = arith.constant 0 : i32
        %dma_start3A_1020 = arith.constant 0 : i32
        %dma_start3A_1021 = tpu.memref_slice %arg6[%dma_start3A_1019, %dma_start3A_1020] : memref<32x768xf32, #tpu.memory_space<vmem>> -> memref<1x768xf32, #tpu.memory_space<vmem>>
        tpu.enqueue_dma source(%dma_start3A_1021 : memref<1x768xf32, #tpu.memory_space<vmem>>) target(%dma_start3A_1018 : memref<1x768xf32, #tpu.memory_space<hbm>>) target_semaphore(%run_scoped3A : memref<!tpu.dma_semaphore, #tpu.memory_space<semaphore_mem>>)
        %dma_wait3A_1022 = arith.constant 0 : i32
        %dma_wait3A_1023 = arith.constant 0 : i32
        %dma_wait3A_1024 = tpu.memref_slice %arg6[%dma_wait3A_1022, %dma_wait3A_1023] : memref<32x768xf32, #tpu.memory_space<vmem>> -> memref<1x768xf32, #tpu.memory_space<vmem>>
        %dma_wait3A_1025 = arith.constant 8192 : i32
        %dma_wait3A_1026 = arith.constant 0 : i32
        %dma_wait3A_1027 = tpu.memref_slice %arg4[%select_n3A, %dma_wait3A_1025, %dma_wait3A_1026] : memref<4x8193x768xf32, #tpu.memory_space<hbm>> -> memref<1x1x768xf32, #tpu.memory_space<hbm>>
        %dma_wait3A_1028 = tpu.memref_squeeze %dma_wait3A_1027 : memref<1x1x768xf32, #tpu.memory_space<hbm>> -> memref<1x768xf32, #tpu.memory_space<hbm>>
        %dma_wait3A_1029 = arith.constant 8192 : i32
        %dma_wait3A_1030 = arith.constant 0 : i32
        %dma_wait3A_1031 = tpu.memref_slice %arg4[%select_n3A, %dma_wait3A_1029, %dma_wait3A_1030] : memref<4x8193x768xf32, #tpu.memory_space<hbm>> -> memref<1x1x768xf32, #tpu.memory_space<hbm>>
        %dma_wait3A_1032 = tpu.memref_squeeze %dma_wait3A_1031 : memref<1x1x768xf32, #tpu.memory_space<hbm>> -> memref<1x768xf32, #tpu.memory_space<hbm>>
        %dma_wait3A_1033 = arith.constant 0 : i32
        %dma_wait3A_1034 = arith.constant 0 : i32
        %dma_wait3A_1035 = tpu.memref_slice %arg6[%dma_wait3A_1033, %dma_wait3A_1034] : memref<32x768xf32, #tpu.memory_space<vmem>> -> memref<1x768xf32, #tpu.memory_space<vmem>>
        tpu.wait_dma2 semaphore(%run_scoped3A : memref<!tpu.dma_semaphore, #tpu.memory_space<semaphore_mem>>) src(%dma_wait3A_1035 : memref<1x768xf32, #tpu.memory_space<vmem>>) dst(%dma_wait3A_1032 : memref<1x768xf32, #tpu.memory_space<hbm>>)
        tpu.yield
      }) : () -> ()
    } else {
    }
    return
  }
}

</mosaic_0001>

<sc_bundles>
// kernel: kernel.3.cloned.1.call-start
scs
__scs_entry_jumppad:
0x0: {  	(pc) =	sbr.rel $0x88, $3  }
0x1: {  	(tag) =	ssettag $0x0;
	lr =	simm.s32 $0x1  }
0x2: {  	[smem:$0x3F9F] =	sst lr;
	_ =	strace $0xD0000000  }
0x3: {  	_ = 	snop  }
0x4: {  	_ = 	snop  }
0x5: {  	_ = 	snop  }
0x6: {  	_ = 	snop  }
0x7: {  	_ = 	snop  }
__scs_overlays_trampoline_lowered:
0x8: {  	[smem:$0x3FAE] =	sst s0  }
0x9: {  	[smem:$0x3FAF] =	sst s1  }
0xa: {  	[smem:$0x3FB0] =	sst s2  }
0xb: {  	[smem:$0x3FB1] =	sst s3  }
0xc: {  	[smem:$0x3FB2] =	sst s4  }
0xd: {  	[smem:$0x3FB3] =	sst s5  }
0xe: {  	[smem:$0x3FB4] =	sst s6  }
0xf: {  	[smem:$0x3FB5] =	sst s7  }
0x10: {  	[smem:$0x3FB6] =	sst s8  }
0x11: {  	[smem:$0x3FB7] =	sst s9;
	s0 =	simm.s32 @!p0 $0x0  }
0x12: {  	s1 =	sld [smem:$0x3F9D];
	s0 =	simm.s32 @p0 $0x1  }
0x13: {  	[smem:$0x3FB8] =	sst s0;
	s0 =	simm.s32 @!p1 $0x0  }
0x14: {  	s2 =	sld [smem:$0x3F9C];
	s0 =	simm.s32 @p1 $0x1  }
0x15: {  	[smem:$0x3FB9] =	sst s0;
	s0 =	simm.s32 @!p2 $0x0  }
0x16: {  	s3 =	sld [smem:$0x3FDB];
	s0 =	simm.s32 @p2 $0x1  }
0x17: {  	s4 =	simm.s32 $0x1BF5;
	[smem:$0x3FBB] =	sst s0  }
0x18: {  	s0 =	sld [smem:$0x3F9E];
	_ =	swait.ge [sflag:s4], $0x0  }
0x19: {  	s7 =	sld [smem:$0x3F9F]  }
0x1a: {  	s8 =	sadd.s32 $0xFFFFE003, lr  }
0x1b: {  	s9 =	sadd.s32 $0xFFFFFEF7, lr;
	s5 =	simm.s32 $0xFFFFFFFF;
	p2 =	slt.u32 s8, $0xFFFFF086  }
0x1c: {  	p1 =	slt.u32 s9, $0xF7A;
	s5 =	simm.s32 @!p2 $0x0  }
0x1d: {  	s5 =	simm.s32 @p1 $0x1;
	p0 =	seq.s32 s7, s2  }
0x1e: {  	s7 =	smul.u32 @!p0 $0xF7A, s2;
	p2 =	seq.s32 @!p0 s5, $0x0  }
0x1f: {  	s9 =	smul.u32 $0xF7A, s1;
	s8 =	simm.s32 @!p0 $0x1BF5;
	p2 =	por !p2, p0  }
0x20: {  	[sflag:s8] =	ssyncset.s32 @!p0 $0xFFFFF086;
	s6 =	sadd.s32 @!p0 s3, s7;
	s7 =	simm.s32 @!p0 $0x108  }
0x21: {  	s3 =	sadd.s32 s3, s9;
	s6 =	sadd.s32 @!p0 $0x88, s6;
	s7 =	simm.s32 @p2 $0x1082  }
0x22: {  	[simem:s7], [sflag:s8] =	dma.local @!p0 [hbm:s6], $0xF7A  }
0x23: {  	s9 =	sor.u32 $0xD0000000, s2;
	s6 =	simm.s32 $0x108;
	_ =	swait.ge @!p0 [sflag:s8], $0x0  }
0x24: {  	s3 =	sadd.s32 $0x88, s3;
	s6 =	simm.s32 @!p1 $0x1082;
	[sflag:s4] =	ssyncset.s32 $0xFFFFF086  }
0x25: {  	[simem:s6], [sflag:s4] =	dma.local [hbm:s3], $0xF7A  }
0x26: {  	[smem:$0x3F9F] =	sst s1;
	(tag) =	ssettag s2;
	_ =	strace s9  }
0x27: {  	s1 =	sld [smem:$0x3FAF]  }
0x28: {  	s2 =	sld [smem:$0x3FB0]  }
0x29: {  	s4 =	sld [smem:$0x3FB2]  }
0x2a: {  	p0 =	seq.s32 s5, $0x0;
	s5 =	sld [smem:$0x3FB3]  }
0x2b: {  	s6 =	sld [smem:$0x3FB4]  }
0x2c: {  	s7 =	sld [smem:$0x3FB5]  }
0x2d: {  	s3 =	simm.s32 $0x108;
	s8 =	sld [smem:$0x3FB6]  }
0x2e: {  	s3 =	simm.s32 @!p0 $0x1082;
	s9 =	sld [smem:$0x3FB7]  }
0x2f: {  	lr =	sadd.s32 s0, s3;
	s0 =	sld [smem:$0x3FAE]  }
0x30: {  	s3 =	sld [smem:$0x3FB1]  }
0x31: {  	[smem:$0x3FBA] =	sst s10  }
0x32: {  	s10 =	sld [smem:$0x3FB8];
	_ =	sdelay $0x3  }
0x33: {  	p0 =	seq.s32 s10, $0x1;
	s10 =	sld [smem:$0x3FBA];
	_ =	sdelay $0x3  }
0x34: {  	[smem:$0x3FBA] =	sst s10  }
0x35: {  	s10 =	sld [smem:$0x3FB9];
	_ =	sdelay $0x3  }
0x36: {  	p1 =	seq.s32 s10, $0x1;
	s10 =	sld [smem:$0x3FBA];
	_ =	sdelay $0x3  }
0x37: {  	[smem:$0x3FBA] =	sst s10  }
0x38: {  	s10 =	sld [smem:$0x3FBB]  }
0x39: {  	_ = 	snop;
	(pc) =	sbr.ind lr, $3  }
0x3a: {  	_ = 	snop  }
0x3b: {  	_ = 	snop  }
0x3c: {  	p2 =	seq.s32 s10, $0x1;
	s10 =	sld [smem:$0x3FBA]  }
0x3d: {  	_ =	shalt  }
0x3e: {  	_ =	shalt  }
0x3f: {  	_ =	shalt  }
0x40: {  	_ =	shalt  }
0x41: {  	_ =	shalt  }
0x42: {  	_ =	shalt  }
0x43: {  	_ =	shalt  }
0x44: {  	_ =	shalt  }
0x45: {  	_ =	shalt  }
0x46: {  	_ =	shalt  }
0x47: {  	_ =	shalt  }
0x48: {  	_ =	shalt  }
0x49: {  	_ =	shalt  }
0x4a: {  	_ =	shalt  }
0x4b: {  	_ =	shalt  }
0x4c: {  	_ =	shalt  }
0x4d: {  	_ =	shalt  }
0x4e: {  	_ =	shalt  }
0x4f: {  	_ =	shalt  }
0x50: {  	_ =	shalt  }
0x51: {  	_ =	shalt  }
0x52: {  	_ =	shalt  }
0x53: {  	_ =	shalt  }
0x54: {  	_ =	shalt  }
0x55: {  	_ =	shalt  }
0x56: {  	_ =	shalt  }
0x57: {  	_ =	shalt  }
0x58: {  	_ =	shalt  }
0x59: {  	_ =	shalt  }
0x5a: {  	_ =	shalt  }
0x5b: {  	_ =	shalt  }
0x5c: {  	_ =	shalt  }
0x5d: {  	_ =	shalt  }
0x5e: {  	_ =	shalt  }
0x5f: {  	_ =	shalt  }
0x60: {  	_ =	shalt  }
0x61: {  	_ =	shalt  }
0x62: {  	_ =	shalt  }
0x63: {  	_ =	shalt  }
0x64: {  	_ =	shalt  }
0x65: {  	_ =	shalt  }
0x66: {  	_ =	shalt  }
0x67: {  	_ =	shalt  }
0x68: {  	_ =	shalt  }
0x69: {  	_ =	shalt  }
0x6a: {  	_ =	shalt  }
0x6b: {  	_ =	shalt  }
0x6c: {  	_ =	shalt  }
0x6d: {  	_ =	shalt  }
0x6e: {  	_ =	shalt  }
0x6f: {  	_ =	shalt  }
0x70: {  	_ =	shalt  }
0x71: {  	_ =	shalt  }
0x72: {  	_ =	shalt  }
0x73: {  	_ =	shalt  }
0x74: {  	_ =	shalt  }
0x75: {  	_ =	shalt  }
0x76: {  	_ =	shalt  }
0x77: {  	_ =	shalt  }
0x78: {  	_ =	shalt  }
0x79: {  	_ =	shalt  }
0x7a: {  	_ =	shalt  }
0x7b: {  	_ =	shalt  }
0x7c: {  	_ =	shalt  }
0x7d: {  	_ =	shalt  }
0x7e: {  	_ =	shalt  }
0x7f: {  	_ =	shalt  }
0x80: {  	_ =	shalt  }
0x81: {  	_ =	shalt  }
0x82: {  	_ =	shalt  }
0x83: {  	_ =	shalt  }
0x84: {  	_ =	shalt  }
0x85: {  	_ =	shalt  }
0x86: {  	_ =	shalt  }
0x87: {  	_ =	shalt  }
.Lfunc_end0:
.L_simem_size_0:
called_computation_lowered:
.L_overlay_start_0:
0x88: {  	s2 =	sld [smem:$0x3FD9]  }
0x89: {  	s3 =	sld [smem:$0x3FFE];
	_ =	sdelay $0x1  }
0x8a: {  	s1 =	srdreg.scid  }
0x8b: {  	s0 =	sand.u32 $0x1, s1  }
0x8c: {  	s17 =	sshll.u32 s0, $0xA;
	s2 =	sadd.s32 s3, s2  }
0x8d: {  	s2 =	sadd.s32 s2, s17  }
0x8e: {  	[smem:$0x3FC6] =	sst s2  }
0x8f: {  	_ = 	snop  }
0x90: {  	s2 =	sld [smem:$0x3FC8]  }
0x91: {  	s18 =	sld [smem:$0x3FD0];
	(tm) =	ssettm $0x1  }
0x92: {  	s4 =	sld [smem:$0x3FFB];
	_ =	sdelay $0x3  }
0x93: {  	_ =	strace s4  }
0x94: {  	s4 =	sld [smem:$0x3FFC];
	_ =	sdelay $0x3  }
0x95: {  	_ =	strace s4  }
0x96: {  	s4 =	sld [smem:$0x3FFD];
	_ =	sdelay $0x3  }
0x97: {  	_ =	strace s4  }
0x98: {  	_ =	strace $0x8FFFFFFF  }
0x99: {  	s19 =	sld [smem:$0x3FDB];
	_ =	sdelay $0x1  }
0x9a: {  	s5 =	simm.s32 $_scs_section_size  }
0x9b: {  	s6 =	simm.s32 $_size__tile_overlayer_lowered;
	s7 =	simm.s32 $_tile_overlayer_lowered  }
0x9c: {  	s22 =	simm.s32 $0x1BFF;
	s21 =	sshll.u32 s7, $0x1;
	s4 =	sadd.s32 s5, s19  }
0x9d: {  	s8 =	simm.s32 $0x0;
	s20 =	sshll.u32 s6, $0x1;
	s6 =	sadd.s32 s21, s4  }
0x9e: {  	[timem:s8], [sflag:s22] =	dma.local [hbm:s6], s20  }
0x9f: {  	_ =	swait.ge [sflag:s22], s20  }
0xa0: {  	s5 =	ssub.s32 $0x0, s20;
	[sflag:s22] =	ssyncset.done $0x0  }
0xa1: {  	[sflag:s22] =	ssyncadd.s32 s5;
	_ =	sdelay $0x1  }
0xa2: {  	s23 =	simm.s32 $0x1B8B  }
0xa3: {  	_ =	swait.ge [sflag:s23], $0x1  }
0xa4: {  	[sflag:s23] =	ssyncset.done $0x0  }
0xa5: {  	s25 =	simm.s32 $0x1B8E;
	s24 =	sld [smem:$0x3FFE];
	[sflag:s23] =	ssyncadd.s32 $0xFFFFFFFF  }
0xa6: {  	s26 =	simm.s32 $execute0_lowered;
	[smem:$0x3FD2] =	sst s25  }
0xa7: {  	s6 =	sshll.u32 s26, $0x1;
	_ =	strace $0x80000046;
	[dreg:$0x1] =	wrdreg $0xFFFFFFFF  }
0xa8: {  	s28 =	simm.s32 $_size_execute0_lowered;
	s4 =	sadd.s32 s4, s6;
	[dreg:$0x0] =	wrdreg $0x0  }
0xa9: {  	s6 =	sshll.u32 s28, $0x1;
	[dreg:$0x2] =	wrdreg s4  }
0xaa: {  	[dreg:$0x3] =	wrdreg s6  }
0xab: {  	[dreg:$0x4] =	wrdreg $0xC0  }
0xac: {  	_ =	task [dreg:s8], $0x5FFFF  }
0xad: {  	[dreg:$0x1] =	wrdreg $0xFFFFFFFF  }
0xae: {  	[dreg:$0x0] =	wrdreg $0x60  }
0xaf: {  	[dreg:$0x2] =	wrdreg s18  }
0xb0: {  	[dreg:$0x3] =	wrdreg s2  }
0xb1: {  	[dreg:$0x4] =	wrdreg s24  }
0xb2: {  	[dreg:$0x5] =	wrdreg $0x9  }
0xb3: {  	_ =	task.clear_ibuf [dreg:s8], $0x6FFFF;
	_ =	strace $0x90000046  }
0xb4: {  	s29 =	simm.s32 $0x9;
	_ =	strace $0x80000048  }
0xb5: {  	_ =	swait.ge [sflag:s29], $0x1  }
0xb6: {  	[sflag:s29] =	ssyncadd.s32 $0xFFFFFFFF  }
0xb7: {  	_ =	strace $0x90000048  }
0xb8: {  	_ =	sfence  }
0xb9: {  	s30 =	sld [smem:$0x0];
	_ =	sdelay $0x2  }
0xba: {  	s31 =	sshll.u32 s1, $0xD;
	s1 =	sshrl.u32 s1, $0x2  }
0xbb: {  	s3 =	sand.u32 $0x4000, s31;
	s1 =	sadd.s32 s1, s30  }
0xbc: {  	s0 =	sor.u32 s3, s0;
	s1 =	sshll.u32 s1, $0x11  }
0xbd: {  	s0 =	sor.u32 s1, s0  }
0xbe: {  	s0 =	sadd.s32 $0x8F2B, s0  }
0xbf: {  	[sflag:s0] =	ssyncadd.remote.s32 $0x1  }
0xc0: {  	_ =	sfence.sel $0xFFFF  }
0xc1: {  	[dreg:$0x0] =	wrdreg $0xFFFFFFFF;
	(pc) =	sbr.abs _section_cstart, $3  }
0xc2: {  	[dreg:$0x1] =	wrdreg $0xFFFFFFFF  }
0xc3: {  	_ =	task.clear_ibuf [dreg:s8], $0x2FFFF;
	_ =	strace $0x9FFFFFFF  }
0xc4: {  	(tm) =	ssettm $0x7FFFFFFF  }
0xc5: {  	_ =	shalt  }
tec
execute0_lowered:
.L_overlay_start_1:
0x0: {  	(tag) =	ssettag $0x1  }
0x1: {  	s0 =	rddreg [dreg:$0x0]  }
0x2: {  	s2 =	rddreg [dreg:$0x1]  }
0x3: {  	s1 =	rddreg [dreg:$0x2];
	s6 =	stileid.u32  }
0x4: {  	s3 =	simm.s32 $0x0;
	s4 =	srdreg.scid;
	s5 =	sshll.u32 s6, $0x1  }
0x5: {  	s6 =	sshrl.u32 s6, $0x2;
	s4 =	sand.u32 $0x1, s4;
	s5 =	sand.u32 $0x6, s5  }
0x6: {  	[smem:$0x7FF] =	sst s3;
	s7 =	smul.u32 $0x8400, s6;
	s8 =	sor.u32 s4, s5  }
0x7: {  	s1 =	sadd.s32 $0x400, s1;
	s9 =	smul.u32 $0x601800, s6;
	s5 =	sshll.u32 s8, $0xC  }
0x8: {  	_ =	strace $0x80000047;
	s18 =	smul.u32 $0xC0000, s8;
	s5 =	sadd.s32 s7, s5  }
0x9: {  	s4 =	ssub.s32 $0x2, s4;
	s7 =	sshrl.u32 s7, $0x3;
	s5 =	sshrl.u32 s5, $0x3  }
0xa: {  	s6 =	sadd.s32 s9, s18;
	s5 =	sadd.s32 s0, s5;
	s0 =	sadd.s32 s0, s7  }
0xb: {  	s19 =	sshrl.u32 s6, $0x3;
	[dreg:$0xa] =	wrdreg s5;
	s0 =	sadd.s32 $0x1000, s0  }
0xc: {  	s10 =	sshrl.u32 s4, $0x1;
	s11 =	sadd.s32 s1, s19;
	[dreg:$0x6] =	wrdreg s0  }
0xd: {  	s4 =	ssub.s32 s4, s10;
	s10 =	sadd.s32 $0xC00, s11;
	[smem:$0x7FD] =	sst s11  }
0xe: {  	s20 =	sadd.s32 $0x1800, s11;
	[dreg:$0xf] =	wrdreg s10  }
0xf: {  	s21 =	sadd.s32 $0x2400, s11;
	[dreg:$0x10] =	wrdreg s20  }
0x10: {  	s22 =	sadd.s32 $0x3000, s11;
	[dreg:$0x11] =	wrdreg s21  }
0x11: {  	s23 =	sadd.s32 $0x3C00, s11;
	[dreg:$0x12] =	wrdreg s22  }
0x12: {  	s24 =	sadd.s32 $0x4800, s11;
	[dreg:$0x13] =	wrdreg s23  }
0x13: {  	s25 =	sadd.s32 $0x5400, s11;
	[dreg:$0x14] =	wrdreg s24  }
0x14: {  	s26 =	sadd.s32 $0x6000, s11;
	[dreg:$0x15] =	wrdreg s25  }
0x15: {  	s28 =	sadd.s32 $0x6C00, s11;
	[dreg:$0x16] =	wrdreg s26  }
0x16: {  	s29 =	sadd.s32 $0x7800, s11;
	[dreg:$0x17] =	wrdreg s28  }
0x17: {  	s30 =	sadd.s32 $0x8400, s11;
	[dreg:$0x18] =	wrdreg s29  }
0x18: {  	s31 =	sadd.s32 $0x9000, s11;
	[dreg:$0x19] =	wrdreg s30  }
0x19: {  	s12 =	sadd.s32 $0x9C00, s11;
	[dreg:$0x1a] =	wrdreg s31  }
0x1a: {  	s13 =	sadd.s32 $0xA800, s11;
	[dreg:$0x1b] =	wrdreg s12  }
0x1b: {  	s14 =	sadd.s32 $0xB400, s11;
	[dreg:$0x4] =	wrdreg s13  }
0x1c: {  	s16 =	sadd.s32 $0xC000, s11;
	[dreg:$0x5] =	wrdreg s14  }
0x1d: {  	s17 =	sadd.s32 $0xCC00, s11;
	[dreg:$0x1c] =	wrdreg s16  }
0x1e: {  	s18 =	sadd.s32 $0xD800, s11;
	[dreg:$0x1d] =	wrdreg s17  }
0x1f: {  	s19 =	sadd.s32 $0xE400, s11;
	[dreg:$0x1e] =	wrdreg s18  }
0x20: {  	[dreg:$0x1f] =	wrdreg s19;
	s20 =	sadd.s32 $0xF000, s11  }
0x21: {  	s21 =	sadd.s32 $0xFC00, s11;
	[smem:$0x7F7] =	sst s20  }
0x22: {  	s22 =	sadd.s32 $0x10800, s11;
	[smem:$0x7F8] =	sst s21  }
0x23: {  	s23 =	sadd.s32 $0x11400, s11;
	[smem:$0x7F9] =	sst s22  }
0x24: {  	s24 =	sadd.s32 $0x12000, s11;
	[smem:$0x7FA] =	sst s23  }
0x25: {  	p0 =	sne.s32 s8, $0x7;
	s25 =	sadd.s32 $0x12C00, s11;
	[smem:$0x7FB] =	sst s24  }
0x26: {  	s6 =	sadd.s32 $0x200, s2;
	s26 =	sadd.s32 $0x13800, s11;
	[smem:$0x7FC] =	sst s25  }
0x27: {  	s5 =	sadd.s32 $0x100, s2;
	s19 =	sadd.s32 $0x14400, s11;
	[dreg:$0x8] =	wrdreg s26  }
0x28: {  	s0 =	smax.u32 s4, $0x1;
	s28 =	sadd.s32 $0x15000, s11;
	[dreg:$0x9] =	wrdreg s19  }
.Ltmp0:
0x29: {  	s29 =	sadd.s32 $0x15C00, s11;
	[dreg:$0xb] =	wrdreg s28;
	(pc) =	sbr.rel .LBB2_1-.Ltmp0, $4  }
0x2a: {  	s10 =	sshrl.u32 s9, $0x3;
	s30 =	sadd.s32 $0x16800, s11;
	[dreg:$0xc] =	wrdreg s29  }
0x2b: {  	v2 =	vlaneseq.u32;
	s31 =	sadd.s32 $0x17400, s11;
	s1 =	sadd.s32 s1, s10;
	[dreg:$0xd] =	wrdreg s30  }
0x2c: {  	vm0 =	vmmov $0xffff;
	v1 =	vshrl.u32 v2, $0x3;
	s12 =	simm.s32 $0x1;
	[dreg:$0xe] =	wrdreg s31;
	s15 =	sadd.s32 $0xC0000, s1  }
0x2d: {  	v0 =	vand.u32 $0x7, v2;
	v2 =	vor.u32 $0x8, v2;
	v1 =	vmul.u32 $0x8, v1;
	s11 =	simm.s32 $0x6;
	s10 =	simm.s32 $0x2;
	[dreg:$0x7] =	wrdreg s15  }
.LBB2_3:
0x2e: {  	s0 =	sld [smem:$0x7F6];
	_ =	sdelay $0x2  }
0x2f: {  	s0 =	sadd.s32 $0xFFFFFFFF, s0  }
0x30: {  	p1 =	sne.s32 s0, $0x0  }
.Ltmp1:
0x31: {  	_ = 	snop;
	(pc) =	sbr.rel @!p1 .LBB2_4-.Ltmp1, $1  }
0x32: {  	_ =	sdelay $0x3  }
.LBB2_1:
0x33: {  	[smem:$0x7F6] =	sst s0  }
0x34: {  	s19 =	rddreg [dreg:$0xa];
	s14 =	simm.s32 $0xB  }
0x35: {  	[tilespmem:s3], [sflag:$0xB] =	stream.linear.gather [hbm4b:s19+s3], $0x1000, $0x38;
	[tilespmem:$0x1F400] =	vst v63  }
0x36: {  	_ =	swait.ge [sflag:s14], $0x1000  }
0x37: {  	[sflag:s14] =	ssyncset.done $0x0  }
0x38: {  	[sflag:s14] =	ssyncadd.s32 $0xFFFFF000  }
0x39: {  	v3 =	vld [tilespmem:$0x0];
	_ =	sdelay $0x4  }
0x3a: {  	v4 =	vshrl.u32 v3, $0x3  }
0x3b: {  	v4 =	vmul.u32 $0x30, v4  }
0x3c: {  	v3 =	vand.u32 $0x7, v3  }
0x3d: {  	v3 =	vor.u32 v3, v4  }
0x3e: {  	v4 =	vperm.xlane v3, v0;
	_ =	sdelay $0x1  }
0x3f: {  	v4 =	vadd.s32 v1, v4;
	_ =	sdelay $0x3  }
0x40: {  	s15 =	simm.s32 $0x1400;
	v3 =	vperm.xlane v3, v2  }
0x41: {  	[tilespmem:s15], [sflag:$0x1] =	stream.indirect_vreg.gather [hbm4b:s2+s3], $0x80, v4, vm0, $0xb8;
	[tilespmem:$0x1F400] =	vst v63  }
0x42: {  	s1 =	simm.s32 $0x1C00;
	v3 =	vadd.s32 v1, v3  }
0x43: {  	[tilespmem:s1], [sflag:$0x1] =	stream.indirect_vreg.gather [hbm4b:s5+s3], $0x80, v4, vm0, $0xb8;
	[tilespmem:$0x1F400] =	vst v63  }
0x44: {  	s16 =	simm.s32 $0x2400  }
0x45: {  	[tilespmem:s16], [sflag:$0x1] =	stream.indirect_vreg.gather [hbm4b:s6+s3], $0x80, v4, vm0, $0xb8;
	[tilespmem:$0x1F400] =	vst v63  }
0x46: {  	s17 =	simm.s32 $0x2C00  }
0x47: {  	[tilespmem:s17], [sflag:$0x1] =	stream.indirect_vreg.gather [hbm4b:s2+s3], $0x80, v3, vm0, $0xb8;
	[tilespmem:$0x1F400] =	vst v63  }
0x48: {  	s18 =	simm.s32 $0x3400  }
0x49: {  	[tilespmem:s18], [sflag:$0x1] =	stream.indirect_vreg.gather [hbm4b:s5+s3], $0x80, v3, vm0, $0xb8;
	[tilespmem:$0x1F400] =	vst v63  }
0x4a: {  	s19 =	simm.s32 $0x3C00  }
0x4b: {  	[tilespmem:s19], [sflag:$0x1] =	stream.indirect_vreg.gather [hbm4b:s6+s3], $0x80, v3, vm0, $0xb8;
	[tilespmem:$0x1F400] =	vst v63  }
0x4c: {  	v3 =	vld [tilespmem:$0x10];
	_ =	sdelay $0x4  }
0x4d: {  	v57 =	vshrl.u32 v3, $0x3  }
0x4e: {  	v4 =	vmul.u32 $0x30, v57  }
0x4f: {  	v3 =	vand.u32 $0x7, v3  }
0x50: {  	v3 =	vor.u32 v3, v4  }
0x51: {  	v4 =	vperm.xlane v3, v0;
	_ =	sdelay $0x1  }
0x52: {  	v4 =	vadd.s32 v1, v4;
	_ =	sdelay $0x3  }
0x53: {  	s20 =	simm.s32 $0x4400;
	v3 =	vperm.xlane v3, v2  }
0x54: {  	[tilespmem:s20], [sflag:$0x1] =	stream.indirect_vreg.gather [hbm4b:s2+s3], $0x80, v4, vm0, $0xb8;
	[tilespmem:$0x1F400] =	vst v63  }
0x55: {  	s21 =	simm.s32 $0x4C00;
	v3 =	vadd.s32 v1, v3  }
0x56: {  	[tilespmem:s21], [sflag:$0x1] =	stream.indirect_vreg.gather [hbm4b:s5+s3], $0x80, v4, vm0, $0xb8;
	[tilespmem:$0x1F400] =	vst v63  }
0x57: {  	s22 =	simm.s32 $0x5400  }
0x58: {  	[tilespmem:s22], [sflag:$0x1] =	stream.indirect_vreg.gather [hbm4b:s6+s3], $0x80, v4, vm0, $0xb8;
	[tilespmem:$0x1F400] =	vst v63  }
0x59: {  	s23 =	simm.s32 $0x5C00  }
0x5a: {  	[tilespmem:s23], [sflag:$0x1] =	stream.indirect_vreg.gather [hbm4b:s2+s3], $0x80, v3, vm0, $0xb8;
	[tilespmem:$0x1F400] =	vst v63  }
0x5b: {  	s24 =	simm.s32 $0x6400  }
0x5c: {  	[tilespmem:s24], [sflag:$0x1] =	stream.indirect_vreg.gather [hbm4b:s5+s3], $0x80, v3, vm0, $0xb8;
	[tilespmem:$0x1F400] =	vst v63  }
0x5d: {  	s25 =	simm.s32 $0x6C00  }
0x5e: {  	[tilespmem:s25], [sflag:$0x1] =	stream.indirect_vreg.gather [hbm4b:s6+s3], $0x80, v3, vm0, $0xb8;
	[tilespmem:$0x1F400] =	vst v63  }
0x5f: {  	v3 =	vld [tilespmem:$0x80];
	_ =	sdelay $0x4  }
0x60: {  	v58 =	vshrl.u32 v3, $0x3  }
0x61: {  	v4 =	vmul.u32 $0x30, v58  }
0x62: {  	v3 =	vand.u32 $0x7, v3  }
0x63: {  	v3 =	vor.u32 v3, v4  }
0x64: {  	v4 =	vperm.xlane v3, v0;
	_ =	sdelay $0x1  }
0x65: {  	v4 =	vadd.s32 v1, v4;
	_ =	sdelay $0x3  }
0x66: {  	s26 =	simm.s32 $0x7400;
	v3 =	vperm.xlane v3, v2  }
0x67: {  	[tilespmem:s26], [sflag:$0x2] =	stream.indirect_vreg.gather [hbm4b:s2+s3], $0x80, v4, vm0, $0xb8;
	[tilespmem:$0x1F400] =	vst v63  }
0x68: {  	s18 =	simm.s32 $0x7C00;
	v3 =	vadd.s32 v1, v3  }
0x69: {  	[tilespmem:s18], [sflag:$0x2] =	stream.indirect_vreg.gather [hbm4b:s5+s3], $0x80, v4, vm0, $0xb8;
	[tilespmem:$0x1F400] =	vst v63  }
0x6a: {  	s19 =	simm.s32 $0x8400  }
0x6b: {  	[tilespmem:s19], [sflag:$0x2] =	stream.indirect_vreg.gather [hbm4b:s6+s3], $0x80, v4, vm0, $0xb8;
	[tilespmem:$0x1F400] =	vst v63  }
0x6c: {  	s20 =	simm.s32 $0x8C00  }
0x6d: {  	[tilespmem:s20], [sflag:$0x2] =	stream.indirect_vreg.gather [hbm4b:s2+s3], $0x80, v3, vm0, $0xb8;
	[tilespmem:$0x1F400] =	vst v63  }
0x6e: {  	s21 =	simm.s32 $0x9400  }
0x6f: {  	[tilespmem:s21], [sflag:$0x2] =	stream.indirect_vreg.gather [hbm4b:s5+s3], $0x80, v3, vm0, $0xb8;
	[tilespmem:$0x1F400] =	vst v63  }
0x70: {  	s22 =	simm.s32 $0x9C00  }
0x71: {  	[tilespmem:s22], [sflag:$0x2] =	stream.indirect_vreg.gather [hbm4b:s6+s3], $0x80, v3, vm0, $0xb8;
	[tilespmem:$0x1F400] =	vst v63  }
0x72: {  	v3 =	vld [tilespmem:$0x90];
	_ =	sdelay $0x4  }
0x73: {  	v59 =	vshrl.u32 v3, $0x3  }
0x74: {  	v4 =	vmul.u32 $0x30, v59  }
0x75: {  	v3 =	vand.u32 $0x7, v3  }
0x76: {  	v3 =	vor.u32 v3, v4  }
0x77: {  	v4 =	vperm.xlane v3, v0;
	_ =	sdelay $0x1  }
0x78: {  	v4 =	vadd.s32 v1, v4;
	_ =	sdelay $0x3  }
0x79: {  	s25 =	simm.s32 $0xA400;
	v3 =	vperm.xlane v3, v2  }
0x7a: {  	[tilespmem:s25], [sflag:$0x2] =	stream.indirect_vreg.gather [hbm4b:s2+s3], $0x80, v4, vm0, $0xb8;
	[tilespmem:$0x1F400] =	vst v63  }
0x7b: {  	s26 =	simm.s32 $0xAC00;
	v3 =	vadd.s32 v1, v3  }
0x7c: {  	[tilespmem:s26], [sflag:$0x2] =	stream.indirect_vreg.gather [hbm4b:s5+s3], $0x80, v4, vm0, $0xb8;
	[tilespmem:$0x1F400] =	vst v63  }
0x7d: {  	s19 =	simm.s32 $0xB400  }
0x7e: {  	[tilespmem:s19], [sflag:$0x2] =	stream.indirect_vreg.gather [hbm4b:s6+s3], $0x80, v4, vm0, $0xb8;
	[tilespmem:$0x1F400] =	vst v63  }
0x7f: {  	s20 =	simm.s32 $0xBC00  }
0x80: {  	[tilespmem:s20], [sflag:$0x2] =	stream.indirect_vreg.gather [hbm4b:s2+s3], $0x80, v3, vm0, $0xb8;
	[tilespmem:$0x1F400] =	vst v63  }
0x81: {  	s21 =	simm.s32 $0xC400  }
0x82: {  	[tilespmem:s21], [sflag:$0x2] =	stream.indirect_vreg.gather [hbm4b:s5+s3], $0x80, v3, vm0, $0xb8;
	[tilespmem:$0x1F400] =	vst v63  }
0x83: {  	s19 =	simm.s32 $0xCC00  }
0x84: {  	[tilespmem:s19], [sflag:$0x2] =	stream.indirect_vreg.gather [hbm4b:s6+s3], $0x80, v3, vm0, $0xb8;
	[tilespmem:$0x1F400] =	vst v63  }
0x85: {  	v3 =	vld [tilespmem:$0x100];
	_ =	sdelay $0x4  }
0x86: {  	v60 =	vshrl.u32 v3, $0x3  }
0x87: {  	v4 =	vmul.u32 $0x30, v60  }
0x88: {  	v3 =	vand.u32 $0x7, v3  }
0x89: {  	v3 =	vor.u32 v3, v4  }
0x8a: {  	v4 =	vperm.xlane v3, v0;
	_ =	sdelay $0x1  }
0x8b: {  	v4 =	vadd.s32 v1, v4;
	_ =	sdelay $0x3  }
0x8c: {  	s20 =	simm.s32 $0xD400;
	v3 =	vperm.xlane v3, v2  }
0x8d: {  	[tilespmem:s20], [sflag:$0x3] =	stream.indirect_vreg.gather [hbm4b:s2+s3], $0x80, v4, vm0, $0xb8;
	[tilespmem:$0x1F400] =	vst v63  }
0x8e: {  	s21 =	simm.s32 $0xDC00;
	v3 =	vadd.s32 v1, v3  }
0x8f: {  	[tilespmem:s21], [sflag:$0x3] =	stream.indirect_vreg.gather [hbm4b:s5+s3], $0x80, v4, vm0, $0xb8;
	[tilespmem:$0x1F400] =	vst v63  }
0x90: {  	s20 =	simm.s32 $0xE400  }
0x91: {  	[tilespmem:s20], [sflag:$0x3] =	stream.indirect_vreg.gather [hbm4b:s6+s3], $0x80, v4, vm0, $0xb8;
	[tilespmem:$0x1F400] =	vst v63  }
0x92: {  	s21 =	simm.s32 $0xEC00  }
0x93: {  	[tilespmem:s21], [sflag:$0x3] =	stream.indirect_vreg.gather [hbm4b:s2+s3], $0x80, v3, vm0, $0xb8;
	[tilespmem:$0x1F400] =	vst v63  }
0x94: {  	s20 =	simm.s32 $0xF400  }
0x95: {  	[tilespmem:s20], [sflag:$0x3] =	stream.indirect_vreg.gather [hbm4b:s5+s3], $0x80, v3, vm0, $0xb8;
	[tilespmem:$0x1F400] =	vst v63  }
0x96: {  	s21 =	simm.s32 $0xFC00  }
0x97: {  	[tilespmem:s21], [sflag:$0x3] =	stream.indirect_vreg.gather [hbm4b:s6+s3], $0x80, v3, vm0, $0xb8;
	[tilespmem:$0x1F400] =	vst v63  }
0x98: {  	v3 =	vld [tilespmem:$0x110];
	_ =	sdelay $0x4  }
0x99: {  	v61 =	vshrl.u32 v3, $0x3  }
0x9a: {  	v4 =	vmul.u32 $0x30, v61  }
0x9b: {  	v3 =	vand.u32 $0x7, v3  }
0x9c: {  	v3 =	vor.u32 v3, v4  }
0x9d: {  	v4 =	vperm.xlane v3, v0;
	_ =	sdelay $0x1  }
0x9e: {  	v4 =	vadd.s32 v1, v4;
	_ =	sdelay $0x3  }
0x9f: {  	s20 =	simm.s32 $0x10400;
	v3 =	vperm.xlane v3, v2  }
0xa0: {  	[tilespmem:s20], [sflag:$0x3] =	stream.indirect_vreg.gather [hbm4b:s2+s3], $0x80, v4, vm0, $0xb8;
	[tilespmem:$0x1F400] =	vst v63  }
0xa1: {  	s21 =	simm.s32 $0x10C00;
	v3 =	vadd.s32 v1, v3  }
0xa2: {  	[tilespmem:s21], [sflag:$0x3] =	stream.indirect_vreg.gather [hbm4b:s5+s3], $0x80, v4, vm0, $0xb8;
	[tilespmem:$0x1F400] =	vst v63  }
0xa3: {  	s20 =	simm.s32 $0x11400  }
0xa4: {  	[tilespmem:s20], [sflag:$0x3] =	stream.indirect_vreg.gather [hbm4b:s6+s3], $0x80, v4, vm0, $0xb8;
	[tilespmem:$0x1F400] =	vst v63  }
0xa5: {  	s21 =	simm.s32 $0x11C00  }
0xa6: {  	[tilespmem:s21], [sflag:$0x3] =	stream.indirect_vreg.gather [hbm4b:s2+s3], $0x80, v3, vm0, $0xb8;
	[tilespmem:$0x1F400] =	vst v63  }
0xa7: {  	s20 =	simm.s32 $0x12400  }
0xa8: {  	[tilespmem:s20], [sflag:$0x3] =	stream.indirect_vreg.gather [hbm4b:s5+s3], $0x80, v3, vm0, $0xb8;
	[tilespmem:$0x1F400] =	vst v63  }
0xa9: {  	s21 =	simm.s32 $0x12C00  }
0xaa: {  	[tilespmem:s21], [sflag:$0x3] =	stream.indirect_vreg.gather [hbm4b:s6+s3], $0x80, v3, vm0, $0xb8;
	[tilespmem:$0x1F400] =	vst v63  }
0xab: {  	v3 =	vld [tilespmem:$0x180];
	_ =	sdelay $0x4  }
0xac: {  	v62 =	vshrl.u32 v3, $0x3  }
0xad: {  	v4 =	vmul.u32 $0x30, v62  }
0xae: {  	v3 =	vand.u32 $0x7, v3  }
0xaf: {  	v3 =	vor.u32 v3, v4  }
0xb0: {  	v4 =	vperm.xlane v3, v0;
	_ =	sdelay $0x1  }
0xb1: {  	v4 =	vadd.s32 v1, v4;
	_ =	sdelay $0x3  }
0xb2: {  	s20 =	simm.s32 $0x13400;
	v3 =	vperm.xlane v3, v2  }
0xb3: {  	[tilespmem:s20], [sflag:$0x4] =	stream.indirect_vreg.gather [hbm4b:s2+s3], $0x80, v4, vm0, $0xb8;
	[tilespmem:$0x1F400] =	vst v63  }
0xb4: {  	s21 =	simm.s32 $0x13C00;
	v3 =	vadd.s32 v1, v3  }
0xb5: {  	[tilespmem:s21], [sflag:$0x4] =	stream.indirect_vreg.gather [hbm4b:s5+s3], $0x80, v4, vm0, $0xb8;
	[tilespmem:$0x1F400] =	vst v63  }
0xb6: {  	s20 =	simm.s32 $0x14400  }
0xb7: {  	[tilespmem:s20], [sflag:$0x4] =	stream.indirect_vreg.gather [hbm4b:s6+s3], $0x80, v4, vm0, $0xb8;
	[tilespmem:$0x1F400] =	vst v63  }
0xb8: {  	s21 =	simm.s32 $0x14C00  }
0xb9: {  	[tilespmem:s21], [sflag:$0x4] =	stream.indirect_vreg.gather [hbm4b:s2+s3], $0x80, v3, vm0, $0xb8;
	[tilespmem:$0x1F400] =	vst v63  }
0xba: {  	s20 =	simm.s32 $0x15400  }
0xbb: {  	[tilespmem:s20], [sflag:$0x4] =	stream.indirect_vreg.gather [hbm4b:s5+s3], $0x80, v3, vm0, $0xb8;
	[tilespmem:$0x1F400] =	vst v63  }
0xbc: {  	s21 =	simm.s32 $0x15C00  }
0xbd: {  	[tilespmem:s21], [sflag:$0x4] =	stream.indirect_vreg.gather [hbm4b:s6+s3], $0x80, v3, vm0, $0xb8;
	[tilespmem:$0x1F400] =	vst v63  }
0xbe: {  	v3 =	vld [tilespmem:$0x190];
	_ =	sdelay $0x4  }
0xbf: {  	v63 =	vshrl.u32 v3, $0x3  }
0xc0: {  	v4 =	vmul.u32 $0x30, v63  }
0xc1: {  	v3 =	vand.u32 $0x7, v3  }
0xc2: {  	v3 =	vor.u32 v3, v4  }
0xc3: {  	v4 =	vperm.xlane v3, v0;
	_ =	sdelay $0x1  }
0xc4: {  	v4 =	vadd.s32 v1, v4;
	_ =	sdelay $0x3  }
0xc5: {  	s20 =	simm.s32 $0x16400;
	v3 =	vperm.xlane v3, v2  }
0xc6: {  	[tilespmem:s20], [sflag:$0x4] =	stream.indirect_vreg.gather [hbm4b:s2+s3], $0x80, v4, vm0, $0xb8;
	[tilespmem:$0x1F400] =	vst v63  }
0xc7: {  	s21 =	simm.s32 $0x16C00;
	v3 =	vadd.s32 v1, v3  }
0xc8: {  	[tilespmem:s21], [sflag:$0x4] =	stream.indirect_vreg.gather [hbm4b:s5+s3], $0x80, v4, vm0, $0xb8;
	[tilespmem:$0x1F400] =	vst v63  }
0xc9: {  	s20 =	simm.s32 $0x17400  }
0xca: {  	[tilespmem:s20], [sflag:$0x4] =	stream.indirect_vreg.gather [hbm4b:s6+s3], $0x80, v4, vm0, $0xb8;
	[tilespmem:$0x1F400] =	vst v63  }
0xcb: {  	s21 =	simm.s32 $0x17C00  }
0xcc: {  	[tilespmem:s21], [sflag:$0x4] =	stream.indirect_vreg.gather [hbm4b:s2+s3], $0x80, v3, vm0, $0xb8;
	[tilespmem:$0x1F400] =	vst v63  }
0xcd: {  	s20 =	simm.s32 $0x18400  }
0xce: {  	[tilespmem:s20], [sflag:$0x4] =	stream.indirect_vreg.gather [hbm4b:s5+s3], $0x80, v3, vm0, $0xb8;
	[tilespmem:$0x1F400] =	vst v63  }
0xcf: {  	s21 =	simm.s32 $0x18C00  }
0xd0: {  	[tilespmem:s21], [sflag:$0x4] =	stream.indirect_vreg.gather [hbm4b:s6+s3], $0x80, v3, vm0, $0xb8;
	[tilespmem:$0x1F400] =	vst v63  }
0xd1: {  	_ =	swait.ge [sflag:s12], $0x6000  }
0xd2: {  	s20 =	sld [smem:$0x7FD]  }
0xd3: {  	[sflag:s12] =	ssyncset.done $0x0  }
0xd4: {  	s0 =	simm.s32 $0x1400;
	[sflag:s12] =	ssyncadd.s32 $0xFFFFA000  }
0xd5: {  	[hbm4b:s20+s3] =	stream.linear.scatter [tilespmem:s0], [sflag:$0x6], $0x6000, $0x38;
	[tilespmem:$0x1F400] =	vst v63  }
0xd6: {  	v3 =	vld [tilespmem:$0x200];
	_ =	sdelay $0x4  }
0xd7: {  	v8 =	vshrl.u32 v3, $0x3  }
0xd8: {  	v4 =	vmul.u32 $0x30, v8  }
0xd9: {  	v3 =	vand.u32 $0x7, v3  }
0xda: {  	v3 =	vor.u32 v3, v4  }
0xdb: {  	v4 =	vperm.xlane v3, v0;
	_ =	sdelay $0x1  }
0xdc: {  	v4 =	vadd.s32 v1, v4;
	_ =	sdelay $0x3  }
0xdd: {  	s20 =	simm.s32 $0x19400;
	v3 =	vperm.xlane v3, v2  }
0xde: {  	[tilespmem:s20], [sflag:$0x5] =	stream.indirect_vreg.gather [hbm4b:s2+s3], $0x80, v4, vm0, $0xb8;
	[tilespmem:$0x1F400] =	vst v63  }
0xdf: {  	s21 =	simm.s32 $0x19C00;
	v3 =	vadd.s32 v1, v3  }
0xe0: {  	[tilespmem:s21], [sflag:$0x5] =	stream.indirect_vreg.gather [hbm4b:s5+s3], $0x80, v4, vm0, $0xb8;
	[tilespmem:$0x1F400] =	vst v63  }
0xe1: {  	s20 =	simm.s32 $0x1A400  }
0xe2: {  	[tilespmem:s20], [sflag:$0x5] =	stream.indirect_vreg.gather [hbm4b:s6+s3], $0x80, v4, vm0, $0xb8;
	[tilespmem:$0x1F400] =	vst v63  }
0xe3: {  	s21 =	simm.s32 $0x1AC00  }
0xe4: {  	[tilespmem:s21], [sflag:$0x5] =	stream.indirect_vreg.gather [hbm4b:s2+s3], $0x80, v3, vm0, $0xb8;
	[tilespmem:$0x1F400] =	vst v63  }
0xe5: {  	s20 =	simm.s32 $0x1B400  }
0xe6: {  	[tilespmem:s20], [sflag:$0x5] =	stream.indirect_vreg.gather [hbm4b:s5+s3], $0x80, v3, vm0, $0xb8;
	[tilespmem:$0x1F400] =	vst v63  }
0xe7: {  	s21 =	simm.s32 $0x1BC00  }
0xe8: {  	[tilespmem:s21], [sflag:$0x5] =	stream.indirect_vreg.gather [hbm4b:s6+s3], $0x80, v3, vm0, $0xb8;
	[tilespmem:$0x1F400] =	vst v63  }
0xe9: {  	v3 =	vld [tilespmem:$0x210];
	_ =	sdelay $0x4  }
0xea: {  	v9 =	vshrl.u32 v3, $0x3  }
0xeb: {  	v4 =	vmul.u32 $0x30, v9  }
0xec: {  	v3 =	vand.u32 $0x7, v3  }
0xed: {  	v3 =	vor.u32 v3, v4  }
0xee: {  	v4 =	vperm.xlane v3, v0;
	_ =	sdelay $0x1  }
0xef: {  	v4 =	vadd.s32 v1, v4;
	_ =	sdelay $0x3  }
0xf0: {  	s20 =	simm.s32 $0x1C400;
	v3 =	vperm.xlane v3, v2  }
0xf1: {  	[tilespmem:s20], [sflag:$0x5] =	stream.indirect_vreg.gather [hbm4b:s2+s3], $0x80, v4, vm0, $0xb8;
	[tilespmem:$0x1F400] =	vst v63  }
0xf2: {  	s21 =	simm.s32 $0x1CC00;
	v3 =	vadd.s32 v1, v3  }
0xf3: {  	[tilespmem:s21], [sflag:$0x5] =	stream.indirect_vreg.gather [hbm4b:s5+s3], $0x80, v4, vm0, $0xb8;
	[tilespmem:$0x1F400] =	vst v63  }
0xf4: {  	s20 =	simm.s32 $0x1D400  }
0xf5: {  	[tilespmem:s20], [sflag:$0x5] =	stream.indirect_vreg.gather [hbm4b:s6+s3], $0x80, v4, vm0, $0xb8;
	[tilespmem:$0x1F400] =	vst v63  }
0xf6: {  	s21 =	simm.s32 $0x1DC00  }
0xf7: {  	[tilespmem:s21], [sflag:$0x5] =	stream.indirect_vreg.gather [hbm4b:s2+s3], $0x80, v3, vm0, $0xb8;
	[tilespmem:$0x1F400] =	vst v63  }
0xf8: {  	s20 =	simm.s32 $0x1E400  }
0xf9: {  	[tilespmem:s20], [sflag:$0x5] =	stream.indirect_vreg.gather [hbm4b:s5+s3], $0x80, v3, vm0, $0xb8;
	[tilespmem:$0x1F400] =	vst v63  }
0xfa: {  	s21 =	simm.s32 $0x1EC00  }
0xfb: {  	[tilespmem:s21], [sflag:$0x5] =	stream.indirect_vreg.gather [hbm4b:s6+s3], $0x80, v3, vm0, $0xb8;
	[tilespmem:$0x1F400] =	vst v63  }
0xfc: {  	_ =	swait.ge [sflag:s10], $0x6000  }
0xfd: {  	[sflag:s10] =	ssyncset.done $0x0  }
0xfe: {  	s21 =	simm.s32 $0x7400;
	s1 =	rddreg [dreg:$0xf];
	[sflag:s10] =	ssyncadd.s32 $0xFFFFA000  }
0xff: {  	[hbm4b:s1+s3] =	stream.linear.scatter [tilespmem:s21], [sflag:$0x7], $0x6000, $0x38;
	[tilespmem:$0x1F400] =	vst v63  }
0x100: {  	_ =	swait.ge [sflag:s11], $0x6000  }
0x101: {  	[sflag:s11] =	ssyncset.done $0x0  }
0x102: {  	[sflag:s11] =	ssyncadd.s32 $0xFFFFA000  }
0x103: {  	v3 =	vld [tilespmem:$0x280];
	_ =	sdelay $0x4  }
0x104: {  	v10 =	vshrl.u32 v3, $0x3  }
0x105: {  	v4 =	vmul.u32 $0x30, v10  }
0x106: {  	v3 =	vand.u32 $0x7, v3  }
0x107: {  	v3 =	vor.u32 v3, v4  }
0x108: {  	v4 =	vperm.xlane v3, v0;
	_ =	sdelay $0x1  }
0x109: {  	v4 =	vadd.s32 v1, v4;
	_ =	sdelay $0x3  }
0x10a: {  	v3 =	vperm.xlane v3, v2  }
0x10b: {  	[tilespmem:s0], [sflag:$0x1] =	stream.indirect_vreg.gather [hbm4b:s2+s3], $0x80, v4, vm0, $0xb8;
	[tilespmem:$0x1F400] =	vst v63  }
0x10c: {  	s8 =	simm.s32 $0x1C00;
	v3 =	vadd.s32 v1, v3  }
0x10d: {  	[tilespmem:s8], [sflag:$0x1] =	stream.indirect_vreg.gather [hbm4b:s5+s3], $0x80, v4, vm0, $0xb8;
	[tilespmem:$0x1F400] =	vst v63  }
0x10e: {  	s15 =	simm.s32 $0x2400  }
0x10f: {  	[tilespmem:s15], [sflag:$0x1] =	stream.indirect_vreg.gather [hbm4b:s6+s3], $0x80, v4, vm0, $0xb8;
	[tilespmem:$0x1F400] =	vst v63  }
0x110: {  	s16 =	simm.s32 $0x2C00  }
0x111: {  	[tilespmem:s16], [sflag:$0x1] =	stream.indirect_vreg.gather [hbm4b:s2+s3], $0x80, v3, vm0, $0xb8;
	[tilespmem:$0x1F400] =	vst v63  }
0x112: {  	s9 =	simm.s32 $0x3400  }
0x113: {  	[tilespmem:s9], [sflag:$0x1] =	stream.indirect_vreg.gather [hbm4b:s5+s3], $0x80, v3, vm0, $0xb8;
	[tilespmem:$0x1F400] =	vst v63  }
0x114: {  	s31 =	simm.s32 $0x3C00  }
0x115: {  	[tilespmem:s31], [sflag:$0x1] =	stream.indirect_vreg.gather [hbm4b:s6+s3], $0x80, v3, vm0, $0xb8;
	[tilespmem:$0x1F400] =	vst v63  }
0x116: {  	v3 =	vld [tilespmem:$0x290];
	_ =	sdelay $0x4  }
0x117: {  	v11 =	vshrl.u32 v3, $0x3  }
0x118: {  	v4 =	vmul.u32 $0x30, v11  }
0x119: {  	v3 =	vand.u32 $0x7, v3  }
0x11a: {  	v3 =	vor.u32 v3, v4  }
0x11b: {  	v4 =	vperm.xlane v3, v0;
	_ =	sdelay $0x1  }
0x11c: {  	v4 =	vadd.s32 v1, v4;
	_ =	sdelay $0x3  }
0x11d: {  	s7 =	simm.s32 $0x4400;
	v3 =	vperm.xlane v3, v2  }
0x11e: {  	[tilespmem:s7], [sflag:$0x1] =	stream.indirect_vreg.gather [hbm4b:s2+s3], $0x80, v4, vm0, $0xb8;
	[tilespmem:$0x1F400] =	vst v63  }
0x11f: {  	s17 =	simm.s32 $0x4C00;
	v3 =	vadd.s32 v1, v3  }
0x120: {  	[tilespmem:s17], [sflag:$0x1] =	stream.indirect_vreg.gather [hbm4b:s5+s3], $0x80, v4, vm0, $0xb8;
	[tilespmem:$0x1F400] =	vst v63  }
0x121: {  	s13 =	simm.s32 $0x5400  }
0x122: {  	[tilespmem:s13], [sflag:$0x1] =	stream.indirect_vreg.gather [hbm4b:s6+s3], $0x80, v4, vm0, $0xb8;
	[tilespmem:$0x1F400] =	vst v63  }
0x123: {  	s14 =	simm.s32 $0x5C00  }
0x124: {  	[tilespmem:s14], [sflag:$0x1] =	stream.indirect_vreg.gather [hbm4b:s2+s3], $0x80, v3, vm0, $0xb8;
	[tilespmem:$0x1F400] =	vst v63  }
0x125: {  	s30 =	simm.s32 $0x6400  }
0x126: {  	[tilespmem:s30], [sflag:$0x1] =	stream.indirect_vreg.gather [hbm4b:s5+s3], $0x80, v3, vm0, $0xb8;
	[tilespmem:$0x1F400] =	vst v63  }
0x127: {  	s4 =	simm.s32 $0x6C00;
	s14 =	simm.s32 $0x3  }
0x128: {  	[tilespmem:s4], [sflag:$0x1] =	stream.indirect_vreg.gather [hbm4b:s6+s3], $0x80, v3, vm0, $0xb8;
	[tilespmem:$0x1F400] =	vst v63  }
0x129: {  	_ =	swait.ge [sflag:s14], $0x6000  }
0x12a: {  	s7 =	simm.s32 $0x7;
	[sflag:s14] =	ssyncset.done $0x0  }
0x12b: {  	s13 =	simm.s32 $0xD400;
	s9 =	rddreg [dreg:$0x10];
	[sflag:s14] =	ssyncadd.s32 $0xFFFFA000  }
0x12c: {  	[hbm4b:s9+s3] =	stream.linear.scatter [tilespmem:s13], [sflag:$0x8], $0x6000, $0x38;
	[tilespmem:$0x1F400] =	vst v63  }
0x12d: {  	_ =	swait.ge [sflag:s7], $0x6000  }
0x12e: {  	[sflag:s7] =	ssyncset.done $0x0  }
0x12f: {  	[sflag:s7] =	ssyncadd.s32 $0xFFFFA000  }
0x130: {  	v3 =	vld [tilespmem:$0x300];
	_ =	sdelay $0x4  }
0x131: {  	v12 =	vshrl.u32 v3, $0x3  }
0x132: {  	v4 =	vmul.u32 $0x30, v12  }
0x133: {  	v3 =	vand.u32 $0x7, v3  }
0x134: {  	v3 =	vor.u32 v3, v4  }
0x135: {  	v4 =	vperm.xlane v3, v0;
	_ =	sdelay $0x1  }
0x136: {  	v4 =	vadd.s32 v1, v4;
	_ =	sdelay $0x3  }
0x137: {  	v3 =	vperm.xlane v3, v2  }
0x138: {  	[tilespmem:s21], [sflag:$0x2] =	stream.indirect_vreg.gather [hbm4b:s2+s3], $0x80, v4, vm0, $0xb8;
	[tilespmem:$0x1F400] =	vst v63  }
0x139: {  	s29 =	simm.s32 $0x7C00;
	v3 =	vadd.s32 v1, v3  }
0x13a: {  	[tilespmem:s29], [sflag:$0x2] =	stream.indirect_vreg.gather [hbm4b:s5+s3], $0x80, v4, vm0, $0xb8;
	[tilespmem:$0x1F400] =	vst v63  }
0x13b: {  	s20 =	simm.s32 $0x8400  }
0x13c: {  	[tilespmem:s20], [sflag:$0x2] =	stream.indirect_vreg.gather [hbm4b:s6+s3], $0x80, v4, vm0, $0xb8;
	[tilespmem:$0x1F400] =	vst v63  }
0x13d: {  	s23 =	simm.s32 $0x8C00  }
0x13e: {  	[tilespmem:s23], [sflag:$0x2] =	stream.indirect_vreg.gather [hbm4b:s2+s3], $0x80, v3, vm0, $0xb8;
	[tilespmem:$0x1F400] =	vst v63  }
0x13f: {  	s24 =	simm.s32 $0x9400  }
0x140: {  	[tilespmem:s24], [sflag:$0x2] =	stream.indirect_vreg.gather [hbm4b:s5+s3], $0x80, v3, vm0, $0xb8;
	[tilespmem:$0x1F400] =	vst v63  }
0x141: {  	s22 =	simm.s32 $0x9C00  }
0x142: {  	[tilespmem:s22], [sflag:$0x2] =	stream.indirect_vreg.gather [hbm4b:s6+s3], $0x80, v3, vm0, $0xb8;
	[tilespmem:$0x1F400] =	vst v63  }
0x143: {  	v3 =	vld [tilespmem:$0x310];
	_ =	sdelay $0x4  }
0x144: {  	v13 =	vshrl.u32 v3, $0x3  }
0x145: {  	v4 =	vmul.u32 $0x30, v13  }
0x146: {  	v3 =	vand.u32 $0x7, v3  }
0x147: {  	v3 =	vor.u32 v3, v4  }
0x148: {  	v4 =	vperm.xlane v3, v0;
	_ =	sdelay $0x1  }
0x149: {  	v4 =	vadd.s32 v1, v4;
	_ =	sdelay $0x3  }
0x14a: {  	s18 =	simm.s32 $0xA400;
	v3 =	vperm.xlane v3, v2  }
0x14b: {  	[tilespmem:s18], [sflag:$0x2] =	stream.indirect_vreg.gather [hbm4b:s2+s3], $0x80, v4, vm0, $0xb8;
	[tilespmem:$0x1F400] =	vst v63  }
0x14c: {  	s25 =	simm.s32 $0xAC00;
	v3 =	vadd.s32 v1, v3  }
0x14d: {  	[tilespmem:s25], [sflag:$0x2] =	stream.indirect_vreg.gather [hbm4b:s5+s3], $0x80, v4, vm0, $0xb8;
	[tilespmem:$0x1F400] =	vst v63  }
0x14e: {  	s26 =	simm.s32 $0xB400  }
0x14f: {  	[tilespmem:s26], [sflag:$0x2] =	stream.indirect_vreg.gather [hbm4b:s6+s3], $0x80, v4, vm0, $0xb8;
	[tilespmem:$0x1F400] =	vst v63  }
0x150: {  	s4 =	simm.s32 $0xBC00  }
0x151: {  	[tilespmem:s4], [sflag:$0x2] =	stream.indirect_vreg.gather [hbm4b:s2+s3], $0x80, v3, vm0, $0xb8;
	[tilespmem:$0x1F400] =	vst v63  }
0x152: {  	s28 =	simm.s32 $0xC400  }
0x153: {  	[tilespmem:s28], [sflag:$0x2] =	stream.indirect_vreg.gather [hbm4b:s5+s3], $0x80, v3, vm0, $0xb8;
	[tilespmem:$0x1F400] =	vst v63  }
0x154: {  	s19 =	simm.s32 $0xCC00;
	s16 =	simm.s32 $0x4  }
0x155: {  	[tilespmem:s19], [sflag:$0x2] =	stream.indirect_vreg.gather [hbm4b:s6+s3], $0x80, v3, vm0, $0xb8;
	[tilespmem:$0x1F400] =	vst v63  }
0x156: {  	_ =	swait.ge [sflag:s16], $0x6000  }
0x157: {  	s17 =	simm.s32 $0x8;
	[sflag:s16] =	ssyncset.done $0x0  }
0x158: {  	s4 =	simm.s32 $0x13400;
	s8 =	rddreg [dreg:$0x11];
	[sflag:s16] =	ssyncadd.s32 $0xFFFFA000  }
0x159: {  	[hbm4b:s8+s3] =	stream.linear.scatter [tilespmem:s4], [sflag:$0x9], $0x6000, $0x38;
	[tilespmem:$0x1F400] =	vst v63  }
0x15a: {  	_ =	swait.ge [sflag:s17], $0x6000  }
0x15b: {  	[sflag:s17] =	ssyncset.done $0x0  }
0x15c: {  	[sflag:s17] =	ssyncadd.s32 $0xFFFFA000  }
0x15d: {  	v3 =	vld [tilespmem:$0x380];
	_ =	sdelay $0x4  }
0x15e: {  	v14 =	vshrl.u32 v3, $0x3  }
0x15f: {  	v4 =	vmul.u32 $0x30, v14  }
0x160: {  	v3 =	vand.u32 $0x7, v3  }
0x161: {  	v3 =	vor.u32 v3, v4  }
0x162: {  	v4 =	vperm.xlane v3, v0;
	_ =	sdelay $0x1  }
0x163: {  	v4 =	vadd.s32 v1, v4;
	_ =	sdelay $0x3  }
0x164: {  	v3 =	vperm.xlane v3, v2  }
0x165: {  	[tilespmem:s13], [sflag:$0x3] =	stream.indirect_vreg.gather [hbm4b:s2+s3], $0x80, v4, vm0, $0xb8;
	[tilespmem:$0x1F400] =	vst v63  }
0x166: {  	v3 =	vadd.s32 v1, v3;
	s13 =	simm.s32 $0xDC00  }
0x167: {  	[tilespmem:s13], [sflag:$0x3] =	stream.indirect_vreg.gather [hbm4b:s5+s3], $0x80, v4, vm0, $0xb8;
	[tilespmem:$0x1F400] =	vst v63  }
0x168: {  	s18 =	simm.s32 $0xE400  }
0x169: {  	[tilespmem:s18], [sflag:$0x3] =	stream.indirect_vreg.gather [hbm4b:s6+s3], $0x80, v4, vm0, $0xb8;
	[tilespmem:$0x1F400] =	vst v63  }
0x16a: {  	s20 =	simm.s32 $0xEC00  }
0x16b: {  	[tilespmem:s20], [sflag:$0x3] =	stream.indirect_vreg.gather [hbm4b:s2+s3], $0x80, v3, vm0, $0xb8;
	[tilespmem:$0x1F400] =	vst v63  }
0x16c: {  	s8 =	simm.s32 $0xF400  }
0x16d: {  	[tilespmem:s8], [sflag:$0x3] =	stream.indirect_vreg.gather [hbm4b:s5+s3], $0x80, v3, vm0, $0xb8;
	[tilespmem:$0x1F400] =	vst v63  }
0x16e: {  	s9 =	simm.s32 $0xFC00  }
0x16f: {  	[tilespmem:s9], [sflag:$0x3] =	stream.indirect_vreg.gather [hbm4b:s6+s3], $0x80, v3, vm0, $0xb8;
	[tilespmem:$0x1F400] =	vst v63  }
0x170: {  	v3 =	vld [tilespmem:$0x390];
	_ =	sdelay $0x4  }
0x171: {  	v15 =	vshrl.u32 v3, $0x3  }
0x172: {  	v4 =	vmul.u32 $0x30, v15  }
0x173: {  	v3 =	vand.u32 $0x7, v3  }
0x174: {  	v3 =	vor.u32 v3, v4  }
0x175: {  	v4 =	vperm.xlane v3, v0;
	_ =	sdelay $0x1  }
0x176: {  	v4 =	vadd.s32 v1, v4;
	_ =	sdelay $0x3  }
0x177: {  	s13 =	simm.s32 $0x10400;
	v3 =	vperm.xlane v3, v2  }
0x178: {  	[tilespmem:s13], [sflag:$0x3] =	stream.indirect_vreg.gather [hbm4b:s2+s3], $0x80, v4, vm0, $0xb8;
	[tilespmem:$0x1F400] =	vst v63  }
0x179: {  	s18 =	simm.s32 $0x10C00;
	v3 =	vadd.s32 v1, v3  }
0x17a: {  	[tilespmem:s18], [sflag:$0x3] =	stream.indirect_vreg.gather [hbm4b:s5+s3], $0x80, v4, vm0, $0xb8;
	[tilespmem:$0x1F400] =	vst v63  }
0x17b: {  	s20 =	simm.s32 $0x11400  }
0x17c: {  	[tilespmem:s20], [sflag:$0x3] =	stream.indirect_vreg.gather [hbm4b:s6+s3], $0x80, v4, vm0, $0xb8;
	[tilespmem:$0x1F400] =	vst v63  }
0x17d: {  	s8 =	simm.s32 $0x11C00  }
0x17e: {  	[tilespmem:s8], [sflag:$0x3] =	stream.indirect_vreg.gather [hbm4b:s2+s3], $0x80, v3, vm0, $0xb8;
	[tilespmem:$0x1F400] =	vst v63  }
0x17f: {  	s9 =	simm.s32 $0x12400  }
0x180: {  	[tilespmem:s9], [sflag:$0x3] =	stream.indirect_vreg.gather [hbm4b:s5+s3], $0x80, v3, vm0, $0xb8;
	[tilespmem:$0x1F400] =	vst v63  }
0x181: {  	s13 =	simm.s32 $0x12C00;
	s9 =	simm.s32 $0x5  }
0x182: {  	[tilespmem:s13], [sflag:$0x3] =	stream.indirect_vreg.gather [hbm4b:s6+s3], $0x80, v3, vm0, $0xb8;
	[tilespmem:$0x1F400] =	vst v63  }
0x183: {  	_ =	swait.ge [sflag:s9], $0x6000  }
0x184: {  	s1 =	simm.s32 $0x19400;
	[sflag:s9] =	ssyncset.done $0x0  }
0x185: {  	s13 =	simm.s32 $0x9;
	s18 =	rddreg [dreg:$0x12];
	[sflag:s9] =	ssyncadd.s32 $0xFFFFA000  }
0x186: {  	[hbm4b:s18+s3] =	stream.linear.scatter [tilespmem:s1], [sflag:$0xA], $0x6000, $0x38;
	[tilespmem:$0x1F400] =	vst v63  }
0x187: {  	_ =	swait.ge [sflag:s13], $0x6000  }
0x188: {  	[sflag:s13] =	ssyncset.done $0x0  }
0x189: {  	[sflag:s13] =	ssyncadd.s32 $0xFFFFA000  }
0x18a: {  	v3 =	vld [tilespmem:$0x400];
	_ =	sdelay $0x4  }
0x18b: {  	v16 =	vshrl.u32 v3, $0x3  }
0x18c: {  	v4 =	vmul.u32 $0x30, v16  }
0x18d: {  	v3 =	vand.u32 $0x7, v3  }
0x18e: {  	v3 =	vor.u32 v3, v4  }
0x18f: {  	v4 =	vperm.xlane v3, v0;
	_ =	sdelay $0x1  }
0x190: {  	v4 =	vadd.s32 v1, v4;
	_ =	sdelay $0x3  }
0x191: {  	v3 =	vperm.xlane v3, v2  }
0x192: {  	[tilespmem:s4], [sflag:$0x4] =	stream.indirect_vreg.gather [hbm4b:s2+s3], $0x80, v4, vm0, $0xb8;
	[tilespmem:$0x1F400] =	vst v63  }
0x193: {  	s20 =	simm.s32 $0x13C00;
	v3 =	vadd.s32 v1, v3  }
0x194: {  	[tilespmem:s20], [sflag:$0x4] =	stream.indirect_vreg.gather [hbm4b:s5+s3], $0x80, v4, vm0, $0xb8;
	[tilespmem:$0x1F400] =	vst v63  }
0x195: {  	s18 =	simm.s32 $0x14400  }
0x196: {  	[tilespmem:s18], [sflag:$0x4] =	stream.indirect_vreg.gather [hbm4b:s6+s3], $0x80, v4, vm0, $0xb8;
	[tilespmem:$0x1F400] =	vst v63  }
0x197: {  	s20 =	simm.s32 $0x14C00  }
0x198: {  	[tilespmem:s20], [sflag:$0x4] =	stream.indirect_vreg.gather [hbm4b:s2+s3], $0x80, v3, vm0, $0xb8;
	[tilespmem:$0x1F400] =	vst v63  }
0x199: {  	s18 =	simm.s32 $0x15400  }
0x19a: {  	[tilespmem:s18], [sflag:$0x4] =	stream.indirect_vreg.gather [hbm4b:s5+s3], $0x80, v3, vm0, $0xb8;
	[tilespmem:$0x1F400] =	vst v63  }
0x19b: {  	s20 =	simm.s32 $0x15C00  }
0x19c: {  	[tilespmem:s20], [sflag:$0x4] =	stream.indirect_vreg.gather [hbm4b:s6+s3], $0x80, v3, vm0, $0xb8;
	[tilespmem:$0x1F400] =	vst v63  }
0x19d: {  	v3 =	vld [tilespmem:$0x410];
	_ =	sdelay $0x4  }
0x19e: {  	v17 =	vshrl.u32 v3, $0x3  }
0x19f: {  	v4 =	vmul.u32 $0x30, v17  }
0x1a0: {  	v3 =	vand.u32 $0x7, v3  }
0x1a1: {  	v3 =	vor.u32 v3, v4  }
0x1a2: {  	v4 =	vperm.xlane v3, v0;
	_ =	sdelay $0x1  }
0x1a3: {  	v4 =	vadd.s32 v1, v4;
	_ =	sdelay $0x3  }
0x1a4: {  	s18 =	simm.s32 $0x16400;
	v3 =	vperm.xlane v3, v2  }
0x1a5: {  	[tilespmem:s18], [sflag:$0x4] =	stream.indirect_vreg.gather [hbm4b:s2+s3], $0x80, v4, vm0, $0xb8;
	[tilespmem:$0x1F400] =	vst v63  }
0x1a6: {  	s20 =	simm.s32 $0x16C00;
	v3 =	vadd.s32 v1, v3  }
0x1a7: {  	[tilespmem:s20], [sflag:$0x4] =	stream.indirect_vreg.gather [hbm4b:s5+s3], $0x80, v4, vm0, $0xb8;
	[tilespmem:$0x1F400] =	vst v63  }
0x1a8: {  	s18 =	simm.s32 $0x17400  }
0x1a9: {  	[tilespmem:s18], [sflag:$0x4] =	stream.indirect_vreg.gather [hbm4b:s6+s3], $0x80, v4, vm0, $0xb8;
	[tilespmem:$0x1F400] =	vst v63  }
0x1aa: {  	s20 =	simm.s32 $0x17C00  }
0x1ab: {  	[tilespmem:s20], [sflag:$0x4] =	stream.indirect_vreg.gather [hbm4b:s2+s3], $0x80, v3, vm0, $0xb8;
	[tilespmem:$0x1F400] =	vst v63  }
0x1ac: {  	s18 =	simm.s32 $0x18400  }
0x1ad: {  	[tilespmem:s18], [sflag:$0x4] =	stream.indirect_vreg.gather [hbm4b:s5+s3], $0x80, v3, vm0, $0xb8;
	[tilespmem:$0x1F400] =	vst v63  }
0x1ae: {  	s20 =	simm.s32 $0x18C00  }
0x1af: {  	[tilespmem:s20], [sflag:$0x4] =	stream.indirect_vreg.gather [hbm4b:s6+s3], $0x80, v3, vm0, $0xb8;
	[tilespmem:$0x1F400] =	vst v63  }
0x1b0: {  	_ =	swait.ge [sflag:s12], $0x6000  }
0x1b1: {  	[sflag:s12] =	ssyncset.done $0x0  }
0x1b2: {  	s8 =	simm.s32 $0xA;
	s18 =	rddreg [dreg:$0x13];
	[sflag:s12] =	ssyncadd.s32 $0xFFFFA000  }
0x1b3: {  	[hbm4b:s18+s3] =	stream.linear.scatter [tilespmem:s0], [sflag:$0x6], $0x6000, $0x38;
	[tilespmem:$0x1F400] =	vst v63  }
0x1b4: {  	_ =	swait.ge [sflag:s8], $0x6000  }
0x1b5: {  	[sflag:s8] =	ssyncset.done $0x0  }
0x1b6: {  	[sflag:s8] =	ssyncadd.s32 $0xFFFFA000  }
0x1b7: {  	v3 =	vld [tilespmem:$0x480];
	_ =	sdelay $0x4  }
0x1b8: {  	v18 =	vshrl.u32 v3, $0x3  }
0x1b9: {  	v4 =	vmul.u32 $0x30, v18  }
0x1ba: {  	v3 =	vand.u32 $0x7, v3  }
0x1bb: {  	v3 =	vor.u32 v3, v4  }
0x1bc: {  	v4 =	vperm.xlane v3, v0;
	_ =	sdelay $0x1  }
0x1bd: {  	v4 =	vadd.s32 v1, v4;
	_ =	sdelay $0x3  }
0x1be: {  	v3 =	vperm.xlane v3, v2  }
0x1bf: {  	[tilespmem:s1], [sflag:$0x5] =	stream.indirect_vreg.gather [hbm4b:s2+s3], $0x80, v4, vm0, $0xb8;
	[tilespmem:$0x1F400] =	vst v63  }
0x1c0: {  	s20 =	simm.s32 $0x19C00;
	v3 =	vadd.s32 v1, v3  }
0x1c1: {  	[tilespmem:s20], [sflag:$0x5] =	stream.indirect_vreg.gather [hbm4b:s5+s3], $0x80, v4, vm0, $0xb8;
	[tilespmem:$0x1F400] =	vst v63  }
0x1c2: {  	s20 =	simm.s32 $0x1A400  }
0x1c3: {  	[tilespmem:s20], [sflag:$0x5] =	stream.indirect_vreg.gather [hbm4b:s6+s3], $0x80, v4, vm0, $0xb8;
	[tilespmem:$0x1F400] =	vst v63  }
0x1c4: {  	s20 =	simm.s32 $0x1AC00  }
0x1c5: {  	[tilespmem:s20], [sflag:$0x5] =	stream.indirect_vreg.gather [hbm4b:s2+s3], $0x80, v3, vm0, $0xb8;
	[tilespmem:$0x1F400] =	vst v63  }
0x1c6: {  	s20 =	simm.s32 $0x1B400  }
0x1c7: {  	[tilespmem:s20], [sflag:$0x5] =	stream.indirect_vreg.gather [hbm4b:s5+s3], $0x80, v3, vm0, $0xb8;
	[tilespmem:$0x1F400] =	vst v63  }
0x1c8: {  	s20 =	simm.s32 $0x1BC00  }
0x1c9: {  	[tilespmem:s20], [sflag:$0x5] =	stream.indirect_vreg.gather [hbm4b:s6+s3], $0x80, v3, vm0, $0xb8;
	[tilespmem:$0x1F400] =	vst v63  }
0x1ca: {  	v3 =	vld [tilespmem:$0x490];
	_ =	sdelay $0x4  }
0x1cb: {  	v19 =	vshrl.u32 v3, $0x3  }
0x1cc: {  	v4 =	vmul.u32 $0x30, v19  }
0x1cd: {  	v3 =	vand.u32 $0x7, v3  }
0x1ce: {  	v3 =	vor.u32 v3, v4  }
0x1cf: {  	v4 =	vperm.xlane v3, v0;
	_ =	sdelay $0x1  }
0x1d0: {  	v4 =	vadd.s32 v1, v4;
	_ =	sdelay $0x3  }
0x1d1: {  	s20 =	simm.s32 $0x1C400;
	v3 =	vperm.xlane v3, v2  }
0x1d2: {  	[tilespmem:s20], [sflag:$0x5] =	stream.indirect_vreg.gather [hbm4b:s2+s3], $0x80, v4, vm0, $0xb8;
	[tilespmem:$0x1F400] =	vst v63  }
0x1d3: {  	v3 =	vadd.s32 v1, v3;
	s20 =	simm.s32 $0x1CC00  }
0x1d4: {  	[tilespmem:s20], [sflag:$0x5] =	stream.indirect_vreg.gather [hbm4b:s5+s3], $0x80, v4, vm0, $0xb8;
	[tilespmem:$0x1F400] =	vst v63  }
0x1d5: {  	s20 =	simm.s32 $0x1D400  }
0x1d6: {  	[tilespmem:s20], [sflag:$0x5] =	stream.indirect_vreg.gather [hbm4b:s6+s3], $0x80, v4, vm0, $0xb8;
	[tilespmem:$0x1F400] =	vst v63  }
0x1d7: {  	s20 =	simm.s32 $0x1DC00  }
0x1d8: {  	[tilespmem:s20], [sflag:$0x5] =	stream.indirect_vreg.gather [hbm4b:s2+s3], $0x80, v3, vm0, $0xb8;
	[tilespmem:$0x1F400] =	vst v63  }
0x1d9: {  	s20 =	simm.s32 $0x1E400  }
0x1da: {  	[tilespmem:s20], [sflag:$0x5] =	stream.indirect_vreg.gather [hbm4b:s5+s3], $0x80, v3, vm0, $0xb8;
	[tilespmem:$0x1F400] =	vst v63  }
0x1db: {  	s20 =	simm.s32 $0x1EC00  }
0x1dc: {  	[tilespmem:s20], [sflag:$0x5] =	stream.indirect_vreg.gather [hbm4b:s6+s3], $0x80, v3, vm0, $0xb8;
	[tilespmem:$0x1F400] =	vst v63  }
0x1dd: {  	_ =	swait.ge [sflag:s10], $0x6000  }
0x1de: {  	[sflag:s10] =	ssyncset.done $0x0  }
0x1df: {  	s21 =	simm.s32 $0x7400;
	s18 =	rddreg [dreg:$0x14];
	[sflag:s10] =	ssyncadd.s32 $0xFFFFA000  }
0x1e0: {  	[hbm4b:s18+s3] =	stream.linear.scatter [tilespmem:s21], [sflag:$0x7], $0x6000, $0x38;
	[tilespmem:$0x1F400] =	vst v63  }
0x1e1: {  	_ =	swait.ge [sflag:s11], $0x6000  }
0x1e2: {  	[sflag:s11] =	ssyncset.done $0x0  }
0x1e3: {  	[sflag:s11] =	ssyncadd.s32 $0xFFFFA000  }
0x1e4: {  	v3 =	vld [tilespmem:$0x500];
	_ =	sdelay $0x4  }
0x1e5: {  	v20 =	vshrl.u32 v3, $0x3  }
0x1e6: {  	v4 =	vmul.u32 $0x30, v20  }
0x1e7: {  	v3 =	vand.u32 $0x7, v3  }
0x1e8: {  	v3 =	vor.u32 v3, v4  }
0x1e9: {  	v4 =	vperm.xlane v3, v0;
	_ =	sdelay $0x1  }
0x1ea: {  	v4 =	vadd.s32 v1, v4;
	_ =	sdelay $0x3  }
0x1eb: {  	v3 =	vperm.xlane v3, v2  }
0x1ec: {  	[tilespmem:s0], [sflag:$0x1] =	stream.indirect_vreg.gather [hbm4b:s2+s3], $0x80, v4, vm0, $0xb8;
	[tilespmem:$0x1F400] =	vst v63  }
0x1ed: {  	s20 =	simm.s32 $0x1C00;
	v3 =	vadd.s32 v1, v3  }
0x1ee: {  	[tilespmem:s20], [sflag:$0x1] =	stream.indirect_vreg.gather [hbm4b:s5+s3], $0x80, v4, vm0, $0xb8;
	[tilespmem:$0x1F400] =	vst v63  }
0x1ef: {  	s18 =	simm.s32 $0x2400  }
0x1f0: {  	[tilespmem:s18], [sflag:$0x1] =	stream.indirect_vreg.gather [hbm4b:s6+s3], $0x80, v4, vm0, $0xb8;
	[tilespmem:$0x1F400] =	vst v63  }
0x1f1: {  	s20 =	simm.s32 $0x2C00  }
0x1f2: {  	[tilespmem:s20], [sflag:$0x1] =	stream.indirect_vreg.gather [hbm4b:s2+s3], $0x80, v3, vm0, $0xb8;
	[tilespmem:$0x1F400] =	vst v63  }
0x1f3: {  	s18 =	simm.s32 $0x3400  }
0x1f4: {  	[tilespmem:s18], [sflag:$0x1] =	stream.indirect_vreg.gather [hbm4b:s5+s3], $0x80, v3, vm0, $0xb8;
	[tilespmem:$0x1F400] =	vst v63  }
0x1f5: {  	s20 =	simm.s32 $0x3C00  }
0x1f6: {  	[tilespmem:s20], [sflag:$0x1] =	stream.indirect_vreg.gather [hbm4b:s6+s3], $0x80, v3, vm0, $0xb8;
	[tilespmem:$0x1F400] =	vst v63  }
0x1f7: {  	v3 =	vld [tilespmem:$0x510];
	_ =	sdelay $0x4  }
0x1f8: {  	v21 =	vshrl.u32 v3, $0x3  }
0x1f9: {  	v4 =	vmul.u32 $0x30, v21  }
0x1fa: {  	v3 =	vand.u32 $0x7, v3  }
0x1fb: {  	v3 =	vor.u32 v3, v4  }
0x1fc: {  	v4 =	vperm.xlane v3, v0;
	_ =	sdelay $0x1  }
0x1fd: {  	v4 =	vadd.s32 v1, v4;
	_ =	sdelay $0x3  }
0x1fe: {  	s18 =	simm.s32 $0x4400;
	v3 =	vperm.xlane v3, v2  }
0x1ff: {  	[tilespmem:s18], [sflag:$0x1] =	stream.indirect_vreg.gather [hbm4b:s2+s3], $0x80, v4, vm0, $0xb8;
	[tilespmem:$0x1F400] =	vst v63  }
0x200: {  	s20 =	simm.s32 $0x4C00;
	v3 =	vadd.s32 v1, v3  }
0x201: {  	[tilespmem:s20], [sflag:$0x1] =	stream.indirect_vreg.gather [hbm4b:s5+s3], $0x80, v4, vm0, $0xb8;
	[tilespmem:$0x1F400] =	vst v63  }
0x202: {  	s18 =	simm.s32 $0x5400  }
0x203: {  	[tilespmem:s18], [sflag:$0x1] =	stream.indirect_vreg.gather [hbm4b:s6+s3], $0x80, v4, vm0, $0xb8;
	[tilespmem:$0x1F400] =	vst v63  }
0x204: {  	s20 =	simm.s32 $0x5C00  }
0x205: {  	[tilespmem:s20], [sflag:$0x1] =	stream.indirect_vreg.gather [hbm4b:s2+s3], $0x80, v3, vm0, $0xb8;
	[tilespmem:$0x1F400] =	vst v63  }
0x206: {  	s18 =	simm.s32 $0x6400  }
0x207: {  	[tilespmem:s18], [sflag:$0x1] =	stream.indirect_vreg.gather [hbm4b:s5+s3], $0x80, v3, vm0, $0xb8;
	[tilespmem:$0x1F400] =	vst v63  }
0x208: {  	s20 =	simm.s32 $0x6C00  }
0x209: {  	[tilespmem:s20], [sflag:$0x1] =	stream.indirect_vreg.gather [hbm4b:s6+s3], $0x80, v3, vm0, $0xb8;
	[tilespmem:$0x1F400] =	vst v63  }
0x20a: {  	_ =	swait.ge [sflag:s14], $0x6000  }
0x20b: {  	[sflag:s14] =	ssyncset.done $0x0  }
0x20c: {  	s18 =	simm.s32 $0xD400;
	s0 =	rddreg [dreg:$0x15];
	[sflag:s14] =	ssyncadd.s32 $0xFFFFA000  }
0x20d: {  	[hbm4b:s0+s3] =	stream.linear.scatter [tilespmem:s18], [sflag:$0x8], $0x6000, $0x38;
	[tilespmem:$0x1F400] =	vst v63  }
0x20e: {  	_ =	swait.ge [sflag:s7], $0x6000  }
0x20f: {  	[sflag:s7] =	ssyncset.done $0x0  }
0x210: {  	[sflag:s7] =	ssyncadd.s32 $0xFFFFA000  }
0x211: {  	v3 =	vld [tilespmem:$0x580];
	_ =	sdelay $0x4  }
0x212: {  	v22 =	vshrl.u32 v3, $0x3  }
0x213: {  	v4 =	vmul.u32 $0x30, v22  }
0x214: {  	v3 =	vand.u32 $0x7, v3  }
0x215: {  	v3 =	vor.u32 v3, v4  }
0x216: {  	v4 =	vperm.xlane v3, v0;
	_ =	sdelay $0x1  }
0x217: {  	v4 =	vadd.s32 v1, v4;
	_ =	sdelay $0x3  }
0x218: {  	v3 =	vperm.xlane v3, v2  }
0x219: {  	[tilespmem:s21], [sflag:$0x2] =	stream.indirect_vreg.gather [hbm4b:s2+s3], $0x80, v4, vm0, $0xb8;
	[tilespmem:$0x1F400] =	vst v63  }
0x21a: {  	s20 =	simm.s32 $0x7C00;
	v3 =	vadd.s32 v1, v3  }
0x21b: {  	[tilespmem:s20], [sflag:$0x2] =	stream.indirect_vreg.gather [hbm4b:s5+s3], $0x80, v4, vm0, $0xb8;
	[tilespmem:$0x1F400] =	vst v63  }
0x21c: {  	s31 =	simm.s32 $0x8400  }
0x21d: {  	[tilespmem:s31], [sflag:$0x2] =	stream.indirect_vreg.gather [hbm4b:s6+s3], $0x80, v4, vm0, $0xb8;
	[tilespmem:$0x1F400] =	vst v63  }
0x21e: {  	s23 =	simm.s32 $0x8C00  }
0x21f: {  	[tilespmem:s23], [sflag:$0x2] =	stream.indirect_vreg.gather [hbm4b:s2+s3], $0x80, v3, vm0, $0xb8;
	[tilespmem:$0x1F400] =	vst v63  }
0x220: {  	s24 =	simm.s32 $0x9400  }
0x221: {  	[tilespmem:s24], [sflag:$0x2] =	stream.indirect_vreg.gather [hbm4b:s5+s3], $0x80, v3, vm0, $0xb8;
	[tilespmem:$0x1F400] =	vst v63  }
0x222: {  	s29 =	simm.s32 $0x9C00  }
0x223: {  	[tilespmem:s29], [sflag:$0x2] =	stream.indirect_vreg.gather [hbm4b:s6+s3], $0x80, v3, vm0, $0xb8;
	[tilespmem:$0x1F400] =	vst v63  }
0x224: {  	v3 =	vld [tilespmem:$0x590];
	_ =	sdelay $0x4  }
0x225: {  	v23 =	vshrl.u32 v3, $0x3  }
0x226: {  	v4 =	vmul.u32 $0x30, v23  }
0x227: {  	v3 =	vand.u32 $0x7, v3  }
0x228: {  	v3 =	vor.u32 v3, v4  }
0x229: {  	v4 =	vperm.xlane v3, v0;
	_ =	sdelay $0x1  }
0x22a: {  	v4 =	vadd.s32 v1, v4;
	_ =	sdelay $0x3  }
0x22b: {  	s24 =	simm.s32 $0xA400;
	v3 =	vperm.xlane v3, v2  }
0x22c: {  	[tilespmem:s24], [sflag:$0x2] =	stream.indirect_vreg.gather [hbm4b:s2+s3], $0x80, v4, vm0, $0xb8;
	[tilespmem:$0x1F400] =	vst v63  }
0x22d: {  	s22 =	simm.s32 $0xAC00;
	v3 =	vadd.s32 v1, v3  }
0x22e: {  	[tilespmem:s22], [sflag:$0x2] =	stream.indirect_vreg.gather [hbm4b:s5+s3], $0x80, v4, vm0, $0xb8;
	[tilespmem:$0x1F400] =	vst v63  }
0x22f: {  	s26 =	simm.s32 $0xB400  }
0x230: {  	[tilespmem:s26], [sflag:$0x2] =	stream.indirect_vreg.gather [hbm4b:s6+s3], $0x80, v4, vm0, $0xb8;
	[tilespmem:$0x1F400] =	vst v63  }
0x231: {  	s15 =	simm.s32 $0xBC00  }
0x232: {  	[tilespmem:s15], [sflag:$0x2] =	stream.indirect_vreg.gather [hbm4b:s2+s3], $0x80, v3, vm0, $0xb8;
	[tilespmem:$0x1F400] =	vst v63  }
0x233: {  	s25 =	simm.s32 $0xC400  }
0x234: {  	[tilespmem:s25], [sflag:$0x2] =	stream.indirect_vreg.gather [hbm4b:s5+s3], $0x80, v3, vm0, $0xb8;
	[tilespmem:$0x1F400] =	vst v63  }
0x235: {  	s19 =	simm.s32 $0xCC00  }
0x236: {  	[tilespmem:s19], [sflag:$0x2] =	stream.indirect_vreg.gather [hbm4b:s6+s3], $0x80, v3, vm0, $0xb8;
	[tilespmem:$0x1F400] =	vst v63  }
0x237: {  	_ =	swait.ge [sflag:s16], $0x6000  }
0x238: {  	[sflag:s16] =	ssyncset.done $0x0  }
0x239: {  	s4 =	simm.s32 $0x13400;
	s15 =	rddreg [dreg:$0x16];
	[sflag:s16] =	ssyncadd.s32 $0xFFFFA000  }
0x23a: {  	[hbm4b:s15+s3] =	stream.linear.scatter [tilespmem:s4], [sflag:$0x9], $0x6000, $0x38;
	[tilespmem:$0x1F400] =	vst v63  }
0x23b: {  	_ =	swait.ge [sflag:s17], $0x6000  }
0x23c: {  	[sflag:s17] =	ssyncset.done $0x0  }
0x23d: {  	[sflag:s17] =	ssyncadd.s32 $0xFFFFA000  }
0x23e: {  	v3 =	vld [tilespmem:$0x600];
	_ =	sdelay $0x4  }
0x23f: {  	v24 =	vshrl.u32 v3, $0x3  }
0x240: {  	v4 =	vmul.u32 $0x30, v24  }
0x241: {  	v3 =	vand.u32 $0x7, v3  }
0x242: {  	v3 =	vor.u32 v3, v4  }
0x243: {  	v4 =	vperm.xlane v3, v0;
	_ =	sdelay $0x1  }
0x244: {  	v4 =	vadd.s32 v1, v4;
	_ =	sdelay $0x3  }
0x245: {  	v3 =	vperm.xlane v3, v2  }
0x246: {  	[tilespmem:s18], [sflag:$0x3] =	stream.indirect_vreg.gather [hbm4b:s2+s3], $0x80, v4, vm0, $0xb8;
	[tilespmem:$0x1F400] =	vst v63  }
0x247: {  	s28 =	simm.s32 $0xDC00;
	v3 =	vadd.s32 v1, v3  }
0x248: {  	[tilespmem:s28], [sflag:$0x3] =	stream.indirect_vreg.gather [hbm4b:s5+s3], $0x80, v4, vm0, $0xb8;
	[tilespmem:$0x1F400] =	vst v63  }
0x249: {  	s31 =	simm.s32 $0xE400  }
0x24a: {  	[tilespmem:s31], [sflag:$0x3] =	stream.indirect_vreg.gather [hbm4b:s6+s3], $0x80, v4, vm0, $0xb8;
	[tilespmem:$0x1F400] =	vst v63  }
0x24b: {  	s15 =	simm.s32 $0xEC00  }
0x24c: {  	[tilespmem:s15], [sflag:$0x3] =	stream.indirect_vreg.gather [hbm4b:s2+s3], $0x80, v3, vm0, $0xb8;
	[tilespmem:$0x1F400] =	vst v63  }
0x24d: {  	s29 =	simm.s32 $0xF400  }
0x24e: {  	[tilespmem:s29], [sflag:$0x3] =	stream.indirect_vreg.gather [hbm4b:s5+s3], $0x80, v3, vm0, $0xb8;
	[tilespmem:$0x1F400] =	vst v63  }
0x24f: {  	s30 =	simm.s32 $0xFC00  }
0x250: {  	[tilespmem:s30], [sflag:$0x3] =	stream.indirect_vreg.gather [hbm4b:s6+s3], $0x80, v3, vm0, $0xb8;
	[tilespmem:$0x1F400] =	vst v63  }
0x251: {  	v3 =	vld [tilespmem:$0x610];
	_ =	sdelay $0x4  }
0x252: {  	v25 =	vshrl.u32 v3, $0x3  }
0x253: {  	v4 =	vmul.u32 $0x30, v25  }
0x254: {  	v3 =	vand.u32 $0x7, v3  }
0x255: {  	v3 =	vor.u32 v3, v4  }
0x256: {  	v4 =	vperm.xlane v3, v0;
	_ =	sdelay $0x1  }
0x257: {  	v4 =	vadd.s32 v1, v4;
	_ =	sdelay $0x3  }
0x258: {  	s19 =	simm.s32 $0x10400;
	v3 =	vperm.xlane v3, v2  }
0x259: {  	[tilespmem:s19], [sflag:$0x3] =	stream.indirect_vreg.gather [hbm4b:s2+s3], $0x80, v4, vm0, $0xb8;
	[tilespmem:$0x1F400] =	vst v63  }
0x25a: {  	s30 =	simm.s32 $0x10C00;
	v3 =	vadd.s32 v1, v3  }
0x25b: {  	[tilespmem:s30], [sflag:$0x3] =	stream.indirect_vreg.gather [hbm4b:s5+s3], $0x80, v4, vm0, $0xb8;
	[tilespmem:$0x1F400] =	vst v63  }
0x25c: {  	s20 =	simm.s32 $0x11400  }
0x25d: {  	[tilespmem:s20], [sflag:$0x3] =	stream.indirect_vreg.gather [hbm4b:s6+s3], $0x80, v4, vm0, $0xb8;
	[tilespmem:$0x1F400] =	vst v63  }
0x25e: {  	s22 =	simm.s32 $0x11C00  }
0x25f: {  	[tilespmem:s22], [sflag:$0x3] =	stream.indirect_vreg.gather [hbm4b:s2+s3], $0x80, v3, vm0, $0xb8;
	[tilespmem:$0x1F400] =	vst v63  }
0x260: {  	s23 =	simm.s32 $0x12400  }
0x261: {  	[tilespmem:s23], [sflag:$0x3] =	stream.indirect_vreg.gather [hbm4b:s5+s3], $0x80, v3, vm0, $0xb8;
	[tilespmem:$0x1F400] =	vst v63  }
0x262: {  	s18 =	simm.s32 $0x12C00  }
0x263: {  	[tilespmem:s18], [sflag:$0x3] =	stream.indirect_vreg.gather [hbm4b:s6+s3], $0x80, v3, vm0, $0xb8;
	[tilespmem:$0x1F400] =	vst v63  }
0x264: {  	_ =	swait.ge [sflag:s9], $0x6000  }
0x265: {  	[sflag:s9] =	ssyncset.done $0x0  }
0x266: {  	s1 =	simm.s32 $0x19400;
	s24 =	rddreg [dreg:$0x17];
	[sflag:s9] =	ssyncadd.s32 $0xFFFFA000  }
0x267: {  	[hbm4b:s24+s3] =	stream.linear.scatter [tilespmem:s1], [sflag:$0xA], $0x6000, $0x38;
	[tilespmem:$0x1F400] =	vst v63  }
0x268: {  	_ =	swait.ge [sflag:s13], $0x6000  }
0x269: {  	[sflag:s13] =	ssyncset.done $0x0  }
0x26a: {  	[sflag:s13] =	ssyncadd.s32 $0xFFFFA000  }
0x26b: {  	v3 =	vld [tilespmem:$0x680];
	_ =	sdelay $0x4  }
0x26c: {  	v26 =	vshrl.u32 v3, $0x3  }
0x26d: {  	v4 =	vmul.u32 $0x30, v26  }
0x26e: {  	v3 =	vand.u32 $0x7, v3  }
0x26f: {  	v3 =	vor.u32 v3, v4  }
0x270: {  	v4 =	vperm.xlane v3, v0;
	_ =	sdelay $0x1  }
0x271: {  	v4 =	vadd.s32 v1, v4;
	_ =	sdelay $0x3  }
0x272: {  	v3 =	vperm.xlane v3, v2  }
0x273: {  	[tilespmem:s4], [sflag:$0x4] =	stream.indirect_vreg.gather [hbm4b:s2+s3], $0x80, v4, vm0, $0xb8;
	[tilespmem:$0x1F400] =	vst v63  }
0x274: {  	s25 =	simm.s32 $0x13C00;
	v3 =	vadd.s32 v1, v3  }
0x275: {  	[tilespmem:s25], [sflag:$0x4] =	stream.indirect_vreg.gather [hbm4b:s5+s3], $0x80, v4, vm0, $0xb8;
	[tilespmem:$0x1F400] =	vst v63  }
0x276: {  	s26 =	simm.s32 $0x14400  }
0x277: {  	[tilespmem:s26], [sflag:$0x4] =	stream.indirect_vreg.gather [hbm4b:s6+s3], $0x80, v4, vm0, $0xb8;
	[tilespmem:$0x1F400] =	vst v63  }
0x278: {  	s26 =	simm.s32 $0x14C00  }
0x279: {  	[tilespmem:s26], [sflag:$0x4] =	stream.indirect_vreg.gather [hbm4b:s2+s3], $0x80, v3, vm0, $0xb8;
	[tilespmem:$0x1F400] =	vst v63  }
0x27a: {  	s19 =	simm.s32 $0x15400  }
0x27b: {  	[tilespmem:s19], [sflag:$0x4] =	stream.indirect_vreg.gather [hbm4b:s5+s3], $0x80, v3, vm0, $0xb8;
	[tilespmem:$0x1F400] =	vst v63  }
0x27c: {  	s4 =	simm.s32 $0x15C00  }
0x27d: {  	[tilespmem:s4], [sflag:$0x4] =	stream.indirect_vreg.gather [hbm4b:s6+s3], $0x80, v3, vm0, $0xb8;
	[tilespmem:$0x1F400] =	vst v63  }
0x27e: {  	v3 =	vld [tilespmem:$0x690];
	_ =	sdelay $0x4  }
0x27f: {  	v27 =	vshrl.u32 v3, $0x3  }
0x280: {  	v4 =	vmul.u32 $0x30, v27  }
0x281: {  	v3 =	vand.u32 $0x7, v3  }
0x282: {  	v3 =	vor.u32 v3, v4  }
0x283: {  	v4 =	vperm.xlane v3, v0;
	_ =	sdelay $0x1  }
0x284: {  	v4 =	vadd.s32 v1, v4;
	_ =	sdelay $0x3  }
0x285: {  	s28 =	simm.s32 $0x16400;
	v3 =	vperm.xlane v3, v2  }
0x286: {  	[tilespmem:s28], [sflag:$0x4] =	stream.indirect_vreg.gather [hbm4b:s2+s3], $0x80, v4, vm0, $0xb8;
	[tilespmem:$0x1F400] =	vst v63  }
0x287: {  	s4 =	simm.s32 $0x16C00;
	v3 =	vadd.s32 v1, v3  }
0x288: {  	[tilespmem:s4], [sflag:$0x4] =	stream.indirect_vreg.gather [hbm4b:s5+s3], $0x80, v4, vm0, $0xb8;
	[tilespmem:$0x1F400] =	vst v63  }
0x289: {  	s22 =	simm.s32 $0x17400  }
0x28a: {  	[tilespmem:s22], [sflag:$0x4] =	stream.indirect_vreg.gather [hbm4b:s6+s3], $0x80, v4, vm0, $0xb8;
	[tilespmem:$0x1F400] =	vst v63  }
0x28b: {  	s23 =	simm.s32 $0x17C00  }
0x28c: {  	[tilespmem:s23], [sflag:$0x4] =	stream.indirect_vreg.gather [hbm4b:s2+s3], $0x80, v3, vm0, $0xb8;
	[tilespmem:$0x1F400] =	vst v63  }
0x28d: {  	s24 =	simm.s32 $0x18400  }
0x28e: {  	[tilespmem:s24], [sflag:$0x4] =	stream.indirect_vreg.gather [hbm4b:s5+s3], $0x80, v3, vm0, $0xb8;
	[tilespmem:$0x1F400] =	vst v63  }
0x28f: {  	s25 =	simm.s32 $0x18C00  }
0x290: {  	[tilespmem:s25], [sflag:$0x4] =	stream.indirect_vreg.gather [hbm4b:s6+s3], $0x80, v3, vm0, $0xb8;
	[tilespmem:$0x1F400] =	vst v63  }
0x291: {  	_ =	swait.ge [sflag:s12], $0x6000  }
0x292: {  	[sflag:s12] =	ssyncset.done $0x0  }
0x293: {  	s0 =	simm.s32 $0x1400;
	s20 =	rddreg [dreg:$0x18];
	[sflag:s12] =	ssyncadd.s32 $0xFFFFA000  }
0x294: {  	[hbm4b:s20+s3] =	stream.linear.scatter [tilespmem:s0], [sflag:$0x6], $0x6000, $0x38;
	[tilespmem:$0x1F400] =	vst v63  }
0x295: {  	_ =	swait.ge [sflag:s8], $0x6000  }
0x296: {  	[sflag:s8] =	ssyncset.done $0x0  }
0x297: {  	[sflag:s8] =	ssyncadd.s32 $0xFFFFA000  }
0x298: {  	v3 =	vld [tilespmem:$0x700];
	_ =	sdelay $0x4  }
0x299: {  	v28 =	vshrl.u32 v3, $0x3  }
0x29a: {  	v4 =	vmul.u32 $0x30, v28  }
0x29b: {  	v3 =	vand.u32 $0x7, v3  }
0x29c: {  	v3 =	vor.u32 v3, v4  }
0x29d: {  	v4 =	vperm.xlane v3, v0;
	_ =	sdelay $0x1  }
0x29e: {  	v4 =	vadd.s32 v1, v4;
	_ =	sdelay $0x3  }
0x29f: {  	v3 =	vperm.xlane v3, v2  }
0x2a0: {  	[tilespmem:s1], [sflag:$0x5] =	stream.indirect_vreg.gather [hbm4b:s2+s3], $0x80, v4, vm0, $0xb8;
	[tilespmem:$0x1F400] =	vst v63  }
0x2a1: {  	s20 =	simm.s32 $0x19C00;
	v3 =	vadd.s32 v1, v3  }
0x2a2: {  	[tilespmem:s20], [sflag:$0x5] =	stream.indirect_vreg.gather [hbm4b:s5+s3], $0x80, v4, vm0, $0xb8;
	[tilespmem:$0x1F400] =	vst v63  }
0x2a3: {  	s20 =	simm.s32 $0x1A400  }
0x2a4: {  	[tilespmem:s20], [sflag:$0x5] =	stream.indirect_vreg.gather [hbm4b:s6+s3], $0x80, v4, vm0, $0xb8;
	[tilespmem:$0x1F400] =	vst v63  }
0x2a5: {  	s20 =	simm.s32 $0x1AC00  }
0x2a6: {  	[tilespmem:s20], [sflag:$0x5] =	stream.indirect_vreg.gather [hbm4b:s2+s3], $0x80, v3, vm0, $0xb8;
	[tilespmem:$0x1F400] =	vst v63  }
0x2a7: {  	s20 =	simm.s32 $0x1B400  }
0x2a8: {  	[tilespmem:s20], [sflag:$0x5] =	stream.indirect_vreg.gather [hbm4b:s5+s3], $0x80, v3, vm0, $0xb8;
	[tilespmem:$0x1F400] =	vst v63  }
0x2a9: {  	s20 =	simm.s32 $0x1BC00  }
0x2aa: {  	[tilespmem:s20], [sflag:$0x5] =	stream.indirect_vreg.gather [hbm4b:s6+s3], $0x80, v3, vm0, $0xb8;
	[tilespmem:$0x1F400] =	vst v63  }
0x2ab: {  	v3 =	vld [tilespmem:$0x710];
	_ =	sdelay $0x4  }
0x2ac: {  	v29 =	vshrl.u32 v3, $0x3  }
0x2ad: {  	v4 =	vmul.u32 $0x30, v29  }
0x2ae: {  	v3 =	vand.u32 $0x7, v3  }
0x2af: {  	v3 =	vor.u32 v3, v4  }
0x2b0: {  	v4 =	vperm.xlane v3, v0;
	_ =	sdelay $0x1  }
0x2b1: {  	v4 =	vadd.s32 v1, v4;
	_ =	sdelay $0x3  }
0x2b2: {  	s20 =	simm.s32 $0x1C400;
	v3 =	vperm.xlane v3, v2  }
0x2b3: {  	[tilespmem:s20], [sflag:$0x5] =	stream.indirect_vreg.gather [hbm4b:s2+s3], $0x80, v4, vm0, $0xb8;
	[tilespmem:$0x1F400] =	vst v63  }
0x2b4: {  	v3 =	vadd.s32 v1, v3;
	s20 =	simm.s32 $0x1CC00  }
0x2b5: {  	[tilespmem:s20], [sflag:$0x5] =	stream.indirect_vreg.gather [hbm4b:s5+s3], $0x80, v4, vm0, $0xb8;
	[tilespmem:$0x1F400] =	vst v63  }
0x2b6: {  	s20 =	simm.s32 $0x1D400  }
0x2b7: {  	[tilespmem:s20], [sflag:$0x5] =	stream.indirect_vreg.gather [hbm4b:s6+s3], $0x80, v4, vm0, $0xb8;
	[tilespmem:$0x1F400] =	vst v63  }
0x2b8: {  	s20 =	simm.s32 $0x1DC00  }
0x2b9: {  	[tilespmem:s20], [sflag:$0x5] =	stream.indirect_vreg.gather [hbm4b:s2+s3], $0x80, v3, vm0, $0xb8;
	[tilespmem:$0x1F400] =	vst v63  }
0x2ba: {  	s20 =	simm.s32 $0x1E400  }
0x2bb: {  	[tilespmem:s20], [sflag:$0x5] =	stream.indirect_vreg.gather [hbm4b:s5+s3], $0x80, v3, vm0, $0xb8;
	[tilespmem:$0x1F400] =	vst v63  }
0x2bc: {  	s20 =	simm.s32 $0x1EC00  }
0x2bd: {  	[tilespmem:s20], [sflag:$0x5] =	stream.indirect_vreg.gather [hbm4b:s6+s3], $0x80, v3, vm0, $0xb8;
	[tilespmem:$0x1F400] =	vst v63  }
0x2be: {  	_ =	swait.ge [sflag:s10], $0x6000  }
0x2bf: {  	[sflag:s10] =	ssyncset.done $0x0  }
0x2c0: {  	s1 =	rddreg [dreg:$0x19];
	[sflag:s10] =	ssyncadd.s32 $0xFFFFA000  }
0x2c1: {  	[hbm4b:s1+s3] =	stream.linear.scatter [tilespmem:s21], [sflag:$0x7], $0x6000, $0x38;
	[tilespmem:$0x1F400] =	vst v63  }
0x2c2: {  	_ =	swait.ge [sflag:s11], $0x6000  }
0x2c3: {  	[sflag:s11] =	ssyncset.done $0x0  }
0x2c4: {  	[sflag:s11] =	ssyncadd.s32 $0xFFFFA000  }
0x2c5: {  	v3 =	vld [tilespmem:$0x780];
	_ =	sdelay $0x4  }
0x2c6: {  	v30 =	vshrl.u32 v3, $0x3  }
0x2c7: {  	v4 =	vmul.u32 $0x30, v30  }
0x2c8: {  	v3 =	vand.u32 $0x7, v3  }
0x2c9: {  	v3 =	vor.u32 v3, v4  }
0x2ca: {  	v4 =	vperm.xlane v3, v0;
	_ =	sdelay $0x1  }
0x2cb: {  	v4 =	vadd.s32 v1, v4;
	_ =	sdelay $0x3  }
0x2cc: {  	v3 =	vperm.xlane v3, v2  }
0x2cd: {  	[tilespmem:s0], [sflag:$0x1] =	stream.indirect_vreg.gather [hbm4b:s2+s3], $0x80, v4, vm0, $0xb8;
	[tilespmem:$0x1F400] =	vst v63  }
0x2ce: {  	s20 =	simm.s32 $0x1C00;
	v3 =	vadd.s32 v1, v3  }
0x2cf: {  	[tilespmem:s20], [sflag:$0x1] =	stream.indirect_vreg.gather [hbm4b:s5+s3], $0x80, v4, vm0, $0xb8;
	[tilespmem:$0x1F400] =	vst v63  }
0x2d0: {  	s1 =	simm.s32 $0x2400  }
0x2d1: {  	[tilespmem:s1], [sflag:$0x1] =	stream.indirect_vreg.gather [hbm4b:s6+s3], $0x80, v4, vm0, $0xb8;
	[tilespmem:$0x1F400] =	vst v63  }
0x2d2: {  	s20 =	simm.s32 $0x2C00  }
0x2d3: {  	[tilespmem:s20], [sflag:$0x1] =	stream.indirect_vreg.gather [hbm4b:s2+s3], $0x80, v3, vm0, $0xb8;
	[tilespmem:$0x1F400] =	vst v63  }
0x2d4: {  	s1 =	simm.s32 $0x3400  }
0x2d5: {  	[tilespmem:s1], [sflag:$0x1] =	stream.indirect_vreg.gather [hbm4b:s5+s3], $0x80, v3, vm0, $0xb8;
	[tilespmem:$0x1F400] =	vst v63  }
0x2d6: {  	s20 =	simm.s32 $0x3C00  }
0x2d7: {  	[tilespmem:s20], [sflag:$0x1] =	stream.indirect_vreg.gather [hbm4b:s6+s3], $0x80, v3, vm0, $0xb8;
	[tilespmem:$0x1F400] =	vst v63  }
0x2d8: {  	v3 =	vld [tilespmem:$0x790];
	_ =	sdelay $0x4  }
0x2d9: {  	v31 =	vshrl.u32 v3, $0x3  }
0x2da: {  	v4 =	vmul.u32 $0x30, v31  }
0x2db: {  	v3 =	vand.u32 $0x7, v3  }
0x2dc: {  	v3 =	vor.u32 v3, v4  }
0x2dd: {  	v4 =	vperm.xlane v3, v0;
	_ =	sdelay $0x1  }
0x2de: {  	v4 =	vadd.s32 v1, v4;
	_ =	sdelay $0x3  }
0x2df: {  	s1 =	simm.s32 $0x4400;
	v3 =	vperm.xlane v3, v2  }
0x2e0: {  	[tilespmem:s1], [sflag:$0x1] =	stream.indirect_vreg.gather [hbm4b:s2+s3], $0x80, v4, vm0, $0xb8;
	[tilespmem:$0x1F400] =	vst v63  }
0x2e1: {  	s20 =	simm.s32 $0x4C00;
	v3 =	vadd.s32 v1, v3  }
0x2e2: {  	[tilespmem:s20], [sflag:$0x1] =	stream.indirect_vreg.gather [hbm4b:s5+s3], $0x80, v4, vm0, $0xb8;
	[tilespmem:$0x1F400] =	vst v63  }
0x2e3: {  	s1 =	simm.s32 $0x5400  }
0x2e4: {  	[tilespmem:s1], [sflag:$0x1] =	stream.indirect_vreg.gather [hbm4b:s6+s3], $0x80, v4, vm0, $0xb8;
	[tilespmem:$0x1F400] =	vst v63  }
0x2e5: {  	s20 =	simm.s32 $0x5C00  }
0x2e6: {  	[tilespmem:s20], [sflag:$0x1] =	stream.indirect_vreg.gather [hbm4b:s2+s3], $0x80, v3, vm0, $0xb8;
	[tilespmem:$0x1F400] =	vst v63  }
0x2e7: {  	s1 =	simm.s32 $0x6400  }
0x2e8: {  	[tilespmem:s1], [sflag:$0x1] =	stream.indirect_vreg.gather [hbm4b:s5+s3], $0x80, v3, vm0, $0xb8;
	[tilespmem:$0x1F400] =	vst v63  }
0x2e9: {  	s20 =	simm.s32 $0x6C00  }
0x2ea: {  	[tilespmem:s20], [sflag:$0x1] =	stream.indirect_vreg.gather [hbm4b:s6+s3], $0x80, v3, vm0, $0xb8;
	[tilespmem:$0x1F400] =	vst v63  }
0x2eb: {  	_ =	swait.ge [sflag:s14], $0x6000  }
0x2ec: {  	[sflag:s14] =	ssyncset.done $0x0  }
0x2ed: {  	s0 =	simm.s32 $0xD400;
	s1 =	rddreg [dreg:$0x1a];
	[sflag:s14] =	ssyncadd.s32 $0xFFFFA000  }
0x2ee: {  	[hbm4b:s1+s3] =	stream.linear.scatter [tilespmem:s0], [sflag:$0x8], $0x6000, $0x38;
	[tilespmem:$0x1F400] =	vst v63  }
0x2ef: {  	_ =	swait.ge [sflag:s7], $0x6000  }
0x2f0: {  	[sflag:s7] =	ssyncset.done $0x0  }
0x2f1: {  	[sflag:s7] =	ssyncadd.s32 $0xFFFFA000  }
0x2f2: {  	v3 =	vld [tilespmem:$0x800];
	_ =	sdelay $0x4  }
0x2f3: {  	v32 =	vshrl.u32 v3, $0x3  }
0x2f4: {  	v4 =	vmul.u32 $0x30, v32  }
0x2f5: {  	v3 =	vand.u32 $0x7, v3  }
0x2f6: {  	v3 =	vor.u32 v3, v4  }
0x2f7: {  	v4 =	vperm.xlane v3, v0;
	_ =	sdelay $0x1  }
0x2f8: {  	v4 =	vadd.s32 v1, v4;
	_ =	sdelay $0x3  }
0x2f9: {  	v3 =	vperm.xlane v3, v2  }
0x2fa: {  	[tilespmem:s21], [sflag:$0x2] =	stream.indirect_vreg.gather [hbm4b:s2+s3], $0x80, v4, vm0, $0xb8;
	[tilespmem:$0x1F400] =	vst v63  }
0x2fb: {  	s20 =	simm.s32 $0x7C00;
	v3 =	vadd.s32 v1, v3  }
0x2fc: {  	[tilespmem:s20], [sflag:$0x2] =	stream.indirect_vreg.gather [hbm4b:s5+s3], $0x80, v4, vm0, $0xb8;
	[tilespmem:$0x1F400] =	vst v63  }
0x2fd: {  	s21 =	simm.s32 $0x8400  }
0x2fe: {  	[tilespmem:s21], [sflag:$0x2] =	stream.indirect_vreg.gather [hbm4b:s6+s3], $0x80, v4, vm0, $0xb8;
	[tilespmem:$0x1F400] =	vst v63  }
0x2ff: {  	s20 =	simm.s32 $0x8C00  }
0x300: {  	[tilespmem:s20], [sflag:$0x2] =	stream.indirect_vreg.gather [hbm4b:s2+s3], $0x80, v3, vm0, $0xb8;
	[tilespmem:$0x1F400] =	vst v63  }
0x301: {  	s21 =	simm.s32 $0x9400  }
0x302: {  	[tilespmem:s21], [sflag:$0x2] =	stream.indirect_vreg.gather [hbm4b:s5+s3], $0x80, v3, vm0, $0xb8;
	[tilespmem:$0x1F400] =	vst v63  }
0x303: {  	s20 =	simm.s32 $0x9C00  }
0x304: {  	[tilespmem:s20], [sflag:$0x2] =	stream.indirect_vreg.gather [hbm4b:s6+s3], $0x80, v3, vm0, $0xb8;
	[tilespmem:$0x1F400] =	vst v63  }
0x305: {  	v3 =	vld [tilespmem:$0x810];
	_ =	sdelay $0x4  }
0x306: {  	v33 =	vshrl.u32 v3, $0x3  }
0x307: {  	v4 =	vmul.u32 $0x30, v33  }
0x308: {  	v3 =	vand.u32 $0x7, v3  }
0x309: {  	v3 =	vor.u32 v3, v4  }
0x30a: {  	v4 =	vperm.xlane v3, v0;
	_ =	sdelay $0x1  }
0x30b: {  	v4 =	vadd.s32 v1, v4;
	_ =	sdelay $0x3  }
0x30c: {  	s21 =	simm.s32 $0xA400;
	v3 =	vperm.xlane v3, v2  }
0x30d: {  	[tilespmem:s21], [sflag:$0x2] =	stream.indirect_vreg.gather [hbm4b:s2+s3], $0x80, v4, vm0, $0xb8;
	[tilespmem:$0x1F400] =	vst v63  }
0x30e: {  	s20 =	simm.s32 $0xAC00;
	v3 =	vadd.s32 v1, v3  }
0x30f: {  	[tilespmem:s20], [sflag:$0x2] =	stream.indirect_vreg.gather [hbm4b:s5+s3], $0x80, v4, vm0, $0xb8;
	[tilespmem:$0x1F400] =	vst v63  }
0x310: {  	s21 =	simm.s32 $0xB400  }
0x311: {  	[tilespmem:s21], [sflag:$0x2] =	stream.indirect_vreg.gather [hbm4b:s6+s3], $0x80, v4, vm0, $0xb8;
	[tilespmem:$0x1F400] =	vst v63  }
0x312: {  	s20 =	simm.s32 $0xBC00  }
0x313: {  	[tilespmem:s20], [sflag:$0x2] =	stream.indirect_vreg.gather [hbm4b:s2+s3], $0x80, v3, vm0, $0xb8;
	[tilespmem:$0x1F400] =	vst v63  }
0x314: {  	s21 =	simm.s32 $0xC400  }
0x315: {  	[tilespmem:s21], [sflag:$0x2] =	stream.indirect_vreg.gather [hbm4b:s5+s3], $0x80, v3, vm0, $0xb8;
	[tilespmem:$0x1F400] =	vst v63  }
0x316: {  	s20 =	simm.s32 $0xCC00  }
0x317: {  	[tilespmem:s20], [sflag:$0x2] =	stream.indirect_vreg.gather [hbm4b:s6+s3], $0x80, v3, vm0, $0xb8;
	[tilespmem:$0x1F400] =	vst v63  }
0x318: {  	_ =	swait.ge [sflag:s16], $0x6000  }
0x319: {  	[sflag:s16] =	ssyncset.done $0x0  }
0x31a: {  	s1 =	simm.s32 $0x13400;
	s21 =	rddreg [dreg:$0x1b];
	[sflag:s16] =	ssyncadd.s32 $0xFFFFA000  }
0x31b: {  	[hbm4b:s21+s3] =	stream.linear.scatter [tilespmem:s1], [sflag:$0x9], $0x6000, $0x38;
	[tilespmem:$0x1F400] =	vst v63  }
0x31c: {  	_ =	swait.ge [sflag:s17], $0x6000  }
0x31d: {  	[sflag:s17] =	ssyncset.done $0x0  }
0x31e: {  	[sflag:s17] =	ssyncadd.s32 $0xFFFFA000  }
0x31f: {  	v3 =	vld [tilespmem:$0x880];
	_ =	sdelay $0x4  }
0x320: {  	v34 =	vshrl.u32 v3, $0x3  }
0x321: {  	v4 =	vmul.u32 $0x30, v34  }
0x322: {  	v3 =	vand.u32 $0x7, v3  }
0x323: {  	v3 =	vor.u32 v3, v4  }
0x324: {  	v4 =	vperm.xlane v3, v0;
	_ =	sdelay $0x1  }
0x325: {  	v4 =	vadd.s32 v1, v4;
	_ =	sdelay $0x3  }
0x326: {  	v3 =	vperm.xlane v3, v2  }
0x327: {  	[tilespmem:s0], [sflag:$0x3] =	stream.indirect_vreg.gather [hbm4b:s2+s3], $0x80, v4, vm0, $0xb8;
	[tilespmem:$0x1F400] =	vst v63  }
0x328: {  	s21 =	simm.s32 $0xDC00;
	v3 =	vadd.s32 v1, v3  }
0x329: {  	[tilespmem:s21], [sflag:$0x3] =	stream.indirect_vreg.gather [hbm4b:s5+s3], $0x80, v4, vm0, $0xb8;
	[tilespmem:$0x1F400] =	vst v63  }
0x32a: {  	_ = 	snop  }
0x32b: {  	[tilespmem:s31], [sflag:$0x3] =	stream.indirect_vreg.gather [hbm4b:s6+s3], $0x80, v4, vm0, $0xb8;
	[tilespmem:$0x1F400] =	vst v63  }
0x32c: {  	_ = 	snop  }
0x32d: {  	[tilespmem:s15], [sflag:$0x3] =	stream.indirect_vreg.gather [hbm4b:s2+s3], $0x80, v3, vm0, $0xb8;
	[tilespmem:$0x1F400] =	vst v63  }
0x32e: {  	_ = 	snop  }
0x32f: {  	[tilespmem:s29], [sflag:$0x3] =	stream.indirect_vreg.gather [hbm4b:s5+s3], $0x80, v3, vm0, $0xb8;
	[tilespmem:$0x1F400] =	vst v63  }
0x330: {  	s21 =	simm.s32 $0xFC00  }
0x331: {  	[tilespmem:s21], [sflag:$0x3] =	stream.indirect_vreg.gather [hbm4b:s6+s3], $0x80, v3, vm0, $0xb8;
	[tilespmem:$0x1F400] =	vst v63  }
0x332: {  	v3 =	vld [tilespmem:$0x890];
	_ =	sdelay $0x4  }
0x333: {  	v35 =	vshrl.u32 v3, $0x3  }
0x334: {  	v4 =	vmul.u32 $0x30, v35  }
0x335: {  	v3 =	vand.u32 $0x7, v3  }
0x336: {  	v3 =	vor.u32 v3, v4  }
0x337: {  	v4 =	vperm.xlane v3, v0;
	_ =	sdelay $0x1  }
0x338: {  	v4 =	vadd.s32 v1, v4;
	_ =	sdelay $0x3  }
0x339: {  	s20 =	simm.s32 $0x10400;
	v3 =	vperm.xlane v3, v2  }
0x33a: {  	[tilespmem:s20], [sflag:$0x3] =	stream.indirect_vreg.gather [hbm4b:s2+s3], $0x80, v4, vm0, $0xb8;
	[tilespmem:$0x1F400] =	vst v63  }
0x33b: {  	v3 =	vadd.s32 v1, v3  }
0x33c: {  	[tilespmem:s30], [sflag:$0x3] =	stream.indirect_vreg.gather [hbm4b:s5+s3], $0x80, v4, vm0, $0xb8;
	[tilespmem:$0x1F400] =	vst v63  }
0x33d: {  	s15 =	simm.s32 $0x11400  }
0x33e: {  	[tilespmem:s15], [sflag:$0x3] =	stream.indirect_vreg.gather [hbm4b:s6+s3], $0x80, v4, vm0, $0xb8;
	[tilespmem:$0x1F400] =	vst v63  }
0x33f: {  	s20 =	simm.s32 $0x11C00  }
0x340: {  	[tilespmem:s20], [sflag:$0x3] =	stream.indirect_vreg.gather [hbm4b:s2+s3], $0x80, v3, vm0, $0xb8;
	[tilespmem:$0x1F400] =	vst v63  }
0x341: {  	s15 =	simm.s32 $0x12400  }
0x342: {  	[tilespmem:s15], [sflag:$0x3] =	stream.indirect_vreg.gather [hbm4b:s5+s3], $0x80, v3, vm0, $0xb8;
	[tilespmem:$0x1F400] =	vst v63  }
0x343: {  	_ = 	snop  }
0x344: {  	[tilespmem:s18], [sflag:$0x3] =	stream.indirect_vreg.gather [hbm4b:s6+s3], $0x80, v3, vm0, $0xb8;
	[tilespmem:$0x1F400] =	vst v63  }
0x345: {  	_ =	swait.ge [sflag:s9], $0x6000  }
0x346: {  	[sflag:s9] =	ssyncset.done $0x0  }
0x347: {  	s15 =	simm.s32 $0x19400;
	s18 =	rddreg [dreg:$0x4];
	[sflag:s9] =	ssyncadd.s32 $0xFFFFA000  }
0x348: {  	[hbm4b:s18+s3] =	stream.linear.scatter [tilespmem:s15], [sflag:$0xA], $0x6000, $0x38;
	[tilespmem:$0x1F400] =	vst v63  }
0x349: {  	_ =	swait.ge [sflag:s13], $0x6000  }
0x34a: {  	[sflag:s13] =	ssyncset.done $0x0  }
0x34b: {  	[sflag:s13] =	ssyncadd.s32 $0xFFFFA000  }
0x34c: {  	v3 =	vld [tilespmem:$0x900];
	_ =	sdelay $0x4  }
0x34d: {  	v36 =	vshrl.u32 v3, $0x3  }
0x34e: {  	v4 =	vmul.u32 $0x30, v36  }
0x34f: {  	v3 =	vand.u32 $0x7, v3  }
0x350: {  	v3 =	vor.u32 v3, v4  }
0x351: {  	v4 =	vperm.xlane v3, v0;
	_ =	sdelay $0x1  }
0x352: {  	v4 =	vadd.s32 v1, v4;
	_ =	sdelay $0x3  }
0x353: {  	v3 =	vperm.xlane v3, v2  }
0x354: {  	[tilespmem:s1], [sflag:$0x4] =	stream.indirect_vreg.gather [hbm4b:s2+s3], $0x80, v4, vm0, $0xb8;
	[tilespmem:$0x1F400] =	vst v63  }
0x355: {  	s20 =	simm.s32 $0x13C00;
	v3 =	vadd.s32 v1, v3  }
0x356: {  	[tilespmem:s20], [sflag:$0x4] =	stream.indirect_vreg.gather [hbm4b:s5+s3], $0x80, v4, vm0, $0xb8;
	[tilespmem:$0x1F400] =	vst v63  }
0x357: {  	s1 =	simm.s32 $0x14400  }
0x358: {  	[tilespmem:s1], [sflag:$0x4] =	stream.indirect_vreg.gather [hbm4b:s6+s3], $0x80, v4, vm0, $0xb8;
	[tilespmem:$0x1F400] =	vst v63  }
0x359: {  	_ = 	snop  }
0x35a: {  	[tilespmem:s26], [sflag:$0x4] =	stream.indirect_vreg.gather [hbm4b:s2+s3], $0x80, v3, vm0, $0xb8;
	[tilespmem:$0x1F400] =	vst v63  }
0x35b: {  	_ = 	snop  }
0x35c: {  	[tilespmem:s19], [sflag:$0x4] =	stream.indirect_vreg.gather [hbm4b:s5+s3], $0x80, v3, vm0, $0xb8;
	[tilespmem:$0x1F400] =	vst v63  }
0x35d: {  	s18 =	simm.s32 $0x15C00  }
0x35e: {  	[tilespmem:s18], [sflag:$0x4] =	stream.indirect_vreg.gather [hbm4b:s6+s3], $0x80, v3, vm0, $0xb8;
	[tilespmem:$0x1F400] =	vst v63  }
0x35f: {  	v3 =	vld [tilespmem:$0x910];
	_ =	sdelay $0x4  }
0x360: {  	v37 =	vshrl.u32 v3, $0x3  }
0x361: {  	v4 =	vmul.u32 $0x30, v37  }
0x362: {  	v3 =	vand.u32 $0x7, v3  }
0x363: {  	v3 =	vor.u32 v3, v4  }
0x364: {  	v4 =	vperm.xlane v3, v0;
	_ =	sdelay $0x1  }
0x365: {  	v4 =	vadd.s32 v1, v4;
	_ =	sdelay $0x3  }
0x366: {  	v3 =	vperm.xlane v3, v2  }
0x367: {  	[tilespmem:s28], [sflag:$0x4] =	stream.indirect_vreg.gather [hbm4b:s2+s3], $0x80, v4, vm0, $0xb8;
	[tilespmem:$0x1F400] =	vst v63  }
0x368: {  	v3 =	vadd.s32 v1, v3  }
0x369: {  	[tilespmem:s4], [sflag:$0x4] =	stream.indirect_vreg.gather [hbm4b:s5+s3], $0x80, v4, vm0, $0xb8;
	[tilespmem:$0x1F400] =	vst v63  }
0x36a: {  	_ = 	snop  }
0x36b: {  	[tilespmem:s22], [sflag:$0x4] =	stream.indirect_vreg.gather [hbm4b:s6+s3], $0x80, v4, vm0, $0xb8;
	[tilespmem:$0x1F400] =	vst v63  }
0x36c: {  	_ = 	snop  }
0x36d: {  	[tilespmem:s23], [sflag:$0x4] =	stream.indirect_vreg.gather [hbm4b:s2+s3], $0x80, v3, vm0, $0xb8;
	[tilespmem:$0x1F400] =	vst v63  }
0x36e: {  	_ = 	snop  }
0x36f: {  	[tilespmem:s24], [sflag:$0x4] =	stream.indirect_vreg.gather [hbm4b:s5+s3], $0x80, v3, vm0, $0xb8;
	[tilespmem:$0x1F400] =	vst v63  }
0x370: {  	_ = 	snop  }
0x371: {  	[tilespmem:s25], [sflag:$0x4] =	stream.indirect_vreg.gather [hbm4b:s6+s3], $0x80, v3, vm0, $0xb8;
	[tilespmem:$0x1F400] =	vst v63  }
0x372: {  	_ =	swait.ge [sflag:s12], $0x6000  }
0x373: {  	[sflag:s12] =	ssyncset.done $0x0  }
0x374: {  	s19 =	simm.s32 $0x1400;
	s4 =	rddreg [dreg:$0x5];
	[sflag:s12] =	ssyncadd.s32 $0xFFFFA000  }
0x375: {  	[hbm4b:s4+s3] =	stream.linear.scatter [tilespmem:s19], [sflag:$0x6], $0x6000, $0x38;
	[tilespmem:$0x1F400] =	vst v63  }
0x376: {  	_ =	swait.ge [sflag:s8], $0x6000  }
0x377: {  	[sflag:s8] =	ssyncset.done $0x0  }
0x378: {  	[sflag:s8] =	ssyncadd.s32 $0xFFFFA000  }
0x379: {  	v3 =	vld [tilespmem:$0x980];
	_ =	sdelay $0x4  }
0x37a: {  	v38 =	vshrl.u32 v3, $0x3  }
0x37b: {  	v4 =	vmul.u32 $0x30, v38  }
0x37c: {  	v3 =	vand.u32 $0x7, v3  }
0x37d: {  	v3 =	vor.u32 v3, v4  }
0x37e: {  	v4 =	vperm.xlane v3, v0;
	_ =	sdelay $0x1  }
0x37f: {  	v4 =	vadd.s32 v1, v4;
	_ =	sdelay $0x3  }
0x380: {  	v3 =	vperm.xlane v3, v2  }
0x381: {  	[tilespmem:s15], [sflag:$0x5] =	stream.indirect_vreg.gather [hbm4b:s2+s3], $0x80, v4, vm0, $0xb8;
	[tilespmem:$0x1F400] =	vst v63  }
0x382: {  	s22 =	simm.s32 $0x19C00;
	v3 =	vadd.s32 v1, v3  }
0x383: {  	[tilespmem:s22], [sflag:$0x5] =	stream.indirect_vreg.gather [hbm4b:s5+s3], $0x80, v4, vm0, $0xb8;
	[tilespmem:$0x1F400] =	vst v63  }
0x384: {  	s26 =	simm.s32 $0x1A400  }
0x385: {  	[tilespmem:s26], [sflag:$0x5] =	stream.indirect_vreg.gather [hbm4b:s6+s3], $0x80, v4, vm0, $0xb8;
	[tilespmem:$0x1F400] =	vst v63  }
0x386: {  	s31 =	simm.s32 $0x1AC00  }
0x387: {  	[tilespmem:s31], [sflag:$0x5] =	stream.indirect_vreg.gather [hbm4b:s2+s3], $0x80, v3, vm0, $0xb8;
	[tilespmem:$0x1F400] =	vst v63  }
0x388: {  	s15 =	simm.s32 $0x1B400  }
0x389: {  	[tilespmem:s15], [sflag:$0x5] =	stream.indirect_vreg.gather [hbm4b:s5+s3], $0x80, v3, vm0, $0xb8;
	[tilespmem:$0x1F400] =	vst v63  }
0x38a: {  	s20 =	simm.s32 $0x1BC00  }
0x38b: {  	[tilespmem:s20], [sflag:$0x5] =	stream.indirect_vreg.gather [hbm4b:s6+s3], $0x80, v3, vm0, $0xb8;
	[tilespmem:$0x1F400] =	vst v63  }
0x38c: {  	v3 =	vld [tilespmem:$0x990];
	_ =	sdelay $0x4  }
0x38d: {  	v39 =	vshrl.u32 v3, $0x3  }
0x38e: {  	v4 =	vmul.u32 $0x30, v39  }
0x38f: {  	v3 =	vand.u32 $0x7, v3  }
0x390: {  	v3 =	vor.u32 v3, v4  }
0x391: {  	v4 =	vperm.xlane v3, v0;
	_ =	sdelay $0x1  }
0x392: {  	v4 =	vadd.s32 v1, v4;
	_ =	sdelay $0x3  }
0x393: {  	s23 =	simm.s32 $0x1C400;
	v3 =	vperm.xlane v3, v2  }
0x394: {  	[tilespmem:s23], [sflag:$0x5] =	stream.indirect_vreg.gather [hbm4b:s2+s3], $0x80, v4, vm0, $0xb8;
	[tilespmem:$0x1F400] =	vst v63  }
0x395: {  	s24 =	simm.s32 $0x1CC00;
	v3 =	vadd.s32 v1, v3  }
0x396: {  	[tilespmem:s24], [sflag:$0x5] =	stream.indirect_vreg.gather [hbm4b:s5+s3], $0x80, v4, vm0, $0xb8;
	[tilespmem:$0x1F400] =	vst v63  }
0x397: {  	s25 =	simm.s32 $0x1D400  }
0x398: {  	[tilespmem:s25], [sflag:$0x5] =	stream.indirect_vreg.gather [hbm4b:s6+s3], $0x80, v4, vm0, $0xb8;
	[tilespmem:$0x1F400] =	vst v63  }
0x399: {  	s1 =	simm.s32 $0x1DC00  }
0x39a: {  	[tilespmem:s1], [sflag:$0x5] =	stream.indirect_vreg.gather [hbm4b:s2+s3], $0x80, v3, vm0, $0xb8;
	[tilespmem:$0x1F400] =	vst v63  }
0x39b: {  	s4 =	simm.s32 $0x1E400  }
0x39c: {  	[tilespmem:s4], [sflag:$0x5] =	stream.indirect_vreg.gather [hbm4b:s5+s3], $0x80, v3, vm0, $0xb8;
	[tilespmem:$0x1F400] =	vst v63  }
0x39d: {  	s20 =	simm.s32 $0x1EC00  }
0x39e: {  	[tilespmem:s20], [sflag:$0x5] =	stream.indirect_vreg.gather [hbm4b:s6+s3], $0x80, v3, vm0, $0xb8;
	[tilespmem:$0x1F400] =	vst v63  }
0x39f: {  	_ =	swait.ge [sflag:s10], $0x6000  }
0x3a0: {  	[sflag:s10] =	ssyncset.done $0x0  }
0x3a1: {  	s20 =	simm.s32 $0x7400;
	s23 =	rddreg [dreg:$0x1c];
	[sflag:s10] =	ssyncadd.s32 $0xFFFFA000  }
0x3a2: {  	[hbm4b:s23+s3] =	stream.linear.scatter [tilespmem:s20], [sflag:$0x7], $0x6000, $0x38;
	[tilespmem:$0x1F400] =	vst v63  }
0x3a3: {  	_ =	swait.ge [sflag:s11], $0x6000  }
0x3a4: {  	[sflag:s11] =	ssyncset.done $0x0  }
0x3a5: {  	[sflag:s11] =	ssyncadd.s32 $0xFFFFA000  }
0x3a6: {  	v3 =	vld [tilespmem:$0xA00];
	_ =	sdelay $0x4  }
0x3a7: {  	v40 =	vshrl.u32 v3, $0x3  }
0x3a8: {  	v4 =	vmul.u32 $0x30, v40  }
0x3a9: {  	v3 =	vand.u32 $0x7, v3  }
0x3aa: {  	v3 =	vor.u32 v3, v4  }
0x3ab: {  	v4 =	vperm.xlane v3, v0;
	_ =	sdelay $0x1  }
0x3ac: {  	v4 =	vadd.s32 v1, v4;
	_ =	sdelay $0x3  }
0x3ad: {  	v3 =	vperm.xlane v3, v2  }
0x3ae: {  	[tilespmem:s19], [sflag:$0x1] =	stream.indirect_vreg.gather [hbm4b:s2+s3], $0x80, v4, vm0, $0xb8;
	[tilespmem:$0x1F400] =	vst v63  }
0x3af: {  	s30 =	simm.s32 $0x1C00;
	v3 =	vadd.s32 v1, v3  }
0x3b0: {  	[tilespmem:s30], [sflag:$0x1] =	stream.indirect_vreg.gather [hbm4b:s5+s3], $0x80, v4, vm0, $0xb8;
	[tilespmem:$0x1F400] =	vst v63  }
0x3b1: {  	s24 =	simm.s32 $0x2400  }
0x3b2: {  	[tilespmem:s24], [sflag:$0x1] =	stream.indirect_vreg.gather [hbm4b:s6+s3], $0x80, v4, vm0, $0xb8;
	[tilespmem:$0x1F400] =	vst v63  }
0x3b3: {  	s25 =	simm.s32 $0x2C00  }
0x3b4: {  	[tilespmem:s25], [sflag:$0x1] =	stream.indirect_vreg.gather [hbm4b:s2+s3], $0x80, v3, vm0, $0xb8;
	[tilespmem:$0x1F400] =	vst v63  }
0x3b5: {  	s1 =	simm.s32 $0x3400  }
0x3b6: {  	[tilespmem:s1], [sflag:$0x1] =	stream.indirect_vreg.gather [hbm4b:s5+s3], $0x80, v3, vm0, $0xb8;
	[tilespmem:$0x1F400] =	vst v63  }
0x3b7: {  	s23 =	simm.s32 $0x3C00  }
0x3b8: {  	[tilespmem:s23], [sflag:$0x1] =	stream.indirect_vreg.gather [hbm4b:s6+s3], $0x80, v3, vm0, $0xb8;
	[tilespmem:$0x1F400] =	vst v63  }
0x3b9: {  	v3 =	vld [tilespmem:$0xA10];
	_ =	sdelay $0x4  }
0x3ba: {  	v41 =	vshrl.u32 v3, $0x3  }
0x3bb: {  	v4 =	vmul.u32 $0x30, v41  }
0x3bc: {  	v3 =	vand.u32 $0x7, v3  }
0x3bd: {  	v3 =	vor.u32 v3, v4  }
0x3be: {  	v4 =	vperm.xlane v3, v0;
	_ =	sdelay $0x1  }
0x3bf: {  	v4 =	vadd.s32 v1, v4;
	_ =	sdelay $0x3  }
0x3c0: {  	s25 =	simm.s32 $0x4400;
	v3 =	vperm.xlane v3, v2  }
0x3c1: {  	[tilespmem:s25], [sflag:$0x1] =	stream.indirect_vreg.gather [hbm4b:s2+s3], $0x80, v4, vm0, $0xb8;
	[tilespmem:$0x1F400] =	vst v63  }
0x3c2: {  	s4 =	simm.s32 $0x4C00;
	v3 =	vadd.s32 v1, v3  }
0x3c3: {  	[tilespmem:s4], [sflag:$0x1] =	stream.indirect_vreg.gather [hbm4b:s5+s3], $0x80, v4, vm0, $0xb8;
	[tilespmem:$0x1F400] =	vst v63  }
0x3c4: {  	s19 =	simm.s32 $0x5400  }
0x3c5: {  	[tilespmem:s19], [sflag:$0x1] =	stream.indirect_vreg.gather [hbm4b:s6+s3], $0x80, v4, vm0, $0xb8;
	[tilespmem:$0x1F400] =	vst v63  }
0x3c6: {  	s24 =	simm.s32 $0x5C00  }
0x3c7: {  	[tilespmem:s24], [sflag:$0x1] =	stream.indirect_vreg.gather [hbm4b:s2+s3], $0x80, v3, vm0, $0xb8;
	[tilespmem:$0x1F400] =	vst v63  }
0x3c8: {  	s24 =	simm.s32 $0x6400  }
0x3c9: {  	[tilespmem:s24], [sflag:$0x1] =	stream.indirect_vreg.gather [hbm4b:s5+s3], $0x80, v3, vm0, $0xb8;
	[tilespmem:$0x1F400] =	vst v63  }
0x3ca: {  	s28 =	simm.s32 $0x6C00  }
0x3cb: {  	[tilespmem:s28], [sflag:$0x1] =	stream.indirect_vreg.gather [hbm4b:s6+s3], $0x80, v3, vm0, $0xb8;
	[tilespmem:$0x1F400] =	vst v63  }
0x3cc: {  	_ =	swait.ge [sflag:s14], $0x6000  }
0x3cd: {  	[sflag:s14] =	ssyncset.done $0x0  }
0x3ce: {  	s4 =	simm.s32 $0xD400;
	s1 =	rddreg [dreg:$0x1d];
	[sflag:s14] =	ssyncadd.s32 $0xFFFFA000  }
0x3cf: {  	[hbm4b:s1+s3] =	stream.linear.scatter [tilespmem:s4], [sflag:$0x8], $0x6000, $0x38;
	[tilespmem:$0x1F400] =	vst v63  }
0x3d0: {  	_ =	swait.ge [sflag:s7], $0x6000  }
0x3d1: {  	[sflag:s7] =	ssyncset.done $0x0  }
0x3d2: {  	[sflag:s7] =	ssyncadd.s32 $0xFFFFA000  }
0x3d3: {  	v3 =	vld [tilespmem:$0xA80];
	_ =	sdelay $0x4  }
0x3d4: {  	v42 =	vshrl.u32 v3, $0x3  }
0x3d5: {  	v4 =	vmul.u32 $0x30, v42  }
0x3d6: {  	v3 =	vand.u32 $0x7, v3  }
0x3d7: {  	v3 =	vor.u32 v3, v4  }
0x3d8: {  	v4 =	vperm.xlane v3, v0;
	_ =	sdelay $0x1  }
0x3d9: {  	v4 =	vadd.s32 v1, v4;
	_ =	sdelay $0x3  }
0x3da: {  	v3 =	vperm.xlane v3, v2  }
0x3db: {  	[tilespmem:s20], [sflag:$0x2] =	stream.indirect_vreg.gather [hbm4b:s2+s3], $0x80, v4, vm0, $0xb8;
	[tilespmem:$0x1F400] =	vst v63  }
0x3dc: {  	v3 =	vadd.s32 v1, v3;
	s20 =	simm.s32 $0x7C00  }
0x3dd: {  	[tilespmem:s20], [sflag:$0x2] =	stream.indirect_vreg.gather [hbm4b:s5+s3], $0x80, v4, vm0, $0xb8;
	[tilespmem:$0x1F400] =	vst v63  }
0x3de: {  	s19 =	simm.s32 $0x8400  }
0x3df: {  	[tilespmem:s19], [sflag:$0x2] =	stream.indirect_vreg.gather [hbm4b:s6+s3], $0x80, v4, vm0, $0xb8;
	[tilespmem:$0x1F400] =	vst v63  }
0x3e0: {  	s1 =	simm.s32 $0x8C00  }
0x3e1: {  	[tilespmem:s1], [sflag:$0x2] =	stream.indirect_vreg.gather [hbm4b:s2+s3], $0x80, v3, vm0, $0xb8;
	[tilespmem:$0x1F400] =	vst v63  }
0x3e2: {  	s19 =	simm.s32 $0x9400  }
0x3e3: {  	[tilespmem:s19], [sflag:$0x2] =	stream.indirect_vreg.gather [hbm4b:s5+s3], $0x80, v3, vm0, $0xb8;
	[tilespmem:$0x1F400] =	vst v63  }
0x3e4: {  	s19 =	simm.s32 $0x9C00  }
0x3e5: {  	[tilespmem:s19], [sflag:$0x2] =	stream.indirect_vreg.gather [hbm4b:s6+s3], $0x80, v3, vm0, $0xb8;
	[tilespmem:$0x1F400] =	vst v63  }
0x3e6: {  	v3 =	vld [tilespmem:$0xA90];
	_ =	sdelay $0x4  }
0x3e7: {  	v43 =	vshrl.u32 v3, $0x3  }
0x3e8: {  	v4 =	vmul.u32 $0x30, v43  }
0x3e9: {  	v3 =	vand.u32 $0x7, v3  }
0x3ea: {  	v3 =	vor.u32 v3, v4  }
0x3eb: {  	v4 =	vperm.xlane v3, v0;
	_ =	sdelay $0x1  }
0x3ec: {  	v4 =	vadd.s32 v1, v4;
	_ =	sdelay $0x3  }
0x3ed: {  	s29 =	simm.s32 $0xA400;
	v3 =	vperm.xlane v3, v2  }
0x3ee: {  	[tilespmem:s29], [sflag:$0x2] =	stream.indirect_vreg.gather [hbm4b:s2+s3], $0x80, v4, vm0, $0xb8;
	[tilespmem:$0x1F400] =	vst v63  }
0x3ef: {  	s1 =	simm.s32 $0xAC00;
	v3 =	vadd.s32 v1, v3  }
0x3f0: {  	[tilespmem:s1], [sflag:$0x2] =	stream.indirect_vreg.gather [hbm4b:s5+s3], $0x80, v4, vm0, $0xb8;
	[tilespmem:$0x1F400] =	vst v63  }
0x3f1: {  	s1 =	simm.s32 $0xB400  }
0x3f2: {  	[tilespmem:s1], [sflag:$0x2] =	stream.indirect_vreg.gather [hbm4b:s6+s3], $0x80, v4, vm0, $0xb8;
	[tilespmem:$0x1F400] =	vst v63  }
0x3f3: {  	s1 =	simm.s32 $0xBC00  }
0x3f4: {  	[tilespmem:s1], [sflag:$0x2] =	stream.indirect_vreg.gather [hbm4b:s2+s3], $0x80, v3, vm0, $0xb8;
	[tilespmem:$0x1F400] =	vst v63  }
0x3f5: {  	s1 =	simm.s32 $0xC400  }
0x3f6: {  	[tilespmem:s1], [sflag:$0x2] =	stream.indirect_vreg.gather [hbm4b:s5+s3], $0x80, v3, vm0, $0xb8;
	[tilespmem:$0x1F400] =	vst v63  }
0x3f7: {  	s1 =	simm.s32 $0xCC00  }
0x3f8: {  	[tilespmem:s1], [sflag:$0x2] =	stream.indirect_vreg.gather [hbm4b:s6+s3], $0x80, v3, vm0, $0xb8;
	[tilespmem:$0x1F400] =	vst v63  }
0x3f9: {  	_ =	swait.ge [sflag:s16], $0x6000  }
0x3fa: {  	[sflag:s16] =	ssyncset.done $0x0  }
0x3fb: {  	s1 =	simm.s32 $0x13400;
	s0 =	rddreg [dreg:$0x1e];
	[sflag:s16] =	ssyncadd.s32 $0xFFFFA000  }
0x3fc: {  	[hbm4b:s0+s3] =	stream.linear.scatter [tilespmem:s1], [sflag:$0x9], $0x6000, $0x38;
	[tilespmem:$0x1F400] =	vst v63  }
0x3fd: {  	_ =	swait.ge [sflag:s17], $0x6000  }
0x3fe: {  	[sflag:s17] =	ssyncset.done $0x0  }
0x3ff: {  	[sflag:s17] =	ssyncadd.s32 $0xFFFFA000  }
0x400: {  	v3 =	vld [tilespmem:$0xB00];
	_ =	sdelay $0x4  }
0x401: {  	v44 =	vshrl.u32 v3, $0x3  }
0x402: {  	v4 =	vmul.u32 $0x30, v44  }
0x403: {  	v3 =	vand.u32 $0x7, v3  }
0x404: {  	v3 =	vor.u32 v3, v4  }
0x405: {  	v4 =	vperm.xlane v3, v0;
	_ =	sdelay $0x1  }
0x406: {  	v4 =	vadd.s32 v1, v4;
	_ =	sdelay $0x3  }
0x407: {  	v3 =	vperm.xlane v3, v2  }
0x408: {  	[tilespmem:s4], [sflag:$0x3] =	stream.indirect_vreg.gather [hbm4b:s2+s3], $0x80, v4, vm0, $0xb8;
	[tilespmem:$0x1F400] =	vst v63  }
0x409: {  	v3 =	vadd.s32 v1, v3;
	s4 =	simm.s32 $0xDC00  }
0x40a: {  	[tilespmem:s4], [sflag:$0x3] =	stream.indirect_vreg.gather [hbm4b:s5+s3], $0x80, v4, vm0, $0xb8;
	[tilespmem:$0x1F400] =	vst v63  }
0x40b: {  	s4 =	simm.s32 $0xE400  }
0x40c: {  	[tilespmem:s4], [sflag:$0x3] =	stream.indirect_vreg.gather [hbm4b:s6+s3], $0x80, v4, vm0, $0xb8;
	[tilespmem:$0x1F400] =	vst v63  }
0x40d: {  	s4 =	simm.s32 $0xEC00  }
0x40e: {  	[tilespmem:s4], [sflag:$0x3] =	stream.indirect_vreg.gather [hbm4b:s2+s3], $0x80, v3, vm0, $0xb8;
	[tilespmem:$0x1F400] =	vst v63  }
0x40f: {  	s4 =	simm.s32 $0xF400  }
0x410: {  	[tilespmem:s4], [sflag:$0x3] =	stream.indirect_vreg.gather [hbm4b:s5+s3], $0x80, v3, vm0, $0xb8;
	[tilespmem:$0x1F400] =	vst v63  }
0x411: {  	_ = 	snop  }
0x412: {  	[tilespmem:s21], [sflag:$0x3] =	stream.indirect_vreg.gather [hbm4b:s6+s3], $0x80, v3, vm0, $0xb8;
	[tilespmem:$0x1F400] =	vst v63  }
0x413: {  	v3 =	vld [tilespmem:$0xB10];
	_ =	sdelay $0x4  }
0x414: {  	v45 =	vshrl.u32 v3, $0x3  }
0x415: {  	v4 =	vmul.u32 $0x30, v45  }
0x416: {  	v3 =	vand.u32 $0x7, v3  }
0x417: {  	v3 =	vor.u32 v3, v4  }
0x418: {  	v4 =	vperm.xlane v3, v0;
	_ =	sdelay $0x1  }
0x419: {  	v4 =	vadd.s32 v1, v4;
	_ =	sdelay $0x3  }
0x41a: {  	s4 =	simm.s32 $0x10400;
	v3 =	vperm.xlane v3, v2  }
0x41b: {  	[tilespmem:s4], [sflag:$0x3] =	stream.indirect_vreg.gather [hbm4b:s2+s3], $0x80, v4, vm0, $0xb8;
	[tilespmem:$0x1F400] =	vst v63  }
0x41c: {  	s21 =	simm.s32 $0x10C00;
	v3 =	vadd.s32 v1, v3  }
0x41d: {  	[tilespmem:s21], [sflag:$0x3] =	stream.indirect_vreg.gather [hbm4b:s5+s3], $0x80, v4, vm0, $0xb8;
	[tilespmem:$0x1F400] =	vst v63  }
0x41e: {  	s4 =	simm.s32 $0x11400  }
0x41f: {  	[tilespmem:s4], [sflag:$0x3] =	stream.indirect_vreg.gather [hbm4b:s6+s3], $0x80, v4, vm0, $0xb8;
	[tilespmem:$0x1F400] =	vst v63  }
0x420: {  	s21 =	simm.s32 $0x11C00  }
0x421: {  	[tilespmem:s21], [sflag:$0x3] =	stream.indirect_vreg.gather [hbm4b:s2+s3], $0x80, v3, vm0, $0xb8;
	[tilespmem:$0x1F400] =	vst v63  }
0x422: {  	s4 =	simm.s32 $0x12400  }
0x423: {  	[tilespmem:s4], [sflag:$0x3] =	stream.indirect_vreg.gather [hbm4b:s5+s3], $0x80, v3, vm0, $0xb8;
	[tilespmem:$0x1F400] =	vst v63  }
0x424: {  	s21 =	simm.s32 $0x12C00  }
0x425: {  	[tilespmem:s21], [sflag:$0x3] =	stream.indirect_vreg.gather [hbm4b:s6+s3], $0x80, v3, vm0, $0xb8;
	[tilespmem:$0x1F400] =	vst v63  }
0x426: {  	_ =	swait.ge [sflag:s9], $0x6000  }
0x427: {  	[sflag:s9] =	ssyncset.done $0x0  }
0x428: {  	s21 =	simm.s32 $0x19400;
	s4 =	rddreg [dreg:$0x1f];
	[sflag:s9] =	ssyncadd.s32 $0xFFFFA000  }
0x429: {  	[hbm4b:s4+s3] =	stream.linear.scatter [tilespmem:s21], [sflag:$0xA], $0x6000, $0x38;
	[tilespmem:$0x1F400] =	vst v63  }
0x42a: {  	_ =	swait.ge [sflag:s13], $0x6000  }
0x42b: {  	[sflag:s13] =	ssyncset.done $0x0  }
0x42c: {  	[sflag:s13] =	ssyncadd.s32 $0xFFFFA000  }
0x42d: {  	v3 =	vld [tilespmem:$0xB80];
	_ =	sdelay $0x4  }
0x42e: {  	v46 =	vshrl.u32 v3, $0x3  }
0x42f: {  	v4 =	vmul.u32 $0x30, v46  }
0x430: {  	v3 =	vand.u32 $0x7, v3  }
0x431: {  	v3 =	vor.u32 v3, v4  }
0x432: {  	v4 =	vperm.xlane v3, v0;
	_ =	sdelay $0x1  }
0x433: {  	v4 =	vadd.s32 v1, v4;
	_ =	sdelay $0x3  }
0x434: {  	v3 =	vperm.xlane v3, v2  }
0x435: {  	[tilespmem:s1], [sflag:$0x4] =	stream.indirect_vreg.gather [hbm4b:s2+s3], $0x80, v4, vm0, $0xb8;
	[tilespmem:$0x1F400] =	vst v63  }
0x436: {  	s4 =	simm.s32 $0x13C00;
	v3 =	vadd.s32 v1, v3  }
0x437: {  	[tilespmem:s4], [sflag:$0x4] =	stream.indirect_vreg.gather [hbm4b:s5+s3], $0x80, v4, vm0, $0xb8;
	[tilespmem:$0x1F400] =	vst v63  }
0x438: {  	s1 =	simm.s32 $0x14400  }
0x439: {  	[tilespmem:s1], [sflag:$0x4] =	stream.indirect_vreg.gather [hbm4b:s6+s3], $0x80, v4, vm0, $0xb8;
	[tilespmem:$0x1F400] =	vst v63  }
0x43a: {  	s4 =	simm.s32 $0x14C00  }
0x43b: {  	[tilespmem:s4], [sflag:$0x4] =	stream.indirect_vreg.gather [hbm4b:s2+s3], $0x80, v3, vm0, $0xb8;
	[tilespmem:$0x1F400] =	vst v63  }
0x43c: {  	s1 =	simm.s32 $0x15400  }
0x43d: {  	[tilespmem:s1], [sflag:$0x4] =	stream.indirect_vreg.gather [hbm4b:s5+s3], $0x80, v3, vm0, $0xb8;
	[tilespmem:$0x1F400] =	vst v63  }
0x43e: {  	_ = 	snop  }
0x43f: {  	[tilespmem:s18], [sflag:$0x4] =	stream.indirect_vreg.gather [hbm4b:s6+s3], $0x80, v3, vm0, $0xb8;
	[tilespmem:$0x1F400] =	vst v63  }
0x440: {  	v3 =	vld [tilespmem:$0xB90];
	_ =	sdelay $0x4  }
0x441: {  	v47 =	vshrl.u32 v3, $0x3  }
0x442: {  	v4 =	vmul.u32 $0x30, v47  }
0x443: {  	v3 =	vand.u32 $0x7, v3  }
0x444: {  	v3 =	vor.u32 v3, v4  }
0x445: {  	v4 =	vperm.xlane v3, v0;
	_ =	sdelay $0x1  }
0x446: {  	v4 =	vadd.s32 v1, v4;
	_ =	sdelay $0x3  }
0x447: {  	s4 =	simm.s32 $0x16400;
	v3 =	vperm.xlane v3, v2  }
0x448: {  	[tilespmem:s4], [sflag:$0x4] =	stream.indirect_vreg.gather [hbm4b:s2+s3], $0x80, v4, vm0, $0xb8;
	[tilespmem:$0x1F400] =	vst v63  }
0x449: {  	s18 =	simm.s32 $0x16C00;
	v3 =	vadd.s32 v1, v3  }
0x44a: {  	[tilespmem:s18], [sflag:$0x4] =	stream.indirect_vreg.gather [hbm4b:s5+s3], $0x80, v4, vm0, $0xb8;
	[tilespmem:$0x1F400] =	vst v63  }
0x44b: {  	s1 =	simm.s32 $0x17400  }
0x44c: {  	[tilespmem:s1], [sflag:$0x4] =	stream.indirect_vreg.gather [hbm4b:s6+s3], $0x80, v4, vm0, $0xb8;
	[tilespmem:$0x1F400] =	vst v63  }
0x44d: {  	s4 =	simm.s32 $0x17C00  }
0x44e: {  	[tilespmem:s4], [sflag:$0x4] =	stream.indirect_vreg.gather [hbm4b:s2+s3], $0x80, v3, vm0, $0xb8;
	[tilespmem:$0x1F400] =	vst v63  }
0x44f: {  	s18 =	simm.s32 $0x18400  }
0x450: {  	[tilespmem:s18], [sflag:$0x4] =	stream.indirect_vreg.gather [hbm4b:s5+s3], $0x80, v3, vm0, $0xb8;
	[tilespmem:$0x1F400] =	vst v63  }
0x451: {  	s1 =	simm.s32 $0x18C00  }
0x452: {  	[tilespmem:s1], [sflag:$0x4] =	stream.indirect_vreg.gather [hbm4b:s6+s3], $0x80, v3, vm0, $0xb8;
	[tilespmem:$0x1F400] =	vst v63  }
0x453: {  	_ =	swait.ge [sflag:s12], $0x6000  }
0x454: {  	s4 =	sld [smem:$0x7F7]  }
0x455: {  	[sflag:s12] =	ssyncset.done $0x0  }
0x456: {  	s1 =	simm.s32 $0x1400;
	[sflag:s12] =	ssyncadd.s32 $0xFFFFA000  }
0x457: {  	[hbm4b:s4+s3] =	stream.linear.scatter [tilespmem:s1], [sflag:$0x6], $0x6000, $0x38;
	[tilespmem:$0x1F400] =	vst v63  }
0x458: {  	_ =	swait.ge [sflag:s8], $0x6000  }
0x459: {  	[sflag:s8] =	ssyncset.done $0x0  }
0x45a: {  	[sflag:s8] =	ssyncadd.s32 $0xFFFFA000  }
0x45b: {  	v3 =	vld [tilespmem:$0xC00];
	_ =	sdelay $0x4  }
0x45c: {  	v48 =	vshrl.u32 v3, $0x3  }
0x45d: {  	v4 =	vmul.u32 $0x30, v48  }
0x45e: {  	v3 =	vand.u32 $0x7, v3  }
0x45f: {  	v3 =	vor.u32 v3, v4  }
0x460: {  	v4 =	vperm.xlane v3, v0;
	_ =	sdelay $0x1  }
0x461: {  	v4 =	vadd.s32 v1, v4;
	_ =	sdelay $0x3  }
0x462: {  	v3 =	vperm.xlane v3, v2  }
0x463: {  	[tilespmem:s21], [sflag:$0x5] =	stream.indirect_vreg.gather [hbm4b:s2+s3], $0x80, v4, vm0, $0xb8;
	[tilespmem:$0x1F400] =	vst v63  }
0x464: {  	v3 =	vadd.s32 v1, v3  }
0x465: {  	[tilespmem:s22], [sflag:$0x5] =	stream.indirect_vreg.gather [hbm4b:s5+s3], $0x80, v4, vm0, $0xb8;
	[tilespmem:$0x1F400] =	vst v63  }
0x466: {  	_ = 	snop  }
0x467: {  	[tilespmem:s26], [sflag:$0x5] =	stream.indirect_vreg.gather [hbm4b:s6+s3], $0x80, v4, vm0, $0xb8;
	[tilespmem:$0x1F400] =	vst v63  }
0x468: {  	_ = 	snop  }
0x469: {  	[tilespmem:s31], [sflag:$0x5] =	stream.indirect_vreg.gather [hbm4b:s2+s3], $0x80, v3, vm0, $0xb8;
	[tilespmem:$0x1F400] =	vst v63  }
0x46a: {  	_ = 	snop  }
0x46b: {  	[tilespmem:s15], [sflag:$0x5] =	stream.indirect_vreg.gather [hbm4b:s5+s3], $0x80, v3, vm0, $0xb8;
	[tilespmem:$0x1F400] =	vst v63  }
0x46c: {  	s15 =	simm.s32 $0x1BC00  }
0x46d: {  	[tilespmem:s15], [sflag:$0x5] =	stream.indirect_vreg.gather [hbm4b:s6+s3], $0x80, v3, vm0, $0xb8;
	[tilespmem:$0x1F400] =	vst v63  }
0x46e: {  	v3 =	vld [tilespmem:$0xC10];
	_ =	sdelay $0x4  }
0x46f: {  	v49 =	vshrl.u32 v3, $0x3  }
0x470: {  	v4 =	vmul.u32 $0x30, v49  }
0x471: {  	v3 =	vand.u32 $0x7, v3  }
0x472: {  	v3 =	vor.u32 v3, v4  }
0x473: {  	v4 =	vperm.xlane v3, v0;
	_ =	sdelay $0x1  }
0x474: {  	v4 =	vadd.s32 v1, v4;
	_ =	sdelay $0x3  }
0x475: {  	s21 =	simm.s32 $0x1C400;
	v3 =	vperm.xlane v3, v2  }
0x476: {  	[tilespmem:s21], [sflag:$0x5] =	stream.indirect_vreg.gather [hbm4b:s2+s3], $0x80, v4, vm0, $0xb8;
	[tilespmem:$0x1F400] =	vst v63  }
0x477: {  	s22 =	simm.s32 $0x1CC00;
	v3 =	vadd.s32 v1, v3  }
0x478: {  	[tilespmem:s22], [sflag:$0x5] =	stream.indirect_vreg.gather [hbm4b:s5+s3], $0x80, v4, vm0, $0xb8;
	[tilespmem:$0x1F400] =	vst v63  }
0x479: {  	s26 =	simm.s32 $0x1D400  }
0x47a: {  	[tilespmem:s26], [sflag:$0x5] =	stream.indirect_vreg.gather [hbm4b:s6+s3], $0x80, v4, vm0, $0xb8;
	[tilespmem:$0x1F400] =	vst v63  }
0x47b: {  	s15 =	simm.s32 $0x1DC00  }
0x47c: {  	[tilespmem:s15], [sflag:$0x5] =	stream.indirect_vreg.gather [hbm4b:s2+s3], $0x80, v3, vm0, $0xb8;
	[tilespmem:$0x1F400] =	vst v63  }
0x47d: {  	s4 =	simm.s32 $0x1E400  }
0x47e: {  	[tilespmem:s4], [sflag:$0x5] =	stream.indirect_vreg.gather [hbm4b:s5+s3], $0x80, v3, vm0, $0xb8;
	[tilespmem:$0x1F400] =	vst v63  }
0x47f: {  	s22 =	simm.s32 $0x1EC00  }
0x480: {  	[tilespmem:s22], [sflag:$0x5] =	stream.indirect_vreg.gather [hbm4b:s6+s3], $0x80, v3, vm0, $0xb8;
	[tilespmem:$0x1F400] =	vst v63  }
0x481: {  	_ =	swait.ge [sflag:s10], $0x6000  }
0x482: {  	s26 =	sld [smem:$0x7F8]  }
0x483: {  	[sflag:s10] =	ssyncset.done $0x0  }
0x484: {  	s4 =	simm.s32 $0x7400;
	[sflag:s10] =	ssyncadd.s32 $0xFFFFA000  }
0x485: {  	[hbm4b:s26+s3] =	stream.linear.scatter [tilespmem:s4], [sflag:$0x7], $0x6000, $0x38;
	[tilespmem:$0x1F400] =	vst v63  }
0x486: {  	_ =	swait.ge [sflag:s11], $0x6000  }
0x487: {  	[sflag:s11] =	ssyncset.done $0x0  }
0x488: {  	[sflag:s11] =	ssyncadd.s32 $0xFFFFA000  }
0x489: {  	v3 =	vld [tilespmem:$0xC80];
	_ =	sdelay $0x4  }
0x48a: {  	v50 =	vshrl.u32 v3, $0x3  }
0x48b: {  	v4 =	vmul.u32 $0x30, v50  }
0x48c: {  	v3 =	vand.u32 $0x7, v3  }
0x48d: {  	v3 =	vor.u32 v3, v4  }
0x48e: {  	v4 =	vperm.xlane v3, v0;
	_ =	sdelay $0x1  }
0x48f: {  	v4 =	vadd.s32 v1, v4;
	_ =	sdelay $0x3  }
0x490: {  	v3 =	vperm.xlane v3, v2  }
0x491: {  	[tilespmem:s1], [sflag:$0x1] =	stream.indirect_vreg.gather [hbm4b:s2+s3], $0x80, v4, vm0, $0xb8;
	[tilespmem:$0x1F400] =	vst v63  }
0x492: {  	v3 =	vadd.s32 v1, v3  }
0x493: {  	[tilespmem:s30], [sflag:$0x1] =	stream.indirect_vreg.gather [hbm4b:s5+s3], $0x80, v4, vm0, $0xb8;
	[tilespmem:$0x1F400] =	vst v63  }
0x494: {  	s22 =	simm.s32 $0x2400  }
0x495: {  	[tilespmem:s22], [sflag:$0x1] =	stream.indirect_vreg.gather [hbm4b:s6+s3], $0x80, v4, vm0, $0xb8;
	[tilespmem:$0x1F400] =	vst v63  }
0x496: {  	s26 =	simm.s32 $0x2C00  }
0x497: {  	[tilespmem:s26], [sflag:$0x1] =	stream.indirect_vreg.gather [hbm4b:s2+s3], $0x80, v3, vm0, $0xb8;
	[tilespmem:$0x1F400] =	vst v63  }
0x498: {  	s22 =	simm.s32 $0x3400  }
0x499: {  	[tilespmem:s22], [sflag:$0x1] =	stream.indirect_vreg.gather [hbm4b:s5+s3], $0x80, v3, vm0, $0xb8;
	[tilespmem:$0x1F400] =	vst v63  }
0x49a: {  	_ = 	snop  }
0x49b: {  	[tilespmem:s23], [sflag:$0x1] =	stream.indirect_vreg.gather [hbm4b:s6+s3], $0x80, v3, vm0, $0xb8;
	[tilespmem:$0x1F400] =	vst v63  }
0x49c: {  	v3 =	vld [tilespmem:$0xC90];
	_ =	sdelay $0x4  }
0x49d: {  	v51 =	vshrl.u32 v3, $0x3  }
0x49e: {  	v4 =	vmul.u32 $0x30, v51  }
0x49f: {  	v3 =	vand.u32 $0x7, v3  }
0x4a0: {  	v3 =	vor.u32 v3, v4  }
0x4a1: {  	v4 =	vperm.xlane v3, v0;
	_ =	sdelay $0x1  }
0x4a2: {  	v4 =	vadd.s32 v1, v4;
	_ =	sdelay $0x3  }
0x4a3: {  	v3 =	vperm.xlane v3, v2  }
0x4a4: {  	[tilespmem:s25], [sflag:$0x1] =	stream.indirect_vreg.gather [hbm4b:s2+s3], $0x80, v4, vm0, $0xb8;
	[tilespmem:$0x1F400] =	vst v63  }
0x4a5: {  	s23 =	simm.s32 $0x4C00;
	v3 =	vadd.s32 v1, v3  }
0x4a6: {  	[tilespmem:s23], [sflag:$0x1] =	stream.indirect_vreg.gather [hbm4b:s5+s3], $0x80, v4, vm0, $0xb8;
	[tilespmem:$0x1F400] =	vst v63  }
0x4a7: {  	s25 =	simm.s32 $0x5400  }
0x4a8: {  	[tilespmem:s25], [sflag:$0x1] =	stream.indirect_vreg.gather [hbm4b:s6+s3], $0x80, v4, vm0, $0xb8;
	[tilespmem:$0x1F400] =	vst v63  }
0x4a9: {  	s23 =	simm.s32 $0x5C00  }
0x4aa: {  	[tilespmem:s23], [sflag:$0x1] =	stream.indirect_vreg.gather [hbm4b:s2+s3], $0x80, v3, vm0, $0xb8;
	[tilespmem:$0x1F400] =	vst v63  }
0x4ab: {  	_ = 	snop  }
0x4ac: {  	[tilespmem:s24], [sflag:$0x1] =	stream.indirect_vreg.gather [hbm4b:s5+s3], $0x80, v3, vm0, $0xb8;
	[tilespmem:$0x1F400] =	vst v63  }
0x4ad: {  	_ = 	snop  }
0x4ae: {  	[tilespmem:s28], [sflag:$0x1] =	stream.indirect_vreg.gather [hbm4b:s6+s3], $0x80, v3, vm0, $0xb8;
	[tilespmem:$0x1F400] =	vst v63  }
0x4af: {  	_ =	swait.ge [sflag:s14], $0x6000  }
0x4b0: {  	s24 =	sld [smem:$0x7F9]  }
0x4b1: {  	[sflag:s14] =	ssyncset.done $0x0  }
0x4b2: {  	s28 =	simm.s32 $0xD400;
	[sflag:s14] =	ssyncadd.s32 $0xFFFFA000  }
0x4b3: {  	[hbm4b:s24+s3] =	stream.linear.scatter [tilespmem:s28], [sflag:$0x8], $0x6000, $0x38;
	[tilespmem:$0x1F400] =	vst v63  }
0x4b4: {  	_ =	swait.ge [sflag:s7], $0x6000  }
0x4b5: {  	[sflag:s7] =	ssyncset.done $0x0  }
0x4b6: {  	[sflag:s7] =	ssyncadd.s32 $0xFFFFA000  }
0x4b7: {  	v3 =	vld [tilespmem:$0xD00];
	_ =	sdelay $0x4  }
0x4b8: {  	v52 =	vshrl.u32 v3, $0x3  }
0x4b9: {  	v4 =	vmul.u32 $0x30, v52  }
0x4ba: {  	v3 =	vand.u32 $0x7, v3  }
0x4bb: {  	v3 =	vor.u32 v3, v4  }
0x4bc: {  	v4 =	vperm.xlane v3, v0;
	_ =	sdelay $0x1  }
0x4bd: {  	v4 =	vadd.s32 v1, v4;
	_ =	sdelay $0x3  }
0x4be: {  	v3 =	vperm.xlane v3, v2  }
0x4bf: {  	[tilespmem:s4], [sflag:$0x2] =	stream.indirect_vreg.gather [hbm4b:s2+s3], $0x80, v4, vm0, $0xb8;
	[tilespmem:$0x1F400] =	vst v63  }
0x4c0: {  	v3 =	vadd.s32 v1, v3  }
0x4c1: {  	[tilespmem:s20], [sflag:$0x2] =	stream.indirect_vreg.gather [hbm4b:s5+s3], $0x80, v4, vm0, $0xb8;
	[tilespmem:$0x1F400] =	vst v63  }
0x4c2: {  	s4 =	simm.s32 $0x8400  }
0x4c3: {  	[tilespmem:s4], [sflag:$0x2] =	stream.indirect_vreg.gather [hbm4b:s6+s3], $0x80, v4, vm0, $0xb8;
	[tilespmem:$0x1F400] =	vst v63  }
0x4c4: {  	s4 =	simm.s32 $0x8C00  }
0x4c5: {  	[tilespmem:s4], [sflag:$0x2] =	stream.indirect_vreg.gather [hbm4b:s2+s3], $0x80, v3, vm0, $0xb8;
	[tilespmem:$0x1F400] =	vst v63  }
0x4c6: {  	s4 =	simm.s32 $0x9400  }
0x4c7: {  	[tilespmem:s4], [sflag:$0x2] =	stream.indirect_vreg.gather [hbm4b:s5+s3], $0x80, v3, vm0, $0xb8;
	[tilespmem:$0x1F400] =	vst v63  }
0x4c8: {  	_ = 	snop  }
0x4c9: {  	[tilespmem:s19], [sflag:$0x2] =	stream.indirect_vreg.gather [hbm4b:s6+s3], $0x80, v3, vm0, $0xb8;
	[tilespmem:$0x1F400] =	vst v63  }
0x4ca: {  	v3 =	vld [tilespmem:$0xD10];
	_ =	sdelay $0x4  }
0x4cb: {  	v53 =	vshrl.u32 v3, $0x3  }
0x4cc: {  	v4 =	vmul.u32 $0x30, v53  }
0x4cd: {  	v3 =	vand.u32 $0x7, v3  }
0x4ce: {  	v3 =	vor.u32 v3, v4  }
0x4cf: {  	v4 =	vperm.xlane v3, v0;
	_ =	sdelay $0x1  }
0x4d0: {  	v4 =	vadd.s32 v1, v4;
	_ =	sdelay $0x3  }
0x4d1: {  	v3 =	vperm.xlane v3, v2  }
0x4d2: {  	[tilespmem:s29], [sflag:$0x2] =	stream.indirect_vreg.gather [hbm4b:s2+s3], $0x80, v4, vm0, $0xb8;
	[tilespmem:$0x1F400] =	vst v63  }
0x4d3: {  	s4 =	simm.s32 $0xAC00;
	v3 =	vadd.s32 v1, v3  }
0x4d4: {  	[tilespmem:s4], [sflag:$0x2] =	stream.indirect_vreg.gather [hbm4b:s5+s3], $0x80, v4, vm0, $0xb8;
	[tilespmem:$0x1F400] =	vst v63  }
0x4d5: {  	s19 =	simm.s32 $0xB400  }
0x4d6: {  	[tilespmem:s19], [sflag:$0x2] =	stream.indirect_vreg.gather [hbm4b:s6+s3], $0x80, v4, vm0, $0xb8;
	[tilespmem:$0x1F400] =	vst v63  }
0x4d7: {  	s4 =	simm.s32 $0xBC00  }
0x4d8: {  	[tilespmem:s4], [sflag:$0x2] =	stream.indirect_vreg.gather [hbm4b:s2+s3], $0x80, v3, vm0, $0xb8;
	[tilespmem:$0x1F400] =	vst v63  }
0x4d9: {  	s19 =	simm.s32 $0xC400  }
0x4da: {  	[tilespmem:s19], [sflag:$0x2] =	stream.indirect_vreg.gather [hbm4b:s5+s3], $0x80, v3, vm0, $0xb8;
	[tilespmem:$0x1F400] =	vst v63  }
0x4db: {  	s4 =	simm.s32 $0xCC00  }
0x4dc: {  	[tilespmem:s4], [sflag:$0x2] =	stream.indirect_vreg.gather [hbm4b:s6+s3], $0x80, v3, vm0, $0xb8;
	[tilespmem:$0x1F400] =	vst v63  }
0x4dd: {  	_ =	swait.ge [sflag:s16], $0x6000  }
0x4de: {  	s19 =	sld [smem:$0x7FA]  }
0x4df: {  	[sflag:s16] =	ssyncset.done $0x0  }
0x4e0: {  	s4 =	simm.s32 $0x13400;
	[sflag:s16] =	ssyncadd.s32 $0xFFFFA000  }
0x4e1: {  	[hbm4b:s19+s3] =	stream.linear.scatter [tilespmem:s4], [sflag:$0x9], $0x6000, $0x38;
	[tilespmem:$0x1F400] =	vst v63  }
0x4e2: {  	_ =	swait.ge [sflag:s17], $0x6000  }
0x4e3: {  	[sflag:s17] =	ssyncset.done $0x0  }
0x4e4: {  	[sflag:s17] =	ssyncadd.s32 $0xFFFFA000  }
0x4e5: {  	v3 =	vld [tilespmem:$0xD80];
	_ =	sdelay $0x4  }
0x4e6: {  	v54 =	vshrl.u32 v3, $0x3  }
0x4e7: {  	v4 =	vmul.u32 $0x30, v54  }
0x4e8: {  	v3 =	vand.u32 $0x7, v3  }
0x4e9: {  	v3 =	vor.u32 v3, v4  }
0x4ea: {  	v4 =	vperm.xlane v3, v0;
	_ =	sdelay $0x1  }
0x4eb: {  	v4 =	vadd.s32 v1, v4;
	_ =	sdelay $0x3  }
0x4ec: {  	v3 =	vperm.xlane v3, v2  }
0x4ed: {  	[tilespmem:s28], [sflag:$0x3] =	stream.indirect_vreg.gather [hbm4b:s2+s3], $0x80, v4, vm0, $0xb8;
	[tilespmem:$0x1F400] =	vst v63  }
0x4ee: {  	s0 =	simm.s32 $0xDC00;
	v3 =	vadd.s32 v1, v3  }
0x4ef: {  	[tilespmem:s0], [sflag:$0x3] =	stream.indirect_vreg.gather [hbm4b:s5+s3], $0x80, v4, vm0, $0xb8;
	[tilespmem:$0x1F400] =	vst v63  }
0x4f0: {  	s0 =	simm.s32 $0xE400  }
0x4f1: {  	[tilespmem:s0], [sflag:$0x3] =	stream.indirect_vreg.gather [hbm4b:s6+s3], $0x80, v4, vm0, $0xb8;
	[tilespmem:$0x1F400] =	vst v63  }
0x4f2: {  	s0 =	simm.s32 $0xEC00  }
0x4f3: {  	[tilespmem:s0], [sflag:$0x3] =	stream.indirect_vreg.gather [hbm4b:s2+s3], $0x80, v3, vm0, $0xb8;
	[tilespmem:$0x1F400] =	vst v63  }
0x4f4: {  	s0 =	simm.s32 $0xF400  }
0x4f5: {  	[tilespmem:s0], [sflag:$0x3] =	stream.indirect_vreg.gather [hbm4b:s5+s3], $0x80, v3, vm0, $0xb8;
	[tilespmem:$0x1F400] =	vst v63  }
0x4f6: {  	s0 =	simm.s32 $0xFC00  }
0x4f7: {  	[tilespmem:s0], [sflag:$0x3] =	stream.indirect_vreg.gather [hbm4b:s6+s3], $0x80, v3, vm0, $0xb8;
	[tilespmem:$0x1F400] =	vst v63  }
0x4f8: {  	v3 =	vld [tilespmem:$0xD90];
	_ =	sdelay $0x4  }
0x4f9: {  	v55 =	vshrl.u32 v3, $0x3  }
0x4fa: {  	v4 =	vmul.u32 $0x30, v55  }
0x4fb: {  	v3 =	vand.u32 $0x7, v3  }
0x4fc: {  	v3 =	vor.u32 v3, v4  }
0x4fd: {  	v4 =	vperm.xlane v3, v0;
	_ =	sdelay $0x1  }
0x4fe: {  	v4 =	vadd.s32 v1, v4;
	_ =	sdelay $0x3  }
0x4ff: {  	s0 =	simm.s32 $0x10400;
	v3 =	vperm.xlane v3, v2  }
0x500: {  	[tilespmem:s0], [sflag:$0x3] =	stream.indirect_vreg.gather [hbm4b:s2+s3], $0x80, v4, vm0, $0xb8;
	[tilespmem:$0x1F400] =	vst v63  }
0x501: {  	v3 =	vadd.s32 v1, v3;
	s0 =	simm.s32 $0x10C00  }
0x502: {  	[tilespmem:s0], [sflag:$0x3] =	stream.indirect_vreg.gather [hbm4b:s5+s3], $0x80, v4, vm0, $0xb8;
	[tilespmem:$0x1F400] =	vst v63  }
0x503: {  	s0 =	simm.s32 $0x11400  }
0x504: {  	[tilespmem:s0], [sflag:$0x3] =	stream.indirect_vreg.gather [hbm4b:s6+s3], $0x80, v4, vm0, $0xb8;
	[tilespmem:$0x1F400] =	vst v63  }
0x505: {  	s0 =	simm.s32 $0x11C00  }
0x506: {  	[tilespmem:s0], [sflag:$0x3] =	stream.indirect_vreg.gather [hbm4b:s2+s3], $0x80, v3, vm0, $0xb8;
	[tilespmem:$0x1F400] =	vst v63  }
0x507: {  	s0 =	simm.s32 $0x12400  }
0x508: {  	[tilespmem:s0], [sflag:$0x3] =	stream.indirect_vreg.gather [hbm4b:s5+s3], $0x80, v3, vm0, $0xb8;
	[tilespmem:$0x1F400] =	vst v63  }
0x509: {  	s0 =	simm.s32 $0x12C00  }
0x50a: {  	[tilespmem:s0], [sflag:$0x3] =	stream.indirect_vreg.gather [hbm4b:s6+s3], $0x80, v3, vm0, $0xb8;
	[tilespmem:$0x1F400] =	vst v63  }
0x50b: {  	_ =	swait.ge [sflag:s9], $0x6000  }
0x50c: {  	s0 =	sld [smem:$0x7FB]  }
0x50d: {  	[sflag:s9] =	ssyncset.done $0x0  }
0x50e: {  	s18 =	simm.s32 $0x19400;
	[sflag:s9] =	ssyncadd.s32 $0xFFFFA000  }
0x50f: {  	[hbm4b:s0+s3] =	stream.linear.scatter [tilespmem:s18], [sflag:$0xA], $0x6000, $0x38;
	[tilespmem:$0x1F400] =	vst v63  }
0x510: {  	_ =	swait.ge [sflag:s13], $0x6000  }
0x511: {  	[sflag:s13] =	ssyncset.done $0x0  }
0x512: {  	[sflag:s13] =	ssyncadd.s32 $0xFFFFA000  }
0x513: {  	v3 =	vld [tilespmem:$0xE00];
	_ =	sdelay $0x4  }
0x514: {  	v56 =	vshrl.u32 v3, $0x3  }
0x515: {  	v4 =	vmul.u32 $0x30, v56  }
0x516: {  	v3 =	vand.u32 $0x7, v3  }
0x517: {  	v3 =	vor.u32 v3, v4  }
0x518: {  	v4 =	vperm.xlane v3, v0;
	_ =	sdelay $0x1  }
0x519: {  	v4 =	vadd.s32 v1, v4;
	_ =	sdelay $0x3  }
0x51a: {  	v3 =	vperm.xlane v3, v2  }
0x51b: {  	[tilespmem:s4], [sflag:$0x4] =	stream.indirect_vreg.gather [hbm4b:s2+s3], $0x80, v4, vm0, $0xb8;
	[tilespmem:$0x1F400] =	vst v63  }
0x51c: {  	s0 =	simm.s32 $0x13C00;
	v3 =	vadd.s32 v1, v3  }
0x51d: {  	[tilespmem:s0], [sflag:$0x4] =	stream.indirect_vreg.gather [hbm4b:s5+s3], $0x80, v4, vm0, $0xb8;
	[tilespmem:$0x1F400] =	vst v63  }
0x51e: {  	s0 =	simm.s32 $0x14400  }
0x51f: {  	[tilespmem:s0], [sflag:$0x4] =	stream.indirect_vreg.gather [hbm4b:s6+s3], $0x80, v4, vm0, $0xb8;
	[tilespmem:$0x1F400] =	vst v63  }
0x520: {  	s0 =	simm.s32 $0x14C00  }
0x521: {  	[tilespmem:s0], [sflag:$0x4] =	stream.indirect_vreg.gather [hbm4b:s2+s3], $0x80, v3, vm0, $0xb8;
	[tilespmem:$0x1F400] =	vst v63  }
0x522: {  	s0 =	simm.s32 $0x15400  }
0x523: {  	[tilespmem:s0], [sflag:$0x4] =	stream.indirect_vreg.gather [hbm4b:s5+s3], $0x80, v3, vm0, $0xb8;
	[tilespmem:$0x1F400] =	vst v63  }
0x524: {  	s0 =	simm.s32 $0x15C00  }
0x525: {  	[tilespmem:s0], [sflag:$0x4] =	stream.indirect_vreg.gather [hbm4b:s6+s3], $0x80, v3, vm0, $0xb8;
	[tilespmem:$0x1F400] =	vst v63  }
0x526: {  	v3 =	vld [tilespmem:$0xE10];
	_ =	sdelay $0x4  }
0x527: {  	v57 =	vshrl.u32 v3, $0x3  }
0x528: {  	v4 =	vmul.u32 $0x30, v57  }
0x529: {  	v3 =	vand.u32 $0x7, v3  }
0x52a: {  	v3 =	vor.u32 v3, v4  }
0x52b: {  	v4 =	vperm.xlane v3, v0;
	_ =	sdelay $0x1  }
0x52c: {  	v4 =	vadd.s32 v1, v4;
	_ =	sdelay $0x3  }
0x52d: {  	s0 =	simm.s32 $0x16400;
	v3 =	vperm.xlane v3, v2  }
0x52e: {  	[tilespmem:s0], [sflag:$0x4] =	stream.indirect_vreg.gather [hbm4b:s2+s3], $0x80, v4, vm0, $0xb8;
	[tilespmem:$0x1F400] =	vst v63  }
0x52f: {  	v3 =	vadd.s32 v1, v3;
	s0 =	simm.s32 $0x16C00  }
0x530: {  	[tilespmem:s0], [sflag:$0x4] =	stream.indirect_vreg.gather [hbm4b:s5+s3], $0x80, v4, vm0, $0xb8;
	[tilespmem:$0x1F400] =	vst v63  }
0x531: {  	s0 =	simm.s32 $0x17400  }
0x532: {  	[tilespmem:s0], [sflag:$0x4] =	stream.indirect_vreg.gather [hbm4b:s6+s3], $0x80, v4, vm0, $0xb8;
	[tilespmem:$0x1F400] =	vst v63  }
0x533: {  	s0 =	simm.s32 $0x17C00  }
0x534: {  	[tilespmem:s0], [sflag:$0x4] =	stream.indirect_vreg.gather [hbm4b:s2+s3], $0x80, v3, vm0, $0xb8;
	[tilespmem:$0x1F400] =	vst v63  }
0x535: {  	s0 =	simm.s32 $0x18400  }
0x536: {  	[tilespmem:s0], [sflag:$0x4] =	stream.indirect_vreg.gather [hbm4b:s5+s3], $0x80, v3, vm0, $0xb8;
	[tilespmem:$0x1F400] =	vst v63  }
0x537: {  	s0 =	simm.s32 $0x18C00  }
0x538: {  	[tilespmem:s0], [sflag:$0x4] =	stream.indirect_vreg.gather [hbm4b:s6+s3], $0x80, v3, vm0, $0xb8;
	[tilespmem:$0x1F400] =	vst v63  }
0x539: {  	_ =	swait.ge [sflag:s12], $0x6000  }
0x53a: {  	s0 =	sld [smem:$0x7FC]  }
0x53b: {  	[sflag:s12] =	ssyncset.done $0x0  }
0x53c: {  	s1 =	simm.s32 $0x1400;
	[sflag:s12] =	ssyncadd.s32 $0xFFFFA000  }
0x53d: {  	[hbm4b:s0+s3] =	stream.linear.scatter [tilespmem:s1], [sflag:$0x6], $0x6000, $0x38;
	[tilespmem:$0x1F400] =	vst v63  }
0x53e: {  	_ =	swait.ge [sflag:s8], $0x6000  }
0x53f: {  	[sflag:s8] =	ssyncset.done $0x0  }
0x540: {  	[sflag:s8] =	ssyncadd.s32 $0xFFFFA000  }
0x541: {  	v3 =	vld [tilespmem:$0xE80];
	_ =	sdelay $0x4  }
0x542: {  	v58 =	vshrl.u32 v3, $0x3  }
0x543: {  	v4 =	vmul.u32 $0x30, v58  }
0x544: {  	v3 =	vand.u32 $0x7, v3  }
0x545: {  	v3 =	vor.u32 v3, v4  }
0x546: {  	v4 =	vperm.xlane v3, v0;
	_ =	sdelay $0x1  }
0x547: {  	v4 =	vadd.s32 v1, v4;
	_ =	sdelay $0x3  }
0x548: {  	v3 =	vperm.xlane v3, v2  }
0x549: {  	[tilespmem:s18], [sflag:$0x5] =	stream.indirect_vreg.gather [hbm4b:s2+s3], $0x80, v4, vm0, $0xb8;
	[tilespmem:$0x1F400] =	vst v63  }
0x54a: {  	s0 =	simm.s32 $0x19C00;
	v3 =	vadd.s32 v1, v3  }
0x54b: {  	[tilespmem:s0], [sflag:$0x5] =	stream.indirect_vreg.gather [hbm4b:s5+s3], $0x80, v4, vm0, $0xb8;
	[tilespmem:$0x1F400] =	vst v63  }
0x54c: {  	s0 =	simm.s32 $0x1A400  }
0x54d: {  	[tilespmem:s0], [sflag:$0x5] =	stream.indirect_vreg.gather [hbm4b:s6+s3], $0x80, v4, vm0, $0xb8;
	[tilespmem:$0x1F400] =	vst v63  }
0x54e: {  	s31 =	simm.s32 $0x1AC00  }
0x54f: {  	[tilespmem:s31], [sflag:$0x5] =	stream.indirect_vreg.gather [hbm4b:s2+s3], $0x80, v3, vm0, $0xb8;
	[tilespmem:$0x1F400] =	vst v63  }
0x550: {  	s0 =	simm.s32 $0x1B400  }
0x551: {  	[tilespmem:s0], [sflag:$0x5] =	stream.indirect_vreg.gather [hbm4b:s5+s3], $0x80, v3, vm0, $0xb8;
	[tilespmem:$0x1F400] =	vst v63  }
0x552: {  	s0 =	simm.s32 $0x1BC00  }
0x553: {  	[tilespmem:s0], [sflag:$0x5] =	stream.indirect_vreg.gather [hbm4b:s6+s3], $0x80, v3, vm0, $0xb8;
	[tilespmem:$0x1F400] =	vst v63  }
0x554: {  	v3 =	vld [tilespmem:$0xE90];
	_ =	sdelay $0x4  }
0x555: {  	v59 =	vshrl.u32 v3, $0x3  }
0x556: {  	v4 =	vmul.u32 $0x30, v59  }
0x557: {  	v3 =	vand.u32 $0x7, v3  }
0x558: {  	v3 =	vor.u32 v3, v4  }
0x559: {  	v4 =	vperm.xlane v3, v0;
	_ =	sdelay $0x1  }
0x55a: {  	v4 =	vadd.s32 v1, v4;
	_ =	sdelay $0x3  }
0x55b: {  	s0 =	simm.s32 $0x1C400;
	v3 =	vperm.xlane v3, v2  }
0x55c: {  	[tilespmem:s0], [sflag:$0x5] =	stream.indirect_vreg.gather [hbm4b:s2+s3], $0x80, v4, vm0, $0xb8;
	[tilespmem:$0x1F400] =	vst v63  }
0x55d: {  	s21 =	simm.s32 $0x1CC00;
	v3 =	vadd.s32 v1, v3  }
0x55e: {  	[tilespmem:s21], [sflag:$0x5] =	stream.indirect_vreg.gather [hbm4b:s5+s3], $0x80, v4, vm0, $0xb8;
	[tilespmem:$0x1F400] =	vst v63  }
0x55f: {  	s21 =	simm.s32 $0x1D400  }
0x560: {  	[tilespmem:s21], [sflag:$0x5] =	stream.indirect_vreg.gather [hbm4b:s6+s3], $0x80, v4, vm0, $0xb8;
	[tilespmem:$0x1F400] =	vst v63  }
0x561: {  	_ = 	snop  }
0x562: {  	[tilespmem:s15], [sflag:$0x5] =	stream.indirect_vreg.gather [hbm4b:s2+s3], $0x80, v3, vm0, $0xb8;
	[tilespmem:$0x1F400] =	vst v63  }
0x563: {  	s21 =	simm.s32 $0x1E400  }
0x564: {  	[tilespmem:s21], [sflag:$0x5] =	stream.indirect_vreg.gather [hbm4b:s5+s3], $0x80, v3, vm0, $0xb8;
	[tilespmem:$0x1F400] =	vst v63  }
0x565: {  	s15 =	simm.s32 $0x1EC00  }
0x566: {  	[tilespmem:s15], [sflag:$0x5] =	stream.indirect_vreg.gather [hbm4b:s6+s3], $0x80, v3, vm0, $0xb8;
	[tilespmem:$0x1F400] =	vst v63  }
0x567: {  	_ =	swait.ge [sflag:s10], $0x6000  }
0x568: {  	[sflag:s10] =	ssyncset.done $0x0  }
0x569: {  	s24 =	simm.s32 $0x7400;
	s21 =	rddreg [dreg:$0x8];
	[sflag:s10] =	ssyncadd.s32 $0xFFFFA000  }
0x56a: {  	[hbm4b:s21+s3] =	stream.linear.scatter [tilespmem:s24], [sflag:$0x7], $0x6000, $0x38;
	[tilespmem:$0x1F400] =	vst v63  }
0x56b: {  	_ =	swait.ge [sflag:s11], $0x6000  }
0x56c: {  	[sflag:s11] =	ssyncset.done $0x0  }
0x56d: {  	[sflag:s11] =	ssyncadd.s32 $0xFFFFA000  }
0x56e: {  	v3 =	vld [tilespmem:$0xF00];
	_ =	sdelay $0x4  }
0x56f: {  	v60 =	vshrl.u32 v3, $0x3  }
0x570: {  	v4 =	vmul.u32 $0x30, v60  }
0x571: {  	v3 =	vand.u32 $0x7, v3  }
0x572: {  	v3 =	vor.u32 v3, v4  }
0x573: {  	v4 =	vperm.xlane v3, v0;
	_ =	sdelay $0x1  }
0x574: {  	v4 =	vadd.s32 v1, v4;
	_ =	sdelay $0x3  }
0x575: {  	v3 =	vperm.xlane v3, v2  }
0x576: {  	[tilespmem:s1], [sflag:$0x1] =	stream.indirect_vreg.gather [hbm4b:s2+s3], $0x80, v4, vm0, $0xb8;
	[tilespmem:$0x1F400] =	vst v63  }
0x577: {  	s30 =	simm.s32 $0x1C00;
	v3 =	vadd.s32 v1, v3  }
0x578: {  	[tilespmem:s30], [sflag:$0x1] =	stream.indirect_vreg.gather [hbm4b:s5+s3], $0x80, v4, vm0, $0xb8;
	[tilespmem:$0x1F400] =	vst v63  }
0x579: {  	s15 =	simm.s32 $0x2400  }
0x57a: {  	[tilespmem:s15], [sflag:$0x1] =	stream.indirect_vreg.gather [hbm4b:s6+s3], $0x80, v4, vm0, $0xb8;
	[tilespmem:$0x1F400] =	vst v63  }
0x57b: {  	s21 =	simm.s32 $0x2C00  }
0x57c: {  	[tilespmem:s21], [sflag:$0x1] =	stream.indirect_vreg.gather [hbm4b:s2+s3], $0x80, v3, vm0, $0xb8;
	[tilespmem:$0x1F400] =	vst v63  }
0x57d: {  	s21 =	simm.s32 $0x3400  }
0x57e: {  	[tilespmem:s21], [sflag:$0x1] =	stream.indirect_vreg.gather [hbm4b:s5+s3], $0x80, v3, vm0, $0xb8;
	[tilespmem:$0x1F400] =	vst v63  }
0x57f: {  	s26 =	simm.s32 $0x3C00  }
0x580: {  	[tilespmem:s26], [sflag:$0x1] =	stream.indirect_vreg.gather [hbm4b:s6+s3], $0x80, v3, vm0, $0xb8;
	[tilespmem:$0x1F400] =	vst v63  }
0x581: {  	v3 =	vld [tilespmem:$0xF10];
	_ =	sdelay $0x4  }
0x582: {  	v61 =	vshrl.u32 v3, $0x3  }
0x583: {  	v4 =	vmul.u32 $0x30, v61  }
0x584: {  	v3 =	vand.u32 $0x7, v3  }
0x585: {  	v3 =	vor.u32 v3, v4  }
0x586: {  	v4 =	vperm.xlane v3, v0;
	_ =	sdelay $0x1  }
0x587: {  	v4 =	vadd.s32 v1, v4;
	_ =	sdelay $0x3  }
0x588: {  	s22 =	simm.s32 $0x4400;
	v3 =	vperm.xlane v3, v2  }
0x589: {  	[tilespmem:s22], [sflag:$0x1] =	stream.indirect_vreg.gather [hbm4b:s2+s3], $0x80, v4, vm0, $0xb8;
	[tilespmem:$0x1F400] =	vst v63  }
0x58a: {  	s21 =	simm.s32 $0x4C00;
	v3 =	vadd.s32 v1, v3  }
0x58b: {  	[tilespmem:s21], [sflag:$0x1] =	stream.indirect_vreg.gather [hbm4b:s5+s3], $0x80, v4, vm0, $0xb8;
	[tilespmem:$0x1F400] =	vst v63  }
0x58c: {  	s22 =	simm.s32 $0x5400  }
0x58d: {  	[tilespmem:s22], [sflag:$0x1] =	stream.indirect_vreg.gather [hbm4b:s6+s3], $0x80, v4, vm0, $0xb8;
	[tilespmem:$0x1F400] =	vst v63  }
0x58e: {  	s23 =	simm.s32 $0x5C00  }
0x58f: {  	[tilespmem:s23], [sflag:$0x1] =	stream.indirect_vreg.gather [hbm4b:s2+s3], $0x80, v3, vm0, $0xb8;
	[tilespmem:$0x1F400] =	vst v63  }
0x590: {  	s25 =	simm.s32 $0x6400  }
0x591: {  	[tilespmem:s25], [sflag:$0x1] =	stream.indirect_vreg.gather [hbm4b:s5+s3], $0x80, v3, vm0, $0xb8;
	[tilespmem:$0x1F400] =	vst v63  }
0x592: {  	s26 =	simm.s32 $0x6C00  }
0x593: {  	[tilespmem:s26], [sflag:$0x1] =	stream.indirect_vreg.gather [hbm4b:s6+s3], $0x80, v3, vm0, $0xb8;
	[tilespmem:$0x1F400] =	vst v63  }
0x594: {  	_ =	swait.ge [sflag:s14], $0x6000  }
0x595: {  	[sflag:s14] =	ssyncset.done $0x0  }
0x596: {  	s19 =	simm.s32 $0xD400;
	[sflag:s14] =	ssyncadd.s32 $0xFFFFA000;
	s14 =	rddreg [dreg:$0x9]  }
0x597: {  	[hbm4b:s14+s3] =	stream.linear.scatter [tilespmem:s19], [sflag:$0x8], $0x6000, $0x38;
	[tilespmem:$0x1F400] =	vst v63  }
0x598: {  	_ =	swait.ge [sflag:s7], $0x6000  }
0x599: {  	[sflag:s7] =	ssyncset.done $0x0  }
0x59a: {  	[sflag:s7] =	ssyncadd.s32 $0xFFFFA000  }
0x59b: {  	v3 =	vld [tilespmem:$0xF80];
	_ =	sdelay $0x4  }
0x59c: {  	v62 =	vshrl.u32 v3, $0x3  }
0x59d: {  	v4 =	vmul.u32 $0x30, v62  }
0x59e: {  	v3 =	vand.u32 $0x7, v3  }
0x59f: {  	v3 =	vor.u32 v3, v4  }
0x5a0: {  	v4 =	vperm.xlane v3, v0;
	_ =	sdelay $0x1  }
0x5a1: {  	v4 =	vadd.s32 v1, v4;
	_ =	sdelay $0x3  }
0x5a2: {  	v3 =	vperm.xlane v3, v2  }
0x5a3: {  	[tilespmem:s24], [sflag:$0x2] =	stream.indirect_vreg.gather [hbm4b:s2+s3], $0x80, v4, vm0, $0xb8;
	[tilespmem:$0x1F400] =	vst v63  }
0x5a4: {  	s20 =	simm.s32 $0x7C00;
	v3 =	vadd.s32 v1, v3  }
0x5a5: {  	[tilespmem:s20], [sflag:$0x2] =	stream.indirect_vreg.gather [hbm4b:s5+s3], $0x80, v4, vm0, $0xb8;
	[tilespmem:$0x1F400] =	vst v63  }
0x5a6: {  	s19 =	simm.s32 $0x8400  }
0x5a7: {  	[tilespmem:s19], [sflag:$0x2] =	stream.indirect_vreg.gather [hbm4b:s6+s3], $0x80, v4, vm0, $0xb8;
	[tilespmem:$0x1F400] =	vst v63  }
0x5a8: {  	s20 =	simm.s32 $0x8C00  }
0x5a9: {  	[tilespmem:s20], [sflag:$0x2] =	stream.indirect_vreg.gather [hbm4b:s2+s3], $0x80, v3, vm0, $0xb8;
	[tilespmem:$0x1F400] =	vst v63  }
0x5aa: {  	s22 =	simm.s32 $0x9400  }
0x5ab: {  	[tilespmem:s22], [sflag:$0x2] =	stream.indirect_vreg.gather [hbm4b:s5+s3], $0x80, v3, vm0, $0xb8;
	[tilespmem:$0x1F400] =	vst v63  }
0x5ac: {  	s26 =	simm.s32 $0x9C00  }
0x5ad: {  	[tilespmem:s26], [sflag:$0x2] =	stream.indirect_vreg.gather [hbm4b:s6+s3], $0x80, v3, vm0, $0xb8;
	[tilespmem:$0x1F400] =	vst v63  }
0x5ae: {  	v3 =	vld [tilespmem:$0xF90];
	_ =	sdelay $0x4  }
0x5af: {  	v63 =	vshrl.u32 v3, $0x3  }
0x5b0: {  	v4 =	vmul.u32 $0x30, v63  }
0x5b1: {  	v3 =	vand.u32 $0x7, v3  }
0x5b2: {  	v3 =	vor.u32 v3, v4  }
0x5b3: {  	v4 =	vperm.xlane v3, v0;
	_ =	sdelay $0x1  }
0x5b4: {  	v4 =	vadd.s32 v1, v4;
	_ =	sdelay $0x3  }
0x5b5: {  	s14 =	simm.s32 $0xA400;
	v3 =	vperm.xlane v3, v2  }
0x5b6: {  	[tilespmem:s14], [sflag:$0x2] =	stream.indirect_vreg.gather [hbm4b:s2+s3], $0x80, v4, vm0, $0xb8;
	[tilespmem:$0x1F400] =	vst v63  }
0x5b7: {  	s19 =	simm.s32 $0xAC00;
	v3 =	vadd.s32 v1, v3  }
0x5b8: {  	[tilespmem:s19], [sflag:$0x2] =	stream.indirect_vreg.gather [hbm4b:s5+s3], $0x80, v4, vm0, $0xb8;
	[tilespmem:$0x1F400] =	vst v63  }
0x5b9: {  	s20 =	simm.s32 $0xB400  }
0x5ba: {  	[tilespmem:s20], [sflag:$0x2] =	stream.indirect_vreg.gather [hbm4b:s6+s3], $0x80, v4, vm0, $0xb8;
	[tilespmem:$0x1F400] =	vst v63  }
0x5bb: {  	s22 =	simm.s32 $0xBC00  }
0x5bc: {  	[tilespmem:s22], [sflag:$0x2] =	stream.indirect_vreg.gather [hbm4b:s2+s3], $0x80, v3, vm0, $0xb8;
	[tilespmem:$0x1F400] =	vst v63  }
0x5bd: {  	s26 =	simm.s32 $0xC400  }
0x5be: {  	[tilespmem:s26], [sflag:$0x2] =	stream.indirect_vreg.gather [hbm4b:s5+s3], $0x80, v3, vm0, $0xb8;
	[tilespmem:$0x1F400] =	vst v63  }
0x5bf: {  	s14 =	simm.s32 $0xCC00  }
0x5c0: {  	[tilespmem:s14], [sflag:$0x2] =	stream.indirect_vreg.gather [hbm4b:s6+s3], $0x80, v3, vm0, $0xb8;
	[tilespmem:$0x1F400] =	vst v63  }
0x5c1: {  	_ =	swait.ge [sflag:s16], $0x6000  }
0x5c2: {  	[sflag:s16] =	ssyncset.done $0x0  }
0x5c3: {  	s4 =	simm.s32 $0x13400;
	s19 =	rddreg [dreg:$0xb];
	[sflag:s16] =	ssyncadd.s32 $0xFFFFA000  }
0x5c4: {  	[hbm4b:s19+s3] =	stream.linear.scatter [tilespmem:s4], [sflag:$0x9], $0x6000, $0x38;
	[tilespmem:$0x1F400] =	vst v63  }
0x5c5: {  	_ =	swait.ge [sflag:s9], $0x6000  }
0x5c6: {  	[sflag:s9] =	ssyncset.done $0x0  }
0x5c7: {  	s20 =	rddreg [dreg:$0xc];
	[sflag:s9] =	ssyncadd.s32 $0xFFFFA000  }
0x5c8: {  	[hbm4b:s20+s3] =	stream.linear.scatter [tilespmem:s18], [sflag:$0xA], $0x6000, $0x38;
	[tilespmem:$0x1F400] =	vst v63  }
0x5c9: {  	_ =	swait.ge [sflag:s12], $0x6000  }
0x5ca: {  	[sflag:s12] =	ssyncset.done $0x0  }
0x5cb: {  	s22 =	rddreg [dreg:$0xd];
	[sflag:s12] =	ssyncadd.s32 $0xFFFFA000  }
0x5cc: {  	[hbm4b:s22+s3] =	stream.linear.scatter [tilespmem:s1], [sflag:$0x6], $0x6000, $0x38;
	[tilespmem:$0x1F400] =	vst v63  }
0x5cd: {  	_ =	swait.ge [sflag:s10], $0x6000  }
0x5ce: {  	[sflag:s10] =	ssyncset.done $0x0  }
0x5cf: {  	s26 =	rddreg [dreg:$0xe];
	[sflag:s10] =	ssyncadd.s32 $0xFFFFA000  }
0x5d0: {  	[hbm4b:s26+s3] =	stream.linear.scatter [tilespmem:s24], [sflag:$0x7], $0x6000, $0x38;
	[tilespmem:$0x1F400] =	vst v63  }
0x5d1: {  	_ =	swait.ge [sflag:s17], $0x6000  }
0x5d2: {  	[sflag:s17] =	ssyncset.done $0x0  }
0x5d3: {  	[sflag:s17] =	ssyncadd.s32 $0xFFFFA000  }
0x5d4: {  	_ =	swait.ge [sflag:s13], $0x6000  }
0x5d5: {  	[sflag:s13] =	ssyncset.done $0x0  }
0x5d6: {  	[sflag:s13] =	ssyncadd.s32 $0xFFFFA000  }
0x5d7: {  	_ =	swait.ge [sflag:s8], $0x6000  }
0x5d8: {  	[sflag:s8] =	ssyncset.done $0x0  }
0x5d9: {  	[sflag:s8] =	ssyncadd.s32 $0xFFFFA000  }
0x5da: {  	_ =	swait.ge [sflag:s11], $0x6000  }
.Ltmp2:
0x5db: {  	[sflag:s11] =	ssyncset.done $0x0;
	(pc) =	sbr.rel @p0 .LBB2_3-.Ltmp2, $4  }
0x5dc: {  	s29 =	simm.s32 $0x3C00;
	s28 =	simm.s32 $0x3400;
	[sflag:s11] =	ssyncadd.s32 $0xFFFFA000  }
0x5dd: {  	s31 =	simm.s32 $0x4400;
	s30 =	simm.s32 $0x5400;
	_ =	swait.ge [sflag:s7], $0x6000  }
0x5de: {  	s15 =	simm.s32 $0x2C00;
	s21 =	simm.s32 $0x5C00;
	[sflag:s7] =	ssyncset.done $0x0  }
0x5df: {  	s23 =	simm.s32 $0x6400;
	s25 =	simm.s32 $0x6C00;
	[sflag:s7] =	ssyncadd.s32 $0xFFFFA000  }
0x5e0: {  	s0 =	rddreg [dreg:$0x6];
	s1 =	simm.s32 $0x1000;
	s20 =	simm.s32 $0xB  }
0x5e1: {  	[tilespmem:s1], [sflag:$0xB] =	stream.linear.gather [hbm4b:s0+s3], $0x80, $0x38;
	[tilespmem:$0x1F400] =	vst v63  }
0x5e2: {  	_ =	swait.ge [sflag:s20], $0x80  }
0x5e3: {  	[sflag:s20] =	ssyncset.done $0x0  }
0x5e4: {  	[sflag:s20] =	ssyncadd.s32 $0xFFFFFF80  }
0x5e5: {  	v3 =	vld [tilespmem:$0x1000];
	_ =	sdelay $0x4  }
0x5e6: {  	v4 =	vshrl.u32 v3, $0x3  }
0x5e7: {  	v4 =	vmul.u32 $0x30, v4  }
0x5e8: {  	v3 =	vand.u32 $0x7, v3  }
0x5e9: {  	v3 =	vor.u32 v3, v4  }
0x5ea: {  	v4 =	vperm.xlane v3, v0;
	_ =	sdelay $0x1  }
0x5eb: {  	v4 =	vadd.s32 v1, v4;
	_ =	sdelay $0x3  }
0x5ec: {  	s18 =	simm.s32 $0x1400;
	v3 =	vperm.xlane v3, v2  }
0x5ed: {  	[tilespmem:s18], [sflag:$0x1] =	stream.indirect_vreg.gather [hbm4b:s2+s3], $0x80, v4, vm0, $0xb8;
	[tilespmem:$0x1F400] =	vst v63  }
0x5ee: {  	s22 =	simm.s32 $0x1C00;
	v3 =	vadd.s32 v1, v3  }
0x5ef: {  	[tilespmem:s22], [sflag:$0x1] =	stream.indirect_vreg.gather [hbm4b:s5+s3], $0x80, v4, vm0, $0xb8;
	[tilespmem:$0x1F400] =	vst v63  }
0x5f0: {  	s26 =	simm.s32 $0x2400  }
0x5f1: {  	[tilespmem:s26], [sflag:$0x1] =	stream.indirect_vreg.gather [hbm4b:s6+s3], $0x80, v4, vm0, $0xb8;
	[tilespmem:$0x1F400] =	vst v63  }
0x5f2: {  	_ = 	snop  }
0x5f3: {  	[tilespmem:s15], [sflag:$0x1] =	stream.indirect_vreg.gather [hbm4b:s2+s3], $0x80, v3, vm0, $0xb8;
	[tilespmem:$0x1F400] =	vst v63  }
0x5f4: {  	_ = 	snop  }
0x5f5: {  	[tilespmem:s28], [sflag:$0x1] =	stream.indirect_vreg.gather [hbm4b:s5+s3], $0x80, v3, vm0, $0xb8;
	[tilespmem:$0x1F400] =	vst v63  }
0x5f6: {  	_ = 	snop  }
0x5f7: {  	[tilespmem:s29], [sflag:$0x1] =	stream.indirect_vreg.gather [hbm4b:s6+s3], $0x80, v3, vm0, $0xb8;
	[tilespmem:$0x1F400] =	vst v63  }
0x5f8: {  	v3 =	vld [tilespmem:$0x1010];
	_ =	sdelay $0x4  }
0x5f9: {  	v63 =	vshrl.u32 v3, $0x3  }
0x5fa: {  	v4 =	vmul.u32 $0x30, v63  }
0x5fb: {  	v3 =	vand.u32 $0x7, v3  }
0x5fc: {  	v3 =	vor.u32 v3, v4  }
0x5fd: {  	v4 =	vperm.xlane v3, v0;
	_ =	sdelay $0x1  }
0x5fe: {  	v4 =	vadd.s32 v1, v4;
	_ =	sdelay $0x3  }
0x5ff: {  	v3 =	vperm.xlane v3, v2  }
0x600: {  	[tilespmem:s31], [sflag:$0x1] =	stream.indirect_vreg.gather [hbm4b:s2+s3], $0x80, v4, vm0, $0xb8;
	[tilespmem:$0x1F400] =	vst v63  }
0x601: {  	s19 =	simm.s32 $0x4C00;
	v3 =	vadd.s32 v1, v3  }
0x602: {  	[tilespmem:s19], [sflag:$0x1] =	stream.indirect_vreg.gather [hbm4b:s5+s3], $0x80, v4, vm0, $0xb8;
	[tilespmem:$0x1F400] =	vst v63  }
0x603: {  	_ = 	snop  }
0x604: {  	[tilespmem:s30], [sflag:$0x1] =	stream.indirect_vreg.gather [hbm4b:s6+s3], $0x80, v4, vm0, $0xb8;
	[tilespmem:$0x1F400] =	vst v63  }
0x605: {  	_ = 	snop  }
0x606: {  	[tilespmem:s21], [sflag:$0x1] =	stream.indirect_vreg.gather [hbm4b:s2+s3], $0x80, v3, vm0, $0xb8;
	[tilespmem:$0x1F400] =	vst v63  }
0x607: {  	_ = 	snop  }
0x608: {  	[tilespmem:s23], [sflag:$0x1] =	stream.indirect_vreg.gather [hbm4b:s5+s3], $0x80, v3, vm0, $0xb8;
	[tilespmem:$0x1F400] =	vst v63  }
0x609: {  	s21 =	simm.s32 $0x1  }
0x60a: {  	[tilespmem:s25], [sflag:$0x1] =	stream.indirect_vreg.gather [hbm4b:s6+s3], $0x80, v3, vm0, $0xb8;
	[tilespmem:$0x1F400] =	vst v63  }
0x60b: {  	_ =	swait.ge [sflag:s21], $0x6000  }
0x60c: {  	[sflag:s21] =	ssyncset.done $0x0  }
0x60d: {  	s9 =	rddreg [dreg:$0x7];
	[sflag:s21] =	ssyncadd.s32 $0xFFFFA000  }
0x60e: {  	[hbm4b:s9+s3] =	stream.linear.scatter [tilespmem:s18], [sflag:$0xB], $0x80, $0x38;
	[tilespmem:$0x1F400] =	vst v63  }
0x60f: {  	s23 =	simm.s32 $0x1800;
	s19 =	sadd.s32 $0x80, s9  }
0x610: {  	[hbm4b:s19+s3] =	stream.linear.scatter [tilespmem:s23], [sflag:$0xB], $0x80, $0x38;
	[tilespmem:$0x1F400] =	vst v63  }
0x611: {  	s24 =	sadd.s32 $0x100, s9  }
0x612: {  	[hbm4b:s24+s3] =	stream.linear.scatter [tilespmem:s22], [sflag:$0xB], $0x80, $0x38;
	[tilespmem:$0x1F400] =	vst v63  }
0x613: {  	s28 =	simm.s32 $0x2000;
	s25 =	sadd.s32 $0x180, s9  }
0x614: {  	[hbm4b:s25+s3] =	stream.linear.scatter [tilespmem:s28], [sflag:$0xB], $0x80, $0x38;
	[tilespmem:$0x1F400] =	vst v63  }
0x615: {  	s29 =	sadd.s32 $0x200, s9  }
0x616: {  	[hbm4b:s29+s3] =	stream.linear.scatter [tilespmem:s26], [sflag:$0xB], $0x80, $0x38;
	[tilespmem:$0x1F400] =	vst v63  }
.Ltmp3:
0x617: {  	s31 =	simm.s32 $0x2800;
	s30 =	sadd.s32 $0x280, s9;
	(pc) =	sbr.rel .LBB2_3-.Ltmp3, $4  }
0x618: {  	[hbm4b:s30+s3] =	stream.linear.scatter [tilespmem:s31], [sflag:$0xB], $0x80, $0x38;
	[tilespmem:$0x1F400] =	vst v63  }
0x619: {  	_ =	swait.ge [sflag:s20], $0x300  }
0x61a: {  	[sflag:s20] =	ssyncset.done $0x0  }
0x61b: {  	[sflag:s20] =	ssyncadd.s32 $0xFFFFFD00  }
.LBB2_4:
0x61c: {  	_ =	sfence.sel $0x180000  }
0x61d: {  	[bflag:$0x0] =	sbarrier.arrive $0xFFFF  }
0x61e: {  	_ =	strace $0x90000047  }
0x61f: {  	s0 =	stileid.u32;
	[bflag:$0x2] =	sbarrier.arrive $0xFFFF  }
0x620: {  	p0 =	sne.s32 s0, $0x0;
	s0 =	rddreg [dreg:$0x3]  }
0x621: {  	s0 =	sadd.s32 @!p0 $0x100000, s0  }
0x622: {  	[sflag:s0] =	ssyncadd.tile.s32 @!p0 $0x1;
	_ =	shalt  }
.Lfunc_end2:
_tile_overlayer_lowered:
.L_overlay_start_2:
0x623: {  	(tag) =	ssettag $0x2  }
0x624: {  	s0 =	rddreg [dreg:$0x0];
	s2 =	stileid.u32  }
0x625: {  	s1 =	rddreg [dreg:$0x1];
	p0 =	sne.s32 s2, $0x0  }
0x626: {  	s3 =	rddreg [dreg:$0x2];
	[bflag:$0x3] =	sbarrier.arrive $0xFFFF;
	s2 =	simm.s32 @!p0 $0x1C0B  }
0x627: {  	[timem:s3], [sflag:s2] =	dma.local @!p0 [hbm:s0], s1  }
0x628: {  	s0 =	simm.s32 @!p0 $0xB  }
0x629: {  	_ =	swait.ge @!p0 [sflag:s0], s1  }
0x62a: {  	s1 =	ssub.s32 @!p0 $0x0, s1;
	[sflag:s0] =	ssyncset.done @!p0 $0x0  }
0x62b: {  	[sflag:s0] =	ssyncadd.s32 @!p0 s1  }
0x62c: {  	[bflag:$0x3] =	sbarrier.arrive $0xFFFF  }
0x62d: {  	_ =	shalt  }

</sc_bundles>
